<compile_context>
chip_gen: v7x
topology: tpu7x:2x2x1
jax: 0.10.2.dev20260603
libtpu: 0.0.44.dev20260713+nightly
codegen_flags: <defaults>
</compile_context>

<pallas_src>
import functools
import math

import jax
import jax.numpy as jnp
from jax import lax
from jax.experimental import pallas as pl
from jax.experimental.pallas import tpu as pltpu
from jax.experimental.pallas import tpu_sc as plsc

D_MODEL = 64
SCALE = math.sqrt(D_MODEL)

NW = 32
BPW = 128
NB_G = 2
NB_T = 4
LEAD = 2


def _make_kernel(Bb, S, V):
    mesh = plsc.VectorSubcoreMesh(core_axis_name="c", subcore_axis_name="s")

    @functools.partial(
        pl.kernel,
        mesh=mesh,
        out_type=jax.ShapeDtypeStruct((S, D_MODEL // 8, NW, 8, 128),
                                      jnp.float32),
        scratch_types=[
            pltpu.VMEM((S // 8, 1, 8, BPW), jnp.int32),
            [pltpu.VMEM((BPW, D_MODEL), jnp.float32) for _ in range(NB_G)],
            [pltpu.VMEM((D_MODEL // 8, 1, 8, 136), jnp.float32)
             for _ in range(NB_T)],
            [pltpu.SemaphoreType.DMA for _ in range(NB_G)],
            [pltpu.SemaphoreType.DMA for _ in range(NB_T)],
        ],
        compiler_params=pltpu.CompilerParams(use_tc_tiling_on_sc=False,
                                             needs_layout_passes=False),
    )
    def emb_kernel(xt_hbm, lut_hbm, out_hbm, idx_v, gbufs, tbufs,
                   gsems, osems):
        wid = lax.axis_index("s") * 2 + lax.axis_index("c")
        pltpu.sync_copy(xt_hbm.at[:, pl.ds(wid, 1)], idx_v)

        iota = lax.iota(jnp.int32, 16)
        dg_v = [(iota + d0) // 8 for d0 in range(0, D_MODEL, 16)]
        di_v = [(iota + d0) % 8 for d0 in range(0, D_MODEL, 16)]
        zero_v = jnp.zeros((16,), jnp.int32)

        def issue_gather(s, g):
            pltpu.async_copy(lut_hbm.at[idx_v.at[s >> 3, 0, s & 7]],
                             gbufs[g], gsems[g])

        for s in range(LEAD):
            issue_gather(s, s % NB_G)

        @pl.loop(0, S, step=NB_T)
        def block(s0):
            for k in range(NB_T):
                s = s0 + k
                g = k % NB_G
                gbuf, tbuf = gbufs[g], tbufs[k]
                pltpu.make_async_copy(
                    lut_hbm.at[idx_v.at[0, 0, 0]], gbuf, gsems[g]).wait()

                @pl.when(s >= NB_T)
                def _drain():
                    pltpu.make_async_copy(
                        tbufs[k].at[:, :, :, pl.ds(0, 128)],
                        out_hbm.at[0, :, pl.ds(0, 1)],
                        osems[k]).wait()

                @plsc.parallel_loop(0, BPW, unroll=8)
                def trow(b):
                    bs = jnp.full((16,), b, jnp.int32)
                    for j in range(D_MODEL // 16):
                        v = gbuf[b, pl.ds(j * 16, 16)] * SCALE
                        plsc.store_scatter(
                            tbuf, [dg_v[j], zero_v, di_v[j], bs], v)

                pltpu.async_copy(
                    tbuf.at[:, :, :, pl.ds(0, 128)],
                    out_hbm.at[s, :, pl.ds(wid, 1)],
                    osems[k])

                @pl.when(s < S - LEAD)
                def _issue():
                    issue_gather(s + LEAD, g)

        for k in range(NB_T):
            pltpu.make_async_copy(
                tbufs[k].at[:, :, :, pl.ds(0, 128)],
                out_hbm.at[0, :, pl.ds(0, 1)], osems[k]).wait()

    return emb_kernel


def kernel(x, lut):
    Bb, S = x.shape
    V, Dm = lut.shape
    x4 = (jnp.swapaxes(x.astype(jnp.int32), 0, 1)
          .reshape(S // 8, 8, NW, BPW)
          .swapaxes(1, 2))
    out5 = _make_kernel(Bb, S, V)(x4, lut)
    y = out5.transpose(2, 4, 0, 1, 3).reshape(Bb, S, Dm)
    return y

# --- scband reference (transcript-rebuilt; emitter-appended) ---
"""Pipeline reference for scband-embeddings-26482768347233 (READ-ONLY COPY).

The authoritative reference and input builder live on the scoring server;
editing this copy changes nothing except your own understanding.
"""

import jax, jax.numpy as jnp
import numpy as np
import math

D_MODEL = 64
VOCAB = 1000000

def setup_inputs(seed: int = 0) -> dict:
    key = jax.random.key(seed)
    k1, k2 = jax.random.split(key)
    x = jax.random.randint(k1, (4096, 200), 0, VOCAB, dtype=jnp.int64) if jax.config.jax_enable_x64 else jax.random.randint(k1, (4096, 200), 0, VOCAB, dtype=jnp.int32)
    lut = jax.random.normal(k2, (VOCAB, D_MODEL), dtype=jnp.float32)
    return {"x": x, "lut": lut}

def reference(x, lut):
    # Embedding lookup followed by sqrt(d_model) scaling, faithful to nn.Embedding forward
    emb = jnp.take(lut, x, axis=0)  # (batch, seq_len, d_model)
    return emb * math.sqrt(D_MODEL)

if __name__ == "__main__":
    import jax
    _d = setup_inputs()
    print(jax.jit(kernel)(*tuple(_d.values())))

</pallas_src>

<mosaic_0001>
#map = affine_map<(d0, d1) -> (0, 0, 0, 0)>
#map1 = affine_map<(d0, d1) -> (0, 0)>
#map2 = affine_map<(d0, d1) -> (0, 0, 0, 0, 0)>
module attributes {stable_mosaic.version = 14 : i64} {
  func.func @emb_kernel(%arg0: i32, %arg1: i32, %arg2: memref<25x32x8x128xi32, #tpu.memory_space<hbm>>, %arg3: memref<1000000x64xf32, #tpu.memory_space<hbm>>, %arg4: memref<200x8x32x8x128xf32, #tpu.memory_space<hbm>>, %arg5: memref<25x1x8x128xi32, #tpu.memory_space<vmem>>, %arg6: memref<128x64xf32, #tpu.memory_space<vmem>>, %arg7: memref<128x64xf32, #tpu.memory_space<vmem>>, %arg8: memref<8x1x8x136xf32, #tpu.memory_space<vmem>>, %arg9: memref<8x1x8x136xf32, #tpu.memory_space<vmem>>, %arg10: memref<8x1x8x136xf32, #tpu.memory_space<vmem>>, %arg11: memref<8x1x8x136xf32, #tpu.memory_space<vmem>>, %arg12: memref<!tpu.dma_semaphore, #tpu.memory_space<semaphore_mem>>, %arg13: memref<!tpu.dma_semaphore, #tpu.memory_space<semaphore_mem>>, %arg14: memref<!tpu.dma_semaphore, #tpu.memory_space<semaphore_mem>>, %arg15: memref<!tpu.dma_semaphore, #tpu.memory_space<semaphore_mem>>, %arg16: memref<!tpu.dma_semaphore, #tpu.memory_space<semaphore_mem>>, %arg17: memref<!tpu.dma_semaphore, #tpu.memory_space<semaphore_mem>>) attributes {dimension_semantics = [#tpu.dimension_semantics<core_parallel>, #tpu.dimension_semantics<subcore_parallel>], iteration_bounds = array<i64: 2, 16>, scalar_prefetch = 0 : i64, scratch_operands = 13 : i64, tpu.core_type = #tpu.core_type<sc_vector_subcore>, window_params = [{transform_indices = #map}, {transform_indices = #map1}, {transform_indices = #map2}]} {
    %mul3A = arith.constant 2 : i32
    %mul3A_0 = arith.muli %arg1, %mul3A : i32
    %add3A = arith.addi %mul3A_0, %arg0 : i32
    "tpu.region"() ({
      %run_scoped3A = tpu.sem_alloc : memref<!tpu.dma_semaphore, #tpu.memory_space<semaphore_mem>>
      %dma_start3A_340 = arith.constant 0 : i32
      %dma_start3A_341 = arith.constant 0 : i32
      %dma_start3A_342 = arith.constant 0 : i32
      %dma_start3A_343 = tpu.memref_slice %arg2[%dma_start3A_340, %add3A, %dma_start3A_341, %dma_start3A_342] : memref<25x32x8x128xi32, #tpu.memory_space<hbm>> -> memref<25x1x8x128xi32, #tpu.memory_space<hbm>>
      %dma_start3A_344 = arith.constant 0 : i32
      %dma_start3A_345 = arith.constant 0 : i32
      %dma_start3A_346 = arith.constant 0 : i32
      %dma_start3A_347 = tpu.memref_slice %arg2[%dma_start3A_344, %add3A, %dma_start3A_345, %dma_start3A_346] : memref<25x32x8x128xi32, #tpu.memory_space<hbm>> -> memref<25x1x8x128xi32, #tpu.memory_space<hbm>>
      tpu.enqueue_dma source(%dma_start3A_347 : memref<25x1x8x128xi32, #tpu.memory_space<hbm>>) target(%arg5 : memref<25x1x8x128xi32, #tpu.memory_space<vmem>>) target_semaphore(%run_scoped3A : memref<!tpu.dma_semaphore, #tpu.memory_space<semaphore_mem>>)
      %dma_wait3A_348 = arith.constant 0 : i32
      %dma_wait3A_349 = arith.constant 0 : i32
      %dma_wait3A_350 = arith.constant 0 : i32
      %dma_wait3A_351 = tpu.memref_slice %arg2[%dma_wait3A_348, %add3A, %dma_wait3A_349, %dma_wait3A_350] : memref<25x32x8x128xi32, #tpu.memory_space<hbm>> -> memref<25x1x8x128xi32, #tpu.memory_space<hbm>>
      %dma_wait3A_352 = arith.constant 0 : i32
      %dma_wait3A_353 = arith.constant 0 : i32
      %dma_wait3A_354 = arith.constant 0 : i32
      %dma_wait3A_355 = tpu.memref_slice %arg2[%dma_wait3A_352, %add3A, %dma_wait3A_353, %dma_wait3A_354] : memref<25x32x8x128xi32, #tpu.memory_space<hbm>> -> memref<25x1x8x128xi32, #tpu.memory_space<hbm>>
      tpu.wait_dma2 semaphore(%run_scoped3A : memref<!tpu.dma_semaphore, #tpu.memory_space<semaphore_mem>>) src(%dma_wait3A_355 : memref<25x1x8x128xi32, #tpu.memory_space<hbm>>) dst(%arg5 : memref<25x1x8x128xi32, #tpu.memory_space<vmem>>)
      tpu.yield
    }) : () -> ()
    %iota3A = tpu.iota {dimensions = array<i32: 0>} : vector<16xi32>
    %add3A_1 = arith.constant 0 : i32
    %add3A_2 = vector.broadcast %add3A_1 : i32 to vector<16xi32>
    %add3A_3 = arith.addi %iota3A, %add3A_2 : vector<16xi32>
    %jit3A = arith.constant 8 : i32
    %div3A = vector.broadcast %jit3A : i32 to vector<16xi32>
    %div3A_4 = arith.divsi %add3A_3, %div3A : vector<16xi32>
    %sign3A = arith.constant 0 : i32
    %sign3A_5 = vector.broadcast %sign3A : i32 to vector<16xi32>
    %sign3A_6 = arith.cmpi sgt, %add3A_3, %sign3A_5 : vector<16xi32>
    %sign3A_7 = arith.extui %sign3A_6 : vector<16xi1> to vector<16xi32>
    %sign3A_8 = arith.constant 0 : i32
    %sign3A_9 = vector.broadcast %sign3A_8 : i32 to vector<16xi32>
    %sign3A_10 = arith.cmpi slt, %add3A_3, %sign3A_9 : vector<16xi32>
    %sign3A_11 = arith.extui %sign3A_10 : vector<16xi1> to vector<16xi32>
    %sign3A_12 = arith.subi %sign3A_7, %sign3A_11 : vector<16xi32>
    %sign3A_13 = arith.constant 0 : i32
    %sign3A_14 = arith.cmpi sgt, %jit3A, %sign3A_13 : i32
    %sign3A_15 = arith.extui %sign3A_14 : i1 to i32
    %sign3A_16 = arith.constant 0 : i32
    %sign3A_17 = arith.cmpi slt, %jit3A, %sign3A_16 : i32
    %sign3A_18 = arith.extui %sign3A_17 : i1 to i32
    %sign3A_19 = arith.subi %sign3A_15, %sign3A_18 : i32
    %ne3A = vector.broadcast %sign3A_19 : i32 to vector<16xi32>
    %ne3A_20 = arith.cmpi ne, %sign3A_12, %ne3A : vector<16xi32>
    %rem3A = vector.broadcast %jit3A : i32 to vector<16xi32>
    %rem3A_21 = arith.remsi %add3A_3, %rem3A : vector<16xi32>
    %ne3A_22 = arith.constant 0 : i32
    %ne3A_23 = vector.broadcast %ne3A_22 : i32 to vector<16xi32>
    %ne3A_24 = arith.cmpi ne, %rem3A_21, %ne3A_23 : vector<16xi32>
    %and3A = arith.andi %ne3A_20, %ne3A_24 : vector<16xi1>
    %sub3A = arith.constant 1 : i32
    %sub3A_25 = vector.broadcast %sub3A : i32 to vector<16xi32>
    %sub3A_26 = arith.subi %div3A_4, %sub3A_25 : vector<16xi32>
    %select_n3A = arith.select %and3A, %sub3A_26, %div3A_4 : vector<16xi1>, vector<16xi32>
    %add3A_27 = arith.constant 16 : i32
    %add3A_28 = vector.broadcast %add3A_27 : i32 to vector<16xi32>
    %add3A_29 = arith.addi %iota3A, %add3A_28 : vector<16xi32>
    %jit3A_30 = arith.constant 8 : i32
    %div3A_31 = vector.broadcast %jit3A_30 : i32 to vector<16xi32>
    %div3A_32 = arith.divsi %add3A_29, %div3A_31 : vector<16xi32>
    %sign3A_33 = arith.constant 0 : i32
    %sign3A_34 = vector.broadcast %sign3A_33 : i32 to vector<16xi32>
    %sign3A_35 = arith.cmpi sgt, %add3A_29, %sign3A_34 : vector<16xi32>
    %sign3A_36 = arith.extui %sign3A_35 : vector<16xi1> to vector<16xi32>
    %sign3A_37 = arith.constant 0 : i32
    %sign3A_38 = vector.broadcast %sign3A_37 : i32 to vector<16xi32>
    %sign3A_39 = arith.cmpi slt, %add3A_29, %sign3A_38 : vector<16xi32>
    %sign3A_40 = arith.extui %sign3A_39 : vector<16xi1> to vector<16xi32>
    %sign3A_41 = arith.subi %sign3A_36, %sign3A_40 : vector<16xi32>
    %sign3A_42 = arith.constant 0 : i32
    %sign3A_43 = arith.cmpi sgt, %jit3A_30, %sign3A_42 : i32
    %sign3A_44 = arith.extui %sign3A_43 : i1 to i32
    %sign3A_45 = arith.constant 0 : i32
    %sign3A_46 = arith.cmpi slt, %jit3A_30, %sign3A_45 : i32
    %sign3A_47 = arith.extui %sign3A_46 : i1 to i32
    %sign3A_48 = arith.subi %sign3A_44, %sign3A_47 : i32
    %ne3A_49 = vector.broadcast %sign3A_48 : i32 to vector<16xi32>
    %ne3A_50 = arith.cmpi ne, %sign3A_41, %ne3A_49 : vector<16xi32>
    %rem3A_51 = vector.broadcast %jit3A_30 : i32 to vector<16xi32>
    %rem3A_52 = arith.remsi %add3A_29, %rem3A_51 : vector<16xi32>
    %ne3A_53 = arith.constant 0 : i32
    %ne3A_54 = vector.broadcast %ne3A_53 : i32 to vector<16xi32>
    %ne3A_55 = arith.cmpi ne, %rem3A_52, %ne3A_54 : vector<16xi32>
    %and3A_56 = arith.andi %ne3A_50, %ne3A_55 : vector<16xi1>
    %sub3A_57 = arith.constant 1 : i32
    %sub3A_58 = vector.broadcast %sub3A_57 : i32 to vector<16xi32>
    %sub3A_59 = arith.subi %div3A_32, %sub3A_58 : vector<16xi32>
    %select_n3A_60 = arith.select %and3A_56, %sub3A_59, %div3A_32 : vector<16xi1>, vector<16xi32>
    %add3A_61 = arith.constant 32 : i32
    %add3A_62 = vector.broadcast %add3A_61 : i32 to vector<16xi32>
    %add3A_63 = arith.addi %iota3A, %add3A_62 : vector<16xi32>
    %jit3A_64 = arith.constant 8 : i32
    %div3A_65 = vector.broadcast %jit3A_64 : i32 to vector<16xi32>
    %div3A_66 = arith.divsi %add3A_63, %div3A_65 : vector<16xi32>
    %sign3A_67 = arith.constant 0 : i32
    %sign3A_68 = vector.broadcast %sign3A_67 : i32 to vector<16xi32>
    %sign3A_69 = arith.cmpi sgt, %add3A_63, %sign3A_68 : vector<16xi32>
    %sign3A_70 = arith.extui %sign3A_69 : vector<16xi1> to vector<16xi32>
    %sign3A_71 = arith.constant 0 : i32
    %sign3A_72 = vector.broadcast %sign3A_71 : i32 to vector<16xi32>
    %sign3A_73 = arith.cmpi slt, %add3A_63, %sign3A_72 : vector<16xi32>
    %sign3A_74 = arith.extui %sign3A_73 : vector<16xi1> to vector<16xi32>
    %sign3A_75 = arith.subi %sign3A_70, %sign3A_74 : vector<16xi32>
    %sign3A_76 = arith.constant 0 : i32
    %sign3A_77 = arith.cmpi sgt, %jit3A_64, %sign3A_76 : i32
    %sign3A_78 = arith.extui %sign3A_77 : i1 to i32
    %sign3A_79 = arith.constant 0 : i32
    %sign3A_80 = arith.cmpi slt, %jit3A_64, %sign3A_79 : i32
    %sign3A_81 = arith.extui %sign3A_80 : i1 to i32
    %sign3A_82 = arith.subi %sign3A_78, %sign3A_81 : i32
    %ne3A_83 = vector.broadcast %sign3A_82 : i32 to vector<16xi32>
    %ne3A_84 = arith.cmpi ne, %sign3A_75, %ne3A_83 : vector<16xi32>
    %rem3A_85 = vector.broadcast %jit3A_64 : i32 to vector<16xi32>
    %rem3A_86 = arith.remsi %add3A_63, %rem3A_85 : vector<16xi32>
    %ne3A_87 = arith.constant 0 : i32
    %ne3A_88 = vector.broadcast %ne3A_87 : i32 to vector<16xi32>
    %ne3A_89 = arith.cmpi ne, %rem3A_86, %ne3A_88 : vector<16xi32>
    %and3A_90 = arith.andi %ne3A_84, %ne3A_89 : vector<16xi1>
    %sub3A_91 = arith.constant 1 : i32
    %sub3A_92 = vector.broadcast %sub3A_91 : i32 to vector<16xi32>
    %sub3A_93 = arith.subi %div3A_66, %sub3A_92 : vector<16xi32>
    %select_n3A_94 = arith.select %and3A_90, %sub3A_93, %div3A_66 : vector<16xi1>, vector<16xi32>
    %add3A_95 = arith.constant 48 : i32
    %add3A_96 = vector.broadcast %add3A_95 : i32 to vector<16xi32>
    %add3A_97 = arith.addi %iota3A, %add3A_96 : vector<16xi32>
    %jit3A_98 = arith.constant 8 : i32
    %div3A_99 = vector.broadcast %jit3A_98 : i32 to vector<16xi32>
    %div3A_100 = arith.divsi %add3A_97, %div3A_99 : vector<16xi32>
    %sign3A_101 = arith.constant 0 : i32
    %sign3A_102 = vector.broadcast %sign3A_101 : i32 to vector<16xi32>
    %sign3A_103 = arith.cmpi sgt, %add3A_97, %sign3A_102 : vector<16xi32>
    %sign3A_104 = arith.extui %sign3A_103 : vector<16xi1> to vector<16xi32>
    %sign3A_105 = arith.constant 0 : i32
    %sign3A_106 = vector.broadcast %sign3A_105 : i32 to vector<16xi32>
    %sign3A_107 = arith.cmpi slt, %add3A_97, %sign3A_106 : vector<16xi32>
    %sign3A_108 = arith.extui %sign3A_107 : vector<16xi1> to vector<16xi32>
    %sign3A_109 = arith.subi %sign3A_104, %sign3A_108 : vector<16xi32>
    %sign3A_110 = arith.constant 0 : i32
    %sign3A_111 = arith.cmpi sgt, %jit3A_98, %sign3A_110 : i32
    %sign3A_112 = arith.extui %sign3A_111 : i1 to i32
    %sign3A_113 = arith.constant 0 : i32
    %sign3A_114 = arith.cmpi slt, %jit3A_98, %sign3A_113 : i32
    %sign3A_115 = arith.extui %sign3A_114 : i1 to i32
    %sign3A_116 = arith.subi %sign3A_112, %sign3A_115 : i32
    %ne3A_117 = vector.broadcast %sign3A_116 : i32 to vector<16xi32>
    %ne3A_118 = arith.cmpi ne, %sign3A_109, %ne3A_117 : vector<16xi32>
    %rem3A_119 = vector.broadcast %jit3A_98 : i32 to vector<16xi32>
    %rem3A_120 = arith.remsi %add3A_97, %rem3A_119 : vector<16xi32>
    %ne3A_121 = arith.constant 0 : i32
    %ne3A_122 = vector.broadcast %ne3A_121 : i32 to vector<16xi32>
    %ne3A_123 = arith.cmpi ne, %rem3A_120, %ne3A_122 : vector<16xi32>
    %and3A_124 = arith.andi %ne3A_118, %ne3A_123 : vector<16xi1>
    %sub3A_125 = arith.constant 1 : i32
    %sub3A_126 = vector.broadcast %sub3A_125 : i32 to vector<16xi32>
    %sub3A_127 = arith.subi %div3A_100, %sub3A_126 : vector<16xi32>
    %select_n3A_128 = arith.select %and3A_124, %sub3A_127, %div3A_100 : vector<16xi1>, vector<16xi32>
    %add3A_129 = arith.constant 0 : i32
    %add3A_130 = vector.broadcast %add3A_129 : i32 to vector<16xi32>
    %add3A_131 = arith.addi %iota3A, %add3A_130 : vector<16xi32>
    %jit3A_132 = arith.constant 8 : i32
    %eq3A = arith.constant 0 : i32
    %eq3A_133 = arith.cmpi eq, %jit3A_132, %eq3A : i32
    %jit3A_134 = arith.constant 1 : i32
    %select_n3A_135 = arith.select %eq3A_133, %jit3A_134, %jit3A_132 : i32
    %rem3A_136 = vector.broadcast %select_n3A_135 : i32 to vector<16xi32>
    %rem3A_137 = arith.remsi %add3A_131, %rem3A_136 : vector<16xi32>
    %ne3A_138 = arith.constant 0 : i32
    %ne3A_139 = vector.broadcast %ne3A_138 : i32 to vector<16xi32>
    %ne3A_140 = arith.cmpi ne, %rem3A_137, %ne3A_139 : vector<16xi32>
    %lt3A = arith.constant 0 : i32
    %lt3A_141 = vector.broadcast %lt3A : i32 to vector<16xi32>
    %lt3A_142 = arith.cmpi slt, %rem3A_137, %lt3A_141 : vector<16xi32>
    %lt3A_143 = arith.constant 0 : i32
    %lt3A_144 = arith.cmpi slt, %select_n3A_135, %lt3A_143 : i32
    %ne3A_145 = vector.broadcast %lt3A_144 : i1 to vector<16xi1>
    %ne3A_146 = vector.broadcast %ne3A_145 : vector<16xi1> to vector<16xi1>
    %ne3A_147 = arith.xori %lt3A_142, %ne3A_146 : vector<16xi1>
    %and3A_148 = arith.andi %ne3A_147, %ne3A_140 : vector<16xi1>
    %add3A_149 = vector.broadcast %select_n3A_135 : i32 to vector<16xi32>
    %add3A_150 = arith.addi %rem3A_137, %add3A_149 : vector<16xi32>
    %select_n3A_151 = arith.select %and3A_148, %add3A_150, %rem3A_137 : vector<16xi1>, vector<16xi32>
    %add3A_152 = arith.constant 16 : i32
    %add3A_153 = vector.broadcast %add3A_152 : i32 to vector<16xi32>
    %add3A_154 = arith.addi %iota3A, %add3A_153 : vector<16xi32>
    %jit3A_155 = arith.constant 8 : i32
    %eq3A_156 = arith.constant 0 : i32
    %eq3A_157 = arith.cmpi eq, %jit3A_155, %eq3A_156 : i32
    %jit3A_158 = arith.constant 1 : i32
    %select_n3A_159 = arith.select %eq3A_157, %jit3A_158, %jit3A_155 : i32
    %rem3A_160 = vector.broadcast %select_n3A_159 : i32 to vector<16xi32>
    %rem3A_161 = arith.remsi %add3A_154, %rem3A_160 : vector<16xi32>
    %ne3A_162 = arith.constant 0 : i32
    %ne3A_163 = vector.broadcast %ne3A_162 : i32 to vector<16xi32>
    %ne3A_164 = arith.cmpi ne, %rem3A_161, %ne3A_163 : vector<16xi32>
    %lt3A_165 = arith.constant 0 : i32
    %lt3A_166 = vector.broadcast %lt3A_165 : i32 to vector<16xi32>
    %lt3A_167 = arith.cmpi slt, %rem3A_161, %lt3A_166 : vector<16xi32>
    %lt3A_168 = arith.constant 0 : i32
    %lt3A_169 = arith.cmpi slt, %select_n3A_159, %lt3A_168 : i32
    %ne3A_170 = vector.broadcast %lt3A_169 : i1 to vector<16xi1>
    %ne3A_171 = vector.broadcast %ne3A_170 : vector<16xi1> to vector<16xi1>
    %ne3A_172 = arith.xori %lt3A_167, %ne3A_171 : vector<16xi1>
    %and3A_173 = arith.andi %ne3A_172, %ne3A_164 : vector<16xi1>
    %add3A_174 = vector.broadcast %select_n3A_159 : i32 to vector<16xi32>
    %add3A_175 = arith.addi %rem3A_161, %add3A_174 : vector<16xi32>
    %select_n3A_176 = arith.select %and3A_173, %add3A_175, %rem3A_161 : vector<16xi1>, vector<16xi32>
    %add3A_177 = arith.constant 32 : i32
    %add3A_178 = vector.broadcast %add3A_177 : i32 to vector<16xi32>
    %add3A_179 = arith.addi %iota3A, %add3A_178 : vector<16xi32>
    %jit3A_180 = arith.constant 8 : i32
    %eq3A_181 = arith.constant 0 : i32
    %eq3A_182 = arith.cmpi eq, %jit3A_180, %eq3A_181 : i32
    %jit3A_183 = arith.constant 1 : i32
    %select_n3A_184 = arith.select %eq3A_182, %jit3A_183, %jit3A_180 : i32
    %rem3A_185 = vector.broadcast %select_n3A_184 : i32 to vector<16xi32>
    %rem3A_186 = arith.remsi %add3A_179, %rem3A_185 : vector<16xi32>
    %ne3A_187 = arith.constant 0 : i32
    %ne3A_188 = vector.broadcast %ne3A_187 : i32 to vector<16xi32>
    %ne3A_189 = arith.cmpi ne, %rem3A_186, %ne3A_188 : vector<16xi32>
    %lt3A_190 = arith.constant 0 : i32
    %lt3A_191 = vector.broadcast %lt3A_190 : i32 to vector<16xi32>
    %lt3A_192 = arith.cmpi slt, %rem3A_186, %lt3A_191 : vector<16xi32>
    %lt3A_193 = arith.constant 0 : i32
    %lt3A_194 = arith.cmpi slt, %select_n3A_184, %lt3A_193 : i32
    %ne3A_195 = vector.broadcast %lt3A_194 : i1 to vector<16xi1>
    %ne3A_196 = vector.broadcast %ne3A_195 : vector<16xi1> to vector<16xi1>
    %ne3A_197 = arith.xori %lt3A_192, %ne3A_196 : vector<16xi1>
    %and3A_198 = arith.andi %ne3A_197, %ne3A_189 : vector<16xi1>
    %add3A_199 = vector.broadcast %select_n3A_184 : i32 to vector<16xi32>
    %add3A_200 = arith.addi %rem3A_186, %add3A_199 : vector<16xi32>
    %select_n3A_201 = arith.select %and3A_198, %add3A_200, %rem3A_186 : vector<16xi1>, vector<16xi32>
    %add3A_202 = arith.constant 48 : i32
    %add3A_203 = vector.broadcast %add3A_202 : i32 to vector<16xi32>
    %add3A_204 = arith.addi %iota3A, %add3A_203 : vector<16xi32>
    %jit3A_205 = arith.constant 8 : i32
    %eq3A_206 = arith.constant 0 : i32
    %eq3A_207 = arith.cmpi eq, %jit3A_205, %eq3A_206 : i32
    %jit3A_208 = arith.constant 1 : i32
    %select_n3A_209 = arith.select %eq3A_207, %jit3A_208, %jit3A_205 : i32
    %rem3A_210 = vector.broadcast %select_n3A_209 : i32 to vector<16xi32>
    %rem3A_211 = arith.remsi %add3A_204, %rem3A_210 : vector<16xi32>
    %ne3A_212 = arith.constant 0 : i32
    %ne3A_213 = vector.broadcast %ne3A_212 : i32 to vector<16xi32>
    %ne3A_214 = arith.cmpi ne, %rem3A_211, %ne3A_213 : vector<16xi32>
    %lt3A_215 = arith.constant 0 : i32
    %lt3A_216 = vector.broadcast %lt3A_215 : i32 to vector<16xi32>
    %lt3A_217 = arith.cmpi slt, %rem3A_211, %lt3A_216 : vector<16xi32>
    %lt3A_218 = arith.constant 0 : i32
    %lt3A_219 = arith.cmpi slt, %select_n3A_209, %lt3A_218 : i32
    %ne3A_220 = vector.broadcast %lt3A_219 : i1 to vector<16xi1>
    %ne3A_221 = vector.broadcast %ne3A_220 : vector<16xi1> to vector<16xi1>
    %ne3A_222 = arith.xori %lt3A_217, %ne3A_221 : vector<16xi1>
    %and3A_223 = arith.andi %ne3A_222, %ne3A_214 : vector<16xi1>
    %add3A_224 = vector.broadcast %select_n3A_209 : i32 to vector<16xi32>
    %add3A_225 = arith.addi %rem3A_211, %add3A_224 : vector<16xi32>
    %select_n3A_226 = arith.select %and3A_223, %add3A_225, %rem3A_211 : vector<16xi1>, vector<16xi32>
    %broadcast_in_dim3A = arith.constant 0 : i32
    %broadcast_in_dim3A_227 = vector.broadcast %broadcast_in_dim3A : i32 to vector<16xi32>
    %dma_start3A = arith.constant 0 : i32
    %dma_start3A_228 = arith.constant 0 : i32
    %dma_start3A_229 = arith.constant 0 : i32
    %dma_start3A_230 = arith.constant 0 : i32
    %dma_start3A_231 = tpu.memref_slice %arg5[%dma_start3A, %dma_start3A_228, %dma_start3A_229, %dma_start3A_230] : memref<25x1x8x128xi32, #tpu.memory_space<vmem>> -> memref<1x1x1x128xi32, #tpu.memory_space<vmem>>
    %dma_start3A_232 = tpu.memref_squeeze %dma_start3A_231 : memref<1x1x1x128xi32, #tpu.memory_space<vmem>> -> memref<128xi32, #tpu.memory_space<vmem>>
    %dma_start3A_233 = arith.constant 0 : i32
    %dma_start3A_234 = arith.constant 0 : i32
    %dma_start3A_235 = tpu.memref_slice %arg3[%dma_start3A_233, %dma_start3A_234] : memref<1000000x64xf32, #tpu.memory_space<hbm>> -> memref<1000000x64xf32, #tpu.memory_space<hbm>>
    tpu.enqueue_indirect_dma source(%dma_start3A_235 : memref<1000000x64xf32, #tpu.memory_space<hbm>>) target(%arg6 : memref<128x64xf32, #tpu.memory_space<vmem>>) offsets(%dma_start3A_232 : memref<128xi32, #tpu.memory_space<vmem>>) semaphore(%arg12 : memref<!tpu.dma_semaphore, #tpu.memory_space<semaphore_mem>>)
    %dma_start3A_236 = arith.constant 0 : i32
    %dma_start3A_237 = arith.constant 0 : i32
    %dma_start3A_238 = arith.constant 1 : i32
    %dma_start3A_239 = arith.constant 0 : i32
    %dma_start3A_240 = tpu.memref_slice %arg5[%dma_start3A_236, %dma_start3A_237, %dma_start3A_238, %dma_start3A_239] : memref<25x1x8x128xi32, #tpu.memory_space<vmem>> -> memref<1x1x1x128xi32, #tpu.memory_space<vmem>>
    %dma_start3A_241 = tpu.memref_squeeze %dma_start3A_240 : memref<1x1x1x128xi32, #tpu.memory_space<vmem>> -> memref<128xi32, #tpu.memory_space<vmem>>
    %dma_start3A_242 = arith.constant 0 : i32
    %dma_start3A_243 = arith.constant 0 : i32
    %dma_start3A_244 = tpu.memref_slice %arg3[%dma_start3A_242, %dma_start3A_243] : memref<1000000x64xf32, #tpu.memory_space<hbm>> -> memref<1000000x64xf32, #tpu.memory_space<hbm>>
    tpu.enqueue_indirect_dma source(%dma_start3A_244 : memref<1000000x64xf32, #tpu.memory_space<hbm>>) target(%arg7 : memref<128x64xf32, #tpu.memory_space<vmem>>) offsets(%dma_start3A_241 : memref<128xi32, #tpu.memory_space<vmem>>) semaphore(%arg13 : memref<!tpu.dma_semaphore, #tpu.memory_space<semaphore_mem>>)
    %scan3A = arith.constant 0 : i32
    %scan3A_245 = arith.constant 50 : i32
    %scan3A_246 = arith.addi %scan3A, %scan3A_245 : i32
    %scan3A_247 = arith.constant 1 : i32
    scf.for %scan3A_340 = %scan3A to %scan3A_246 step %scan3A_247  : i32 {
      %mul3A_341 = arith.constant 4 : i32
      %mul3A_342 = arith.muli %scan3A_340, %mul3A_341 : i32
      %add3A_343 = arith.constant 0 : i32
      %add3A_344 = arith.addi %add3A_343, %mul3A_342 : i32
      %add3A_345 = arith.constant 0 : i32
      %add3A_346 = arith.addi %add3A_344, %add3A_345 : i32
      %dma_wait3A_347 = arith.constant 0 : i32
      %dma_wait3A_348 = arith.constant 0 : i32
      %dma_wait3A_349 = arith.constant 0 : i32
      %dma_wait3A_350 = arith.constant 0 : i32
      %dma_wait3A_351 = tpu.memref_slice %arg5[%dma_wait3A_347, %dma_wait3A_348, %dma_wait3A_349, %dma_wait3A_350] : memref<25x1x8x128xi32, #tpu.memory_space<vmem>> -> memref<1x1x1x128xi32, #tpu.memory_space<vmem>>
      %dma_wait3A_352 = tpu.memref_squeeze %dma_wait3A_351 : memref<1x1x1x128xi32, #tpu.memory_space<vmem>> -> memref<128xi32, #tpu.memory_space<vmem>>
      %dma_wait3A_353 = arith.constant 0 : i32
      %dma_wait3A_354 = arith.constant 0 : i32
      %dma_wait3A_355 = tpu.memref_slice %arg3[%dma_wait3A_353, %dma_wait3A_354] : memref<1000000x64xf32, #tpu.memory_space<hbm>> -> memref<1000000x64xf32, #tpu.memory_space<hbm>>
      tpu.wait_indirect_dma semaphore(%arg12 : memref<!tpu.dma_semaphore, #tpu.memory_space<semaphore_mem>>) src(%dma_wait3A_355 : memref<1000000x64xf32, #tpu.memory_space<hbm>>) dst(%arg6 : memref<128x64xf32, #tpu.memory_space<vmem>>)
      %ge3A = arith.constant 4 : i32
      %ge3A_356 = arith.cmpi sge, %add3A_346, %ge3A : i32
      %convert_element_type3A = arith.extui %ge3A_356 : i1 to i32
      %cond3A = arith.constant 0 : i32
      %cond3A_357 = arith.cmpi ne, %convert_element_type3A, %cond3A : i32
      scf.if %cond3A_357 {
        %dma_wait3A_517 = arith.constant 0 : i32
        %dma_wait3A_518 = arith.constant 0 : i32
        %dma_wait3A_519 = arith.constant 0 : i32
        %dma_wait3A_520 = arith.constant 0 : i32
        %dma_wait3A_521 = arith.constant 0 : i32
        %dma_wait3A_522 = tpu.memref_slice %arg8[%dma_wait3A_518, %dma_wait3A_519, %dma_wait3A_520, %dma_wait3A_521] : memref<8x1x8x136xf32, #tpu.memory_space<vmem>> -> memref<8x1x8x128xf32, #tpu.memory_space<vmem>>
        %dma_wait3A_523 = arith.constant 0 : i32
        %dma_wait3A_524 = arith.constant 0 : i32
        %dma_wait3A_525 = arith.constant 0 : i32
        %dma_wait3A_526 = arith.constant 0 : i32
        %dma_wait3A_527 = tpu.memref_slice %arg4[%dma_wait3A_517, %dma_wait3A_523, %dma_wait3A_524, %dma_wait3A_525, %dma_wait3A_526] : memref<200x8x32x8x128xf32, #tpu.memory_space<hbm>> -> memref<1x8x1x8x128xf32, #tpu.memory_space<hbm>>
        %dma_wait3A_528 = tpu.memref_squeeze %dma_wait3A_527 : memref<1x8x1x8x128xf32, #tpu.memory_space<hbm>> -> memref<8x1x8x128xf32, #tpu.memory_space<hbm>>
        %dma_wait3A_529 = arith.constant 0 : i32
        %dma_wait3A_530 = arith.constant 0 : i32
        %dma_wait3A_531 = arith.constant 0 : i32
        %dma_wait3A_532 = arith.constant 0 : i32
        %dma_wait3A_533 = tpu.memref_slice %arg4[%dma_wait3A_517, %dma_wait3A_529, %dma_wait3A_530, %dma_wait3A_531, %dma_wait3A_532] : memref<200x8x32x8x128xf32, #tpu.memory_space<hbm>> -> memref<1x8x1x8x128xf32, #tpu.memory_space<hbm>>
        %dma_wait3A_534 = tpu.memref_squeeze %dma_wait3A_533 : memref<1x8x1x8x128xf32, #tpu.memory_space<hbm>> -> memref<8x1x8x128xf32, #tpu.memory_space<hbm>>
        %dma_wait3A_535 = arith.constant 0 : i32
        %dma_wait3A_536 = arith.constant 0 : i32
        %dma_wait3A_537 = arith.constant 0 : i32
        %dma_wait3A_538 = arith.constant 0 : i32
        %dma_wait3A_539 = tpu.memref_slice %arg8[%dma_wait3A_535, %dma_wait3A_536, %dma_wait3A_537, %dma_wait3A_538] : memref<8x1x8x136xf32, #tpu.memory_space<vmem>> -> memref<8x1x8x128xf32, #tpu.memory_space<vmem>>
        tpu.wait_dma2 semaphore(%arg14 : memref<!tpu.dma_semaphore, #tpu.memory_space<semaphore_mem>>) src(%dma_wait3A_539 : memref<8x1x8x128xf32, #tpu.memory_space<vmem>>) dst(%dma_wait3A_534 : memref<8x1x8x128xf32, #tpu.memory_space<hbm>>)
      } else {
      }
      %parallel_loop3A = arith.constant 0 : i32
      %parallel_loop3A_358 = arith.constant 128 : i32
      %parallel_loop3A_359 = arith.constant 1 : i32
      scf.for %parallel_loop3A_517 = %parallel_loop3A to %parallel_loop3A_358 step %parallel_loop3A_359  : i32 {
        %parallel_loop3A_518 = vector.broadcast %parallel_loop3A_517 : i32 to vector<16xi32>
        %parallel_loop3A_519 = arith.index_cast %parallel_loop3A_517 : i32 to index
        %parallel_loop3A_520 = arith.constant 0 : index
        %parallel_loop3A_521 = tpu.vector_load %arg6[%parallel_loop3A_519, %parallel_loop3A_520] {strides = array<i32>} : memref<128x64xf32, #tpu.memory_space<vmem>>, vector<16xf32>,
        %parallel_loop3A_522 = arith.constant 8.000000e+00 : f32
        %parallel_loop3A_523 = vector.broadcast %parallel_loop3A_522 : f32 to vector<16xf32>
        %parallel_loop3A_524 = arith.mulf %parallel_loop3A_521, %parallel_loop3A_523 : vector<16xf32>
        tpu.vector_store_idx %arg8[%select_n3A, %broadcast_in_dim3A_227, %select_n3A_151, %parallel_loop3A_518], %parallel_loop3A_524 : memref<8x1x8x136xf32, #tpu.memory_space<vmem>>[vector<16xi32>, vector<16xi32>, vector<16xi32>, vector<16xi32>], vector<16xf32>,
        %parallel_loop3A_525 = arith.index_cast %parallel_loop3A_517 : i32 to index
        %parallel_loop3A_526 = arith.constant 16 : index
        %parallel_loop3A_527 = tpu.vector_load %arg6[%parallel_loop3A_525, %parallel_loop3A_526] {strides = array<i32>} : memref<128x64xf32, #tpu.memory_space<vmem>>, vector<16xf32>,
        %parallel_loop3A_528 = arith.constant 8.000000e+00 : f32
        %parallel_loop3A_529 = vector.broadcast %parallel_loop3A_528 : f32 to vector<16xf32>
        %parallel_loop3A_530 = arith.mulf %parallel_loop3A_527, %parallel_loop3A_529 : vector<16xf32>
        tpu.vector_store_idx %arg8[%select_n3A_60, %broadcast_in_dim3A_227, %select_n3A_176, %parallel_loop3A_518], %parallel_loop3A_530 : memref<8x1x8x136xf32, #tpu.memory_space<vmem>>[vector<16xi32>, vector<16xi32>, vector<16xi32>, vector<16xi32>], vector<16xf32>,
        %parallel_loop3A_531 = arith.index_cast %parallel_loop3A_517 : i32 to index
        %parallel_loop3A_532 = arith.constant 32 : index
        %parallel_loop3A_533 = tpu.vector_load %arg6[%parallel_loop3A_531, %parallel_loop3A_532] {strides = array<i32>} : memref<128x64xf32, #tpu.memory_space<vmem>>, vector<16xf32>,
        %parallel_loop3A_534 = arith.constant 8.000000e+00 : f32
        %parallel_loop3A_535 = vector.broadcast %parallel_loop3A_534 : f32 to vector<16xf32>
        %parallel_loop3A_536 = arith.mulf %parallel_loop3A_533, %parallel_loop3A_535 : vector<16xf32>
        tpu.vector_store_idx %arg8[%select_n3A_94, %broadcast_in_dim3A_227, %select_n3A_201, %parallel_loop3A_518], %parallel_loop3A_536 : memref<8x1x8x136xf32, #tpu.memory_space<vmem>>[vector<16xi32>, vector<16xi32>, vector<16xi32>, vector<16xi32>], vector<16xf32>,
        %parallel_loop3A_537 = arith.index_cast %parallel_loop3A_517 : i32 to index
        %parallel_loop3A_538 = arith.constant 48 : index
        %parallel_loop3A_539 = tpu.vector_load %arg6[%parallel_loop3A_537, %parallel_loop3A_538] {strides = array<i32>} : memref<128x64xf32, #tpu.memory_space<vmem>>, vector<16xf32>,
        %parallel_loop3A_540 = arith.constant 8.000000e+00 : f32
        %parallel_loop3A_541 = vector.broadcast %parallel_loop3A_540 : f32 to vector<16xf32>
        %parallel_loop3A_542 = arith.mulf %parallel_loop3A_539, %parallel_loop3A_541 : vector<16xf32>
        tpu.vector_store_idx %arg8[%select_n3A_128, %broadcast_in_dim3A_227, %select_n3A_226, %parallel_loop3A_518], %parallel_loop3A_542 : memref<8x1x8x136xf32, #tpu.memory_space<vmem>>[vector<16xi32>, vector<16xi32>, vector<16xi32>, vector<16xi32>], vector<16xf32>,
      } {sc.loop_unroll_factor = 8 : i64, sc.parallel_access}
      %dma_start3A_360 = arith.constant 0 : i32
      %dma_start3A_361 = arith.constant 0 : i32
      %dma_start3A_362 = arith.constant 0 : i32
      %dma_start3A_363 = arith.constant 0 : i32
      %dma_start3A_364 = tpu.memref_slice %arg8[%dma_start3A_360, %dma_start3A_361, %dma_start3A_362, %dma_start3A_363] : memref<8x1x8x136xf32, #tpu.memory_space<vmem>> -> memref<8x1x8x128xf32, #tpu.memory_space<vmem>>
      %dma_start3A_365 = arith.constant 0 : i32
      %dma_start3A_366 = arith.constant 0 : i32
      %dma_start3A_367 = arith.constant 0 : i32
      %dma_start3A_368 = tpu.memref_slice %arg4[%add3A_346, %dma_start3A_365, %add3A, %dma_start3A_366, %dma_start3A_367] : memref<200x8x32x8x128xf32, #tpu.memory_space<hbm>> -> memref<1x8x1x8x128xf32, #tpu.memory_space<hbm>>
      %dma_start3A_369 = tpu.memref_squeeze %dma_start3A_368 : memref<1x8x1x8x128xf32, #tpu.memory_space<hbm>> -> memref<8x1x8x128xf32, #tpu.memory_space<hbm>>
      %dma_start3A_370 = arith.constant 0 : i32
      %dma_start3A_371 = arith.constant 0 : i32
      %dma_start3A_372 = arith.constant 0 : i32
      %dma_start3A_373 = tpu.memref_slice %arg4[%add3A_346, %dma_start3A_370, %add3A, %dma_start3A_371, %dma_start3A_372] : memref<200x8x32x8x128xf32, #tpu.memory_space<hbm>> -> memref<1x8x1x8x128xf32, #tpu.memory_space<hbm>>
      %dma_start3A_374 = tpu.memref_squeeze %dma_start3A_373 : memref<1x8x1x8x128xf32, #tpu.memory_space<hbm>> -> memref<8x1x8x128xf32, #tpu.memory_space<hbm>>
      %dma_start3A_375 = arith.constant 0 : i32
      %dma_start3A_376 = arith.constant 0 : i32
      %dma_start3A_377 = arith.constant 0 : i32
      %dma_start3A_378 = arith.constant 0 : i32
      %dma_start3A_379 = tpu.memref_slice %arg8[%dma_start3A_375, %dma_start3A_376, %dma_start3A_377, %dma_start3A_378] : memref<8x1x8x136xf32, #tpu.memory_space<vmem>> -> memref<8x1x8x128xf32, #tpu.memory_space<vmem>>
      tpu.enqueue_dma source(%dma_start3A_379 : memref<8x1x8x128xf32, #tpu.memory_space<vmem>>) target(%dma_start3A_374 : memref<8x1x8x128xf32, #tpu.memory_space<hbm>>) target_semaphore(%arg14 : memref<!tpu.dma_semaphore, #tpu.memory_space<semaphore_mem>>)
      %lt3A_380 = arith.constant 198 : i32
      %lt3A_381 = arith.cmpi slt, %add3A_346, %lt3A_380 : i32
      %convert_element_type3A_382 = arith.extui %lt3A_381 : i1 to i32
      %cond3A_383 = arith.constant 0 : i32
      %cond3A_384 = arith.cmpi ne, %convert_element_type3A_382, %cond3A_383 : i32
      scf.if %cond3A_384 {
        %add3A_517 = arith.constant 2 : i32
        %add3A_518 = arith.addi %add3A_346, %add3A_517 : i32
        %shift_right_arithmetic3A = arith.constant 3 : i32
        %shift_right_arithmetic3A_519 = arith.shrsi %add3A_518, %shift_right_arithmetic3A : i32
        %and3A_520 = arith.constant 7 : i32
        %and3A_521 = arith.andi %add3A_518, %and3A_520 : i32
        %dma_start3A_522 = arith.constant 0 : i32
        %dma_start3A_523 = arith.constant 0 : i32
        %dma_start3A_524 = tpu.memref_slice %arg5[%shift_right_arithmetic3A_519, %dma_start3A_522, %and3A_521, %dma_start3A_523] : memref<25x1x8x128xi32, #tpu.memory_space<vmem>> -> memref<1x1x1x128xi32, #tpu.memory_space<vmem>>
        %dma_start3A_525 = tpu.memref_squeeze %dma_start3A_524 : memref<1x1x1x128xi32, #tpu.memory_space<vmem>> -> memref<128xi32, #tpu.memory_space<vmem>>
        %dma_start3A_526 = arith.constant 0 : i32
        %dma_start3A_527 = arith.constant 0 : i32
        %dma_start3A_528 = tpu.memref_slice %arg3[%dma_start3A_526, %dma_start3A_527] : memref<1000000x64xf32, #tpu.memory_space<hbm>> -> memref<1000000x64xf32, #tpu.memory_space<hbm>>
        tpu.enqueue_indirect_dma source(%dma_start3A_528 : memref<1000000x64xf32, #tpu.memory_space<hbm>>) target(%arg6 : memref<128x64xf32, #tpu.memory_space<vmem>>) offsets(%dma_start3A_525 : memref<128xi32, #tpu.memory_space<vmem>>) semaphore(%arg12 : memref<!tpu.dma_semaphore, #tpu.memory_space<semaphore_mem>>)
      } else {
      }
      %add3A_385 = arith.constant 1 : i32
      %add3A_386 = arith.addi %add3A_344, %add3A_385 : i32
      %dma_wait3A_387 = arith.constant 0 : i32
      %dma_wait3A_388 = arith.constant 0 : i32
      %dma_wait3A_389 = arith.constant 0 : i32
      %dma_wait3A_390 = arith.constant 0 : i32
      %dma_wait3A_391 = tpu.memref_slice %arg5[%dma_wait3A_387, %dma_wait3A_388, %dma_wait3A_389, %dma_wait3A_390] : memref<25x1x8x128xi32, #tpu.memory_space<vmem>> -> memref<1x1x1x128xi32, #tpu.memory_space<vmem>>
      %dma_wait3A_392 = tpu.memref_squeeze %dma_wait3A_391 : memref<1x1x1x128xi32, #tpu.memory_space<vmem>> -> memref<128xi32, #tpu.memory_space<vmem>>
      %dma_wait3A_393 = arith.constant 0 : i32
      %dma_wait3A_394 = arith.constant 0 : i32
      %dma_wait3A_395 = tpu.memref_slice %arg3[%dma_wait3A_393, %dma_wait3A_394] : memref<1000000x64xf32, #tpu.memory_space<hbm>> -> memref<1000000x64xf32, #tpu.memory_space<hbm>>
      tpu.wait_indirect_dma semaphore(%arg13 : memref<!tpu.dma_semaphore, #tpu.memory_space<semaphore_mem>>) src(%dma_wait3A_395 : memref<1000000x64xf32, #tpu.memory_space<hbm>>) dst(%arg7 : memref<128x64xf32, #tpu.memory_space<vmem>>)
      %ge3A_396 = arith.constant 4 : i32
      %ge3A_397 = arith.cmpi sge, %add3A_386, %ge3A_396 : i32
      %convert_element_type3A_398 = arith.extui %ge3A_397 : i1 to i32
      %cond3A_399 = arith.constant 0 : i32
      %cond3A_400 = arith.cmpi ne, %convert_element_type3A_398, %cond3A_399 : i32
      scf.if %cond3A_400 {
        %dma_wait3A_517 = arith.constant 0 : i32
        %dma_wait3A_518 = arith.constant 0 : i32
        %dma_wait3A_519 = arith.constant 0 : i32
        %dma_wait3A_520 = arith.constant 0 : i32
        %dma_wait3A_521 = arith.constant 0 : i32
        %dma_wait3A_522 = tpu.memref_slice %arg9[%dma_wait3A_518, %dma_wait3A_519, %dma_wait3A_520, %dma_wait3A_521] : memref<8x1x8x136xf32, #tpu.memory_space<vmem>> -> memref<8x1x8x128xf32, #tpu.memory_space<vmem>>
        %dma_wait3A_523 = arith.constant 0 : i32
        %dma_wait3A_524 = arith.constant 0 : i32
        %dma_wait3A_525 = arith.constant 0 : i32
        %dma_wait3A_526 = arith.constant 0 : i32
        %dma_wait3A_527 = tpu.memref_slice %arg4[%dma_wait3A_517, %dma_wait3A_523, %dma_wait3A_524, %dma_wait3A_525, %dma_wait3A_526] : memref<200x8x32x8x128xf32, #tpu.memory_space<hbm>> -> memref<1x8x1x8x128xf32, #tpu.memory_space<hbm>>
        %dma_wait3A_528 = tpu.memref_squeeze %dma_wait3A_527 : memref<1x8x1x8x128xf32, #tpu.memory_space<hbm>> -> memref<8x1x8x128xf32, #tpu.memory_space<hbm>>
        %dma_wait3A_529 = arith.constant 0 : i32
        %dma_wait3A_530 = arith.constant 0 : i32
        %dma_wait3A_531 = arith.constant 0 : i32
        %dma_wait3A_532 = arith.constant 0 : i32
        %dma_wait3A_533 = tpu.memref_slice %arg4[%dma_wait3A_517, %dma_wait3A_529, %dma_wait3A_530, %dma_wait3A_531, %dma_wait3A_532] : memref<200x8x32x8x128xf32, #tpu.memory_space<hbm>> -> memref<1x8x1x8x128xf32, #tpu.memory_space<hbm>>
        %dma_wait3A_534 = tpu.memref_squeeze %dma_wait3A_533 : memref<1x8x1x8x128xf32, #tpu.memory_space<hbm>> -> memref<8x1x8x128xf32, #tpu.memory_space<hbm>>
        %dma_wait3A_535 = arith.constant 0 : i32
        %dma_wait3A_536 = arith.constant 0 : i32
        %dma_wait3A_537 = arith.constant 0 : i32
        %dma_wait3A_538 = arith.constant 0 : i32
        %dma_wait3A_539 = tpu.memref_slice %arg9[%dma_wait3A_535, %dma_wait3A_536, %dma_wait3A_537, %dma_wait3A_538] : memref<8x1x8x136xf32, #tpu.memory_space<vmem>> -> memref<8x1x8x128xf32, #tpu.memory_space<vmem>>
        tpu.wait_dma2 semaphore(%arg15 : memref<!tpu.dma_semaphore, #tpu.memory_space<semaphore_mem>>) src(%dma_wait3A_539 : memref<8x1x8x128xf32, #tpu.memory_space<vmem>>) dst(%dma_wait3A_534 : memref<8x1x8x128xf32, #tpu.memory_space<hbm>>)
      } else {
      }
      %parallel_loop3A_401 = arith.constant 0 : i32
      %parallel_loop3A_402 = arith.constant 128 : i32
      %parallel_loop3A_403 = arith.constant 1 : i32
      scf.for %parallel_loop3A_517 = %parallel_loop3A_401 to %parallel_loop3A_402 step %parallel_loop3A_403  : i32 {
        %parallel_loop3A_518 = vector.broadcast %parallel_loop3A_517 : i32 to vector<16xi32>
        %parallel_loop3A_519 = arith.index_cast %parallel_loop3A_517 : i32 to index
        %parallel_loop3A_520 = arith.constant 0 : index
        %parallel_loop3A_521 = tpu.vector_load %arg7[%parallel_loop3A_519, %parallel_loop3A_520] {strides = array<i32>} : memref<128x64xf32, #tpu.memory_space<vmem>>, vector<16xf32>,
        %parallel_loop3A_522 = arith.constant 8.000000e+00 : f32
        %parallel_loop3A_523 = vector.broadcast %parallel_loop3A_522 : f32 to vector<16xf32>
        %parallel_loop3A_524 = arith.mulf %parallel_loop3A_521, %parallel_loop3A_523 : vector<16xf32>
        tpu.vector_store_idx %arg9[%select_n3A, %broadcast_in_dim3A_227, %select_n3A_151, %parallel_loop3A_518], %parallel_loop3A_524 : memref<8x1x8x136xf32, #tpu.memory_space<vmem>>[vector<16xi32>, vector<16xi32>, vector<16xi32>, vector<16xi32>], vector<16xf32>,
        %parallel_loop3A_525 = arith.index_cast %parallel_loop3A_517 : i32 to index
        %parallel_loop3A_526 = arith.constant 16 : index
        %parallel_loop3A_527 = tpu.vector_load %arg7[%parallel_loop3A_525, %parallel_loop3A_526] {strides = array<i32>} : memref<128x64xf32, #tpu.memory_space<vmem>>, vector<16xf32>,
        %parallel_loop3A_528 = arith.constant 8.000000e+00 : f32
        %parallel_loop3A_529 = vector.broadcast %parallel_loop3A_528 : f32 to vector<16xf32>
        %parallel_loop3A_530 = arith.mulf %parallel_loop3A_527, %parallel_loop3A_529 : vector<16xf32>
        tpu.vector_store_idx %arg9[%select_n3A_60, %broadcast_in_dim3A_227, %select_n3A_176, %parallel_loop3A_518], %parallel_loop3A_530 : memref<8x1x8x136xf32, #tpu.memory_space<vmem>>[vector<16xi32>, vector<16xi32>, vector<16xi32>, vector<16xi32>], vector<16xf32>,
        %parallel_loop3A_531 = arith.index_cast %parallel_loop3A_517 : i32 to index
        %parallel_loop3A_532 = arith.constant 32 : index
        %parallel_loop3A_533 = tpu.vector_load %arg7[%parallel_loop3A_531, %parallel_loop3A_532] {strides = array<i32>} : memref<128x64xf32, #tpu.memory_space<vmem>>, vector<16xf32>,
        %parallel_loop3A_534 = arith.constant 8.000000e+00 : f32
        %parallel_loop3A_535 = vector.broadcast %parallel_loop3A_534 : f32 to vector<16xf32>
        %parallel_loop3A_536 = arith.mulf %parallel_loop3A_533, %parallel_loop3A_535 : vector<16xf32>
        tpu.vector_store_idx %arg9[%select_n3A_94, %broadcast_in_dim3A_227, %select_n3A_201, %parallel_loop3A_518], %parallel_loop3A_536 : memref<8x1x8x136xf32, #tpu.memory_space<vmem>>[vector<16xi32>, vector<16xi32>, vector<16xi32>, vector<16xi32>], vector<16xf32>,
        %parallel_loop3A_537 = arith.index_cast %parallel_loop3A_517 : i32 to index
        %parallel_loop3A_538 = arith.constant 48 : index
        %parallel_loop3A_539 = tpu.vector_load %arg7[%parallel_loop3A_537, %parallel_loop3A_538] {strides = array<i32>} : memref<128x64xf32, #tpu.memory_space<vmem>>, vector<16xf32>,
        %parallel_loop3A_540 = arith.constant 8.000000e+00 : f32
        %parallel_loop3A_541 = vector.broadcast %parallel_loop3A_540 : f32 to vector<16xf32>
        %parallel_loop3A_542 = arith.mulf %parallel_loop3A_539, %parallel_loop3A_541 : vector<16xf32>
        tpu.vector_store_idx %arg9[%select_n3A_128, %broadcast_in_dim3A_227, %select_n3A_226, %parallel_loop3A_518], %parallel_loop3A_542 : memref<8x1x8x136xf32, #tpu.memory_space<vmem>>[vector<16xi32>, vector<16xi32>, vector<16xi32>, vector<16xi32>], vector<16xf32>,
      } {sc.loop_unroll_factor = 8 : i64, sc.parallel_access}
      %dma_start3A_404 = arith.constant 0 : i32
      %dma_start3A_405 = arith.constant 0 : i32
      %dma_start3A_406 = arith.constant 0 : i32
      %dma_start3A_407 = arith.constant 0 : i32
      %dma_start3A_408 = tpu.memref_slice %arg9[%dma_start3A_404, %dma_start3A_405, %dma_start3A_406, %dma_start3A_407] : memref<8x1x8x136xf32, #tpu.memory_space<vmem>> -> memref<8x1x8x128xf32, #tpu.memory_space<vmem>>
      %dma_start3A_409 = arith.constant 0 : i32
      %dma_start3A_410 = arith.constant 0 : i32
      %dma_start3A_411 = arith.constant 0 : i32
      %dma_start3A_412 = tpu.memref_slice %arg4[%add3A_386, %dma_start3A_409, %add3A, %dma_start3A_410, %dma_start3A_411] : memref<200x8x32x8x128xf32, #tpu.memory_space<hbm>> -> memref<1x8x1x8x128xf32, #tpu.memory_space<hbm>>
      %dma_start3A_413 = tpu.memref_squeeze %dma_start3A_412 : memref<1x8x1x8x128xf32, #tpu.memory_space<hbm>> -> memref<8x1x8x128xf32, #tpu.memory_space<hbm>>
      %dma_start3A_414 = arith.constant 0 : i32
      %dma_start3A_415 = arith.constant 0 : i32
      %dma_start3A_416 = arith.constant 0 : i32
      %dma_start3A_417 = tpu.memref_slice %arg4[%add3A_386, %dma_start3A_414, %add3A, %dma_start3A_415, %dma_start3A_416] : memref<200x8x32x8x128xf32, #tpu.memory_space<hbm>> -> memref<1x8x1x8x128xf32, #tpu.memory_space<hbm>>
      %dma_start3A_418 = tpu.memref_squeeze %dma_start3A_417 : memref<1x8x1x8x128xf32, #tpu.memory_space<hbm>> -> memref<8x1x8x128xf32, #tpu.memory_space<hbm>>
      %dma_start3A_419 = arith.constant 0 : i32
      %dma_start3A_420 = arith.constant 0 : i32
      %dma_start3A_421 = arith.constant 0 : i32
      %dma_start3A_422 = arith.constant 0 : i32
      %dma_start3A_423 = tpu.memref_slice %arg9[%dma_start3A_419, %dma_start3A_420, %dma_start3A_421, %dma_start3A_422] : memref<8x1x8x136xf32, #tpu.memory_space<vmem>> -> memref<8x1x8x128xf32, #tpu.memory_space<vmem>>
      tpu.enqueue_dma source(%dma_start3A_423 : memref<8x1x8x128xf32, #tpu.memory_space<vmem>>) target(%dma_start3A_418 : memref<8x1x8x128xf32, #tpu.memory_space<hbm>>) target_semaphore(%arg15 : memref<!tpu.dma_semaphore, #tpu.memory_space<semaphore_mem>>)
      %lt3A_424 = arith.constant 198 : i32
      %lt3A_425 = arith.cmpi slt, %add3A_386, %lt3A_424 : i32
      %convert_element_type3A_426 = arith.extui %lt3A_425 : i1 to i32
      %cond3A_427 = arith.constant 0 : i32
      %cond3A_428 = arith.cmpi ne, %convert_element_type3A_426, %cond3A_427 : i32
      scf.if %cond3A_428 {
        %add3A_517 = arith.constant 2 : i32
        %add3A_518 = arith.addi %add3A_386, %add3A_517 : i32
        %shift_right_arithmetic3A = arith.constant 3 : i32
        %shift_right_arithmetic3A_519 = arith.shrsi %add3A_518, %shift_right_arithmetic3A : i32
        %and3A_520 = arith.constant 7 : i32
        %and3A_521 = arith.andi %add3A_518, %and3A_520 : i32
        %dma_start3A_522 = arith.constant 0 : i32
        %dma_start3A_523 = arith.constant 0 : i32
        %dma_start3A_524 = tpu.memref_slice %arg5[%shift_right_arithmetic3A_519, %dma_start3A_522, %and3A_521, %dma_start3A_523] : memref<25x1x8x128xi32, #tpu.memory_space<vmem>> -> memref<1x1x1x128xi32, #tpu.memory_space<vmem>>
        %dma_start3A_525 = tpu.memref_squeeze %dma_start3A_524 : memref<1x1x1x128xi32, #tpu.memory_space<vmem>> -> memref<128xi32, #tpu.memory_space<vmem>>
        %dma_start3A_526 = arith.constant 0 : i32
        %dma_start3A_527 = arith.constant 0 : i32
        %dma_start3A_528 = tpu.memref_slice %arg3[%dma_start3A_526, %dma_start3A_527] : memref<1000000x64xf32, #tpu.memory_space<hbm>> -> memref<1000000x64xf32, #tpu.memory_space<hbm>>
        tpu.enqueue_indirect_dma source(%dma_start3A_528 : memref<1000000x64xf32, #tpu.memory_space<hbm>>) target(%arg7 : memref<128x64xf32, #tpu.memory_space<vmem>>) offsets(%dma_start3A_525 : memref<128xi32, #tpu.memory_space<vmem>>) semaphore(%arg13 : memref<!tpu.dma_semaphore, #tpu.memory_space<semaphore_mem>>)
      } else {
      }
      %add3A_429 = arith.constant 2 : i32
      %add3A_430 = arith.addi %add3A_344, %add3A_429 : i32
      %dma_wait3A_431 = arith.constant 0 : i32
      %dma_wait3A_432 = arith.constant 0 : i32
      %dma_wait3A_433 = arith.constant 0 : i32
      %dma_wait3A_434 = arith.constant 0 : i32
      %dma_wait3A_435 = tpu.memref_slice %arg5[%dma_wait3A_431, %dma_wait3A_432, %dma_wait3A_433, %dma_wait3A_434] : memref<25x1x8x128xi32, #tpu.memory_space<vmem>> -> memref<1x1x1x128xi32, #tpu.memory_space<vmem>>
      %dma_wait3A_436 = tpu.memref_squeeze %dma_wait3A_435 : memref<1x1x1x128xi32, #tpu.memory_space<vmem>> -> memref<128xi32, #tpu.memory_space<vmem>>
      %dma_wait3A_437 = arith.constant 0 : i32
      %dma_wait3A_438 = arith.constant 0 : i32
      %dma_wait3A_439 = tpu.memref_slice %arg3[%dma_wait3A_437, %dma_wait3A_438] : memref<1000000x64xf32, #tpu.memory_space<hbm>> -> memref<1000000x64xf32, #tpu.memory_space<hbm>>
      tpu.wait_indirect_dma semaphore(%arg12 : memref<!tpu.dma_semaphore, #tpu.memory_space<semaphore_mem>>) src(%dma_wait3A_439 : memref<1000000x64xf32, #tpu.memory_space<hbm>>) dst(%arg6 : memref<128x64xf32, #tpu.memory_space<vmem>>)
      %ge3A_440 = arith.constant 4 : i32
      %ge3A_441 = arith.cmpi sge, %add3A_430, %ge3A_440 : i32
      %convert_element_type3A_442 = arith.extui %ge3A_441 : i1 to i32
      %cond3A_443 = arith.constant 0 : i32
      %cond3A_444 = arith.cmpi ne, %convert_element_type3A_442, %cond3A_443 : i32
      scf.if %cond3A_444 {
        %dma_wait3A_517 = arith.constant 0 : i32
        %dma_wait3A_518 = arith.constant 0 : i32
        %dma_wait3A_519 = arith.constant 0 : i32
        %dma_wait3A_520 = arith.constant 0 : i32
        %dma_wait3A_521 = arith.constant 0 : i32
        %dma_wait3A_522 = tpu.memref_slice %arg10[%dma_wait3A_518, %dma_wait3A_519, %dma_wait3A_520, %dma_wait3A_521] : memref<8x1x8x136xf32, #tpu.memory_space<vmem>> -> memref<8x1x8x128xf32, #tpu.memory_space<vmem>>
        %dma_wait3A_523 = arith.constant 0 : i32
        %dma_wait3A_524 = arith.constant 0 : i32
        %dma_wait3A_525 = arith.constant 0 : i32
        %dma_wait3A_526 = arith.constant 0 : i32
        %dma_wait3A_527 = tpu.memref_slice %arg4[%dma_wait3A_517, %dma_wait3A_523, %dma_wait3A_524, %dma_wait3A_525, %dma_wait3A_526] : memref<200x8x32x8x128xf32, #tpu.memory_space<hbm>> -> memref<1x8x1x8x128xf32, #tpu.memory_space<hbm>>
        %dma_wait3A_528 = tpu.memref_squeeze %dma_wait3A_527 : memref<1x8x1x8x128xf32, #tpu.memory_space<hbm>> -> memref<8x1x8x128xf32, #tpu.memory_space<hbm>>
        %dma_wait3A_529 = arith.constant 0 : i32
        %dma_wait3A_530 = arith.constant 0 : i32
        %dma_wait3A_531 = arith.constant 0 : i32
        %dma_wait3A_532 = arith.constant 0 : i32
        %dma_wait3A_533 = tpu.memref_slice %arg4[%dma_wait3A_517, %dma_wait3A_529, %dma_wait3A_530, %dma_wait3A_531, %dma_wait3A_532] : memref<200x8x32x8x128xf32, #tpu.memory_space<hbm>> -> memref<1x8x1x8x128xf32, #tpu.memory_space<hbm>>
        %dma_wait3A_534 = tpu.memref_squeeze %dma_wait3A_533 : memref<1x8x1x8x128xf32, #tpu.memory_space<hbm>> -> memref<8x1x8x128xf32, #tpu.memory_space<hbm>>
        %dma_wait3A_535 = arith.constant 0 : i32
        %dma_wait3A_536 = arith.constant 0 : i32
        %dma_wait3A_537 = arith.constant 0 : i32
        %dma_wait3A_538 = arith.constant 0 : i32
        %dma_wait3A_539 = tpu.memref_slice %arg10[%dma_wait3A_535, %dma_wait3A_536, %dma_wait3A_537, %dma_wait3A_538] : memref<8x1x8x136xf32, #tpu.memory_space<vmem>> -> memref<8x1x8x128xf32, #tpu.memory_space<vmem>>
        tpu.wait_dma2 semaphore(%arg16 : memref<!tpu.dma_semaphore, #tpu.memory_space<semaphore_mem>>) src(%dma_wait3A_539 : memref<8x1x8x128xf32, #tpu.memory_space<vmem>>) dst(%dma_wait3A_534 : memref<8x1x8x128xf32, #tpu.memory_space<hbm>>)
      } else {
      }
      %parallel_loop3A_445 = arith.constant 0 : i32
      %parallel_loop3A_446 = arith.constant 128 : i32
      %parallel_loop3A_447 = arith.constant 1 : i32
      scf.for %parallel_loop3A_517 = %parallel_loop3A_445 to %parallel_loop3A_446 step %parallel_loop3A_447  : i32 {
        %parallel_loop3A_518 = vector.broadcast %parallel_loop3A_517 : i32 to vector<16xi32>
        %parallel_loop3A_519 = arith.index_cast %parallel_loop3A_517 : i32 to index
        %parallel_loop3A_520 = arith.constant 0 : index
        %parallel_loop3A_521 = tpu.vector_load %arg6[%parallel_loop3A_519, %parallel_loop3A_520] {strides = array<i32>} : memref<128x64xf32, #tpu.memory_space<vmem>>, vector<16xf32>,
        %parallel_loop3A_522 = arith.constant 8.000000e+00 : f32
        %parallel_loop3A_523 = vector.broadcast %parallel_loop3A_522 : f32 to vector<16xf32>
        %parallel_loop3A_524 = arith.mulf %parallel_loop3A_521, %parallel_loop3A_523 : vector<16xf32>
        tpu.vector_store_idx %arg10[%select_n3A, %broadcast_in_dim3A_227, %select_n3A_151, %parallel_loop3A_518], %parallel_loop3A_524 : memref<8x1x8x136xf32, #tpu.memory_space<vmem>>[vector<16xi32>, vector<16xi32>, vector<16xi32>, vector<16xi32>], vector<16xf32>,
        %parallel_loop3A_525 = arith.index_cast %parallel_loop3A_517 : i32 to index
        %parallel_loop3A_526 = arith.constant 16 : index
        %parallel_loop3A_527 = tpu.vector_load %arg6[%parallel_loop3A_525, %parallel_loop3A_526] {strides = array<i32>} : memref<128x64xf32, #tpu.memory_space<vmem>>, vector<16xf32>,
        %parallel_loop3A_528 = arith.constant 8.000000e+00 : f32
        %parallel_loop3A_529 = vector.broadcast %parallel_loop3A_528 : f32 to vector<16xf32>
        %parallel_loop3A_530 = arith.mulf %parallel_loop3A_527, %parallel_loop3A_529 : vector<16xf32>
        tpu.vector_store_idx %arg10[%select_n3A_60, %broadcast_in_dim3A_227, %select_n3A_176, %parallel_loop3A_518], %parallel_loop3A_530 : memref<8x1x8x136xf32, #tpu.memory_space<vmem>>[vector<16xi32>, vector<16xi32>, vector<16xi32>, vector<16xi32>], vector<16xf32>,
        %parallel_loop3A_531 = arith.index_cast %parallel_loop3A_517 : i32 to index
        %parallel_loop3A_532 = arith.constant 32 : index
        %parallel_loop3A_533 = tpu.vector_load %arg6[%parallel_loop3A_531, %parallel_loop3A_532] {strides = array<i32>} : memref<128x64xf32, #tpu.memory_space<vmem>>, vector<16xf32>,
        %parallel_loop3A_534 = arith.constant 8.000000e+00 : f32
        %parallel_loop3A_535 = vector.broadcast %parallel_loop3A_534 : f32 to vector<16xf32>
        %parallel_loop3A_536 = arith.mulf %parallel_loop3A_533, %parallel_loop3A_535 : vector<16xf32>
        tpu.vector_store_idx %arg10[%select_n3A_94, %broadcast_in_dim3A_227, %select_n3A_201, %parallel_loop3A_518], %parallel_loop3A_536 : memref<8x1x8x136xf32, #tpu.memory_space<vmem>>[vector<16xi32>, vector<16xi32>, vector<16xi32>, vector<16xi32>], vector<16xf32>,
        %parallel_loop3A_537 = arith.index_cast %parallel_loop3A_517 : i32 to index
        %parallel_loop3A_538 = arith.constant 48 : index
        %parallel_loop3A_539 = tpu.vector_load %arg6[%parallel_loop3A_537, %parallel_loop3A_538] {strides = array<i32>} : memref<128x64xf32, #tpu.memory_space<vmem>>, vector<16xf32>,
        %parallel_loop3A_540 = arith.constant 8.000000e+00 : f32
        %parallel_loop3A_541 = vector.broadcast %parallel_loop3A_540 : f32 to vector<16xf32>
        %parallel_loop3A_542 = arith.mulf %parallel_loop3A_539, %parallel_loop3A_541 : vector<16xf32>
        tpu.vector_store_idx %arg10[%select_n3A_128, %broadcast_in_dim3A_227, %select_n3A_226, %parallel_loop3A_518], %parallel_loop3A_542 : memref<8x1x8x136xf32, #tpu.memory_space<vmem>>[vector<16xi32>, vector<16xi32>, vector<16xi32>, vector<16xi32>], vector<16xf32>,
      } {sc.loop_unroll_factor = 8 : i64, sc.parallel_access}
      %dma_start3A_448 = arith.constant 0 : i32
      %dma_start3A_449 = arith.constant 0 : i32
      %dma_start3A_450 = arith.constant 0 : i32
      %dma_start3A_451 = arith.constant 0 : i32
      %dma_start3A_452 = tpu.memref_slice %arg10[%dma_start3A_448, %dma_start3A_449, %dma_start3A_450, %dma_start3A_451] : memref<8x1x8x136xf32, #tpu.memory_space<vmem>> -> memref<8x1x8x128xf32, #tpu.memory_space<vmem>>
      %dma_start3A_453 = arith.constant 0 : i32
      %dma_start3A_454 = arith.constant 0 : i32
      %dma_start3A_455 = arith.constant 0 : i32
      %dma_start3A_456 = tpu.memref_slice %arg4[%add3A_430, %dma_start3A_453, %add3A, %dma_start3A_454, %dma_start3A_455] : memref<200x8x32x8x128xf32, #tpu.memory_space<hbm>> -> memref<1x8x1x8x128xf32, #tpu.memory_space<hbm>>
      %dma_start3A_457 = tpu.memref_squeeze %dma_start3A_456 : memref<1x8x1x8x128xf32, #tpu.memory_space<hbm>> -> memref<8x1x8x128xf32, #tpu.memory_space<hbm>>
      %dma_start3A_458 = arith.constant 0 : i32
      %dma_start3A_459 = arith.constant 0 : i32
      %dma_start3A_460 = arith.constant 0 : i32
      %dma_start3A_461 = tpu.memref_slice %arg4[%add3A_430, %dma_start3A_458, %add3A, %dma_start3A_459, %dma_start3A_460] : memref<200x8x32x8x128xf32, #tpu.memory_space<hbm>> -> memref<1x8x1x8x128xf32, #tpu.memory_space<hbm>>
      %dma_start3A_462 = tpu.memref_squeeze %dma_start3A_461 : memref<1x8x1x8x128xf32, #tpu.memory_space<hbm>> -> memref<8x1x8x128xf32, #tpu.memory_space<hbm>>
      %dma_start3A_463 = arith.constant 0 : i32
      %dma_start3A_464 = arith.constant 0 : i32
      %dma_start3A_465 = arith.constant 0 : i32
      %dma_start3A_466 = arith.constant 0 : i32
      %dma_start3A_467 = tpu.memref_slice %arg10[%dma_start3A_463, %dma_start3A_464, %dma_start3A_465, %dma_start3A_466] : memref<8x1x8x136xf32, #tpu.memory_space<vmem>> -> memref<8x1x8x128xf32, #tpu.memory_space<vmem>>
      tpu.enqueue_dma source(%dma_start3A_467 : memref<8x1x8x128xf32, #tpu.memory_space<vmem>>) target(%dma_start3A_462 : memref<8x1x8x128xf32, #tpu.memory_space<hbm>>) target_semaphore(%arg16 : memref<!tpu.dma_semaphore, #tpu.memory_space<semaphore_mem>>)
      %lt3A_468 = arith.constant 198 : i32
      %lt3A_469 = arith.cmpi slt, %add3A_430, %lt3A_468 : i32
      %convert_element_type3A_470 = arith.extui %lt3A_469 : i1 to i32
      %cond3A_471 = arith.constant 0 : i32
      %cond3A_472 = arith.cmpi ne, %convert_element_type3A_470, %cond3A_471 : i32
      scf.if %cond3A_472 {
        %add3A_517 = arith.constant 2 : i32
        %add3A_518 = arith.addi %add3A_430, %add3A_517 : i32
        %shift_right_arithmetic3A = arith.constant 3 : i32
        %shift_right_arithmetic3A_519 = arith.shrsi %add3A_518, %shift_right_arithmetic3A : i32
        %and3A_520 = arith.constant 7 : i32
        %and3A_521 = arith.andi %add3A_518, %and3A_520 : i32
        %dma_start3A_522 = arith.constant 0 : i32
        %dma_start3A_523 = arith.constant 0 : i32
        %dma_start3A_524 = tpu.memref_slice %arg5[%shift_right_arithmetic3A_519, %dma_start3A_522, %and3A_521, %dma_start3A_523] : memref<25x1x8x128xi32, #tpu.memory_space<vmem>> -> memref<1x1x1x128xi32, #tpu.memory_space<vmem>>
        %dma_start3A_525 = tpu.memref_squeeze %dma_start3A_524 : memref<1x1x1x128xi32, #tpu.memory_space<vmem>> -> memref<128xi32, #tpu.memory_space<vmem>>
        %dma_start3A_526 = arith.constant 0 : i32
        %dma_start3A_527 = arith.constant 0 : i32
        %dma_start3A_528 = tpu.memref_slice %arg3[%dma_start3A_526, %dma_start3A_527] : memref<1000000x64xf32, #tpu.memory_space<hbm>> -> memref<1000000x64xf32, #tpu.memory_space<hbm>>
        tpu.enqueue_indirect_dma source(%dma_start3A_528 : memref<1000000x64xf32, #tpu.memory_space<hbm>>) target(%arg6 : memref<128x64xf32, #tpu.memory_space<vmem>>) offsets(%dma_start3A_525 : memref<128xi32, #tpu.memory_space<vmem>>) semaphore(%arg12 : memref<!tpu.dma_semaphore, #tpu.memory_space<semaphore_mem>>)
      } else {
      }
      %add3A_473 = arith.constant 3 : i32
      %add3A_474 = arith.addi %add3A_344, %add3A_473 : i32
      %dma_wait3A_475 = arith.constant 0 : i32
      %dma_wait3A_476 = arith.constant 0 : i32
      %dma_wait3A_477 = arith.constant 0 : i32
      %dma_wait3A_478 = arith.constant 0 : i32
      %dma_wait3A_479 = tpu.memref_slice %arg5[%dma_wait3A_475, %dma_wait3A_476, %dma_wait3A_477, %dma_wait3A_478] : memref<25x1x8x128xi32, #tpu.memory_space<vmem>> -> memref<1x1x1x128xi32, #tpu.memory_space<vmem>>
      %dma_wait3A_480 = tpu.memref_squeeze %dma_wait3A_479 : memref<1x1x1x128xi32, #tpu.memory_space<vmem>> -> memref<128xi32, #tpu.memory_space<vmem>>
      %dma_wait3A_481 = arith.constant 0 : i32
      %dma_wait3A_482 = arith.constant 0 : i32
      %dma_wait3A_483 = tpu.memref_slice %arg3[%dma_wait3A_481, %dma_wait3A_482] : memref<1000000x64xf32, #tpu.memory_space<hbm>> -> memref<1000000x64xf32, #tpu.memory_space<hbm>>
      tpu.wait_indirect_dma semaphore(%arg13 : memref<!tpu.dma_semaphore, #tpu.memory_space<semaphore_mem>>) src(%dma_wait3A_483 : memref<1000000x64xf32, #tpu.memory_space<hbm>>) dst(%arg7 : memref<128x64xf32, #tpu.memory_space<vmem>>)
      %ge3A_484 = arith.constant 4 : i32
      %ge3A_485 = arith.cmpi sge, %add3A_474, %ge3A_484 : i32
      %convert_element_type3A_486 = arith.extui %ge3A_485 : i1 to i32
      %cond3A_487 = arith.constant 0 : i32
      %cond3A_488 = arith.cmpi ne, %convert_element_type3A_486, %cond3A_487 : i32
      scf.if %cond3A_488 {
        %dma_wait3A_517 = arith.constant 0 : i32
        %dma_wait3A_518 = arith.constant 0 : i32
        %dma_wait3A_519 = arith.constant 0 : i32
        %dma_wait3A_520 = arith.constant 0 : i32
        %dma_wait3A_521 = arith.constant 0 : i32
        %dma_wait3A_522 = tpu.memref_slice %arg11[%dma_wait3A_518, %dma_wait3A_519, %dma_wait3A_520, %dma_wait3A_521] : memref<8x1x8x136xf32, #tpu.memory_space<vmem>> -> memref<8x1x8x128xf32, #tpu.memory_space<vmem>>
        %dma_wait3A_523 = arith.constant 0 : i32
        %dma_wait3A_524 = arith.constant 0 : i32
        %dma_wait3A_525 = arith.constant 0 : i32
        %dma_wait3A_526 = arith.constant 0 : i32
        %dma_wait3A_527 = tpu.memref_slice %arg4[%dma_wait3A_517, %dma_wait3A_523, %dma_wait3A_524, %dma_wait3A_525, %dma_wait3A_526] : memref<200x8x32x8x128xf32, #tpu.memory_space<hbm>> -> memref<1x8x1x8x128xf32, #tpu.memory_space<hbm>>
        %dma_wait3A_528 = tpu.memref_squeeze %dma_wait3A_527 : memref<1x8x1x8x128xf32, #tpu.memory_space<hbm>> -> memref<8x1x8x128xf32, #tpu.memory_space<hbm>>
        %dma_wait3A_529 = arith.constant 0 : i32
        %dma_wait3A_530 = arith.constant 0 : i32
        %dma_wait3A_531 = arith.constant 0 : i32
        %dma_wait3A_532 = arith.constant 0 : i32
        %dma_wait3A_533 = tpu.memref_slice %arg4[%dma_wait3A_517, %dma_wait3A_529, %dma_wait3A_530, %dma_wait3A_531, %dma_wait3A_532] : memref<200x8x32x8x128xf32, #tpu.memory_space<hbm>> -> memref<1x8x1x8x128xf32, #tpu.memory_space<hbm>>
        %dma_wait3A_534 = tpu.memref_squeeze %dma_wait3A_533 : memref<1x8x1x8x128xf32, #tpu.memory_space<hbm>> -> memref<8x1x8x128xf32, #tpu.memory_space<hbm>>
        %dma_wait3A_535 = arith.constant 0 : i32
        %dma_wait3A_536 = arith.constant 0 : i32
        %dma_wait3A_537 = arith.constant 0 : i32
        %dma_wait3A_538 = arith.constant 0 : i32
        %dma_wait3A_539 = tpu.memref_slice %arg11[%dma_wait3A_535, %dma_wait3A_536, %dma_wait3A_537, %dma_wait3A_538] : memref<8x1x8x136xf32, #tpu.memory_space<vmem>> -> memref<8x1x8x128xf32, #tpu.memory_space<vmem>>
        tpu.wait_dma2 semaphore(%arg17 : memref<!tpu.dma_semaphore, #tpu.memory_space<semaphore_mem>>) src(%dma_wait3A_539 : memref<8x1x8x128xf32, #tpu.memory_space<vmem>>) dst(%dma_wait3A_534 : memref<8x1x8x128xf32, #tpu.memory_space<hbm>>)
      } else {
      }
      %parallel_loop3A_489 = arith.constant 0 : i32
      %parallel_loop3A_490 = arith.constant 128 : i32
      %parallel_loop3A_491 = arith.constant 1 : i32
      scf.for %parallel_loop3A_517 = %parallel_loop3A_489 to %parallel_loop3A_490 step %parallel_loop3A_491  : i32 {
        %parallel_loop3A_518 = vector.broadcast %parallel_loop3A_517 : i32 to vector<16xi32>
        %parallel_loop3A_519 = arith.index_cast %parallel_loop3A_517 : i32 to index
        %parallel_loop3A_520 = arith.constant 0 : index
        %parallel_loop3A_521 = tpu.vector_load %arg7[%parallel_loop3A_519, %parallel_loop3A_520] {strides = array<i32>} : memref<128x64xf32, #tpu.memory_space<vmem>>, vector<16xf32>,
        %parallel_loop3A_522 = arith.constant 8.000000e+00 : f32
        %parallel_loop3A_523 = vector.broadcast %parallel_loop3A_522 : f32 to vector<16xf32>
        %parallel_loop3A_524 = arith.mulf %parallel_loop3A_521, %parallel_loop3A_523 : vector<16xf32>
        tpu.vector_store_idx %arg11[%select_n3A, %broadcast_in_dim3A_227, %select_n3A_151, %parallel_loop3A_518], %parallel_loop3A_524 : memref<8x1x8x136xf32, #tpu.memory_space<vmem>>[vector<16xi32>, vector<16xi32>, vector<16xi32>, vector<16xi32>], vector<16xf32>,
        %parallel_loop3A_525 = arith.index_cast %parallel_loop3A_517 : i32 to index
        %parallel_loop3A_526 = arith.constant 16 : index
        %parallel_loop3A_527 = tpu.vector_load %arg7[%parallel_loop3A_525, %parallel_loop3A_526] {strides = array<i32>} : memref<128x64xf32, #tpu.memory_space<vmem>>, vector<16xf32>,
        %parallel_loop3A_528 = arith.constant 8.000000e+00 : f32
        %parallel_loop3A_529 = vector.broadcast %parallel_loop3A_528 : f32 to vector<16xf32>
        %parallel_loop3A_530 = arith.mulf %parallel_loop3A_527, %parallel_loop3A_529 : vector<16xf32>
        tpu.vector_store_idx %arg11[%select_n3A_60, %broadcast_in_dim3A_227, %select_n3A_176, %parallel_loop3A_518], %parallel_loop3A_530 : memref<8x1x8x136xf32, #tpu.memory_space<vmem>>[vector<16xi32>, vector<16xi32>, vector<16xi32>, vector<16xi32>], vector<16xf32>,
        %parallel_loop3A_531 = arith.index_cast %parallel_loop3A_517 : i32 to index
        %parallel_loop3A_532 = arith.constant 32 : index
        %parallel_loop3A_533 = tpu.vector_load %arg7[%parallel_loop3A_531, %parallel_loop3A_532] {strides = array<i32>} : memref<128x64xf32, #tpu.memory_space<vmem>>, vector<16xf32>,
        %parallel_loop3A_534 = arith.constant 8.000000e+00 : f32
        %parallel_loop3A_535 = vector.broadcast %parallel_loop3A_534 : f32 to vector<16xf32>
        %parallel_loop3A_536 = arith.mulf %parallel_loop3A_533, %parallel_loop3A_535 : vector<16xf32>
        tpu.vector_store_idx %arg11[%select_n3A_94, %broadcast_in_dim3A_227, %select_n3A_201, %parallel_loop3A_518], %parallel_loop3A_536 : memref<8x1x8x136xf32, #tpu.memory_space<vmem>>[vector<16xi32>, vector<16xi32>, vector<16xi32>, vector<16xi32>], vector<16xf32>,
        %parallel_loop3A_537 = arith.index_cast %parallel_loop3A_517 : i32 to index
        %parallel_loop3A_538 = arith.constant 48 : index
        %parallel_loop3A_539 = tpu.vector_load %arg7[%parallel_loop3A_537, %parallel_loop3A_538] {strides = array<i32>} : memref<128x64xf32, #tpu.memory_space<vmem>>, vector<16xf32>,
        %parallel_loop3A_540 = arith.constant 8.000000e+00 : f32
        %parallel_loop3A_541 = vector.broadcast %parallel_loop3A_540 : f32 to vector<16xf32>
        %parallel_loop3A_542 = arith.mulf %parallel_loop3A_539, %parallel_loop3A_541 : vector<16xf32>
        tpu.vector_store_idx %arg11[%select_n3A_128, %broadcast_in_dim3A_227, %select_n3A_226, %parallel_loop3A_518], %parallel_loop3A_542 : memref<8x1x8x136xf32, #tpu.memory_space<vmem>>[vector<16xi32>, vector<16xi32>, vector<16xi32>, vector<16xi32>], vector<16xf32>,
      } {sc.loop_unroll_factor = 8 : i64, sc.parallel_access}
      %dma_start3A_492 = arith.constant 0 : i32
      %dma_start3A_493 = arith.constant 0 : i32
      %dma_start3A_494 = arith.constant 0 : i32
      %dma_start3A_495 = arith.constant 0 : i32
      %dma_start3A_496 = tpu.memref_slice %arg11[%dma_start3A_492, %dma_start3A_493, %dma_start3A_494, %dma_start3A_495] : memref<8x1x8x136xf32, #tpu.memory_space<vmem>> -> memref<8x1x8x128xf32, #tpu.memory_space<vmem>>
      %dma_start3A_497 = arith.constant 0 : i32
      %dma_start3A_498 = arith.constant 0 : i32
      %dma_start3A_499 = arith.constant 0 : i32
      %dma_start3A_500 = tpu.memref_slice %arg4[%add3A_474, %dma_start3A_497, %add3A, %dma_start3A_498, %dma_start3A_499] : memref<200x8x32x8x128xf32, #tpu.memory_space<hbm>> -> memref<1x8x1x8x128xf32, #tpu.memory_space<hbm>>
      %dma_start3A_501 = tpu.memref_squeeze %dma_start3A_500 : memref<1x8x1x8x128xf32, #tpu.memory_space<hbm>> -> memref<8x1x8x128xf32, #tpu.memory_space<hbm>>
      %dma_start3A_502 = arith.constant 0 : i32
      %dma_start3A_503 = arith.constant 0 : i32
      %dma_start3A_504 = arith.constant 0 : i32
      %dma_start3A_505 = tpu.memref_slice %arg4[%add3A_474, %dma_start3A_502, %add3A, %dma_start3A_503, %dma_start3A_504] : memref<200x8x32x8x128xf32, #tpu.memory_space<hbm>> -> memref<1x8x1x8x128xf32, #tpu.memory_space<hbm>>
      %dma_start3A_506 = tpu.memref_squeeze %dma_start3A_505 : memref<1x8x1x8x128xf32, #tpu.memory_space<hbm>> -> memref<8x1x8x128xf32, #tpu.memory_space<hbm>>
      %dma_start3A_507 = arith.constant 0 : i32
      %dma_start3A_508 = arith.constant 0 : i32
      %dma_start3A_509 = arith.constant 0 : i32
      %dma_start3A_510 = arith.constant 0 : i32
      %dma_start3A_511 = tpu.memref_slice %arg11[%dma_start3A_507, %dma_start3A_508, %dma_start3A_509, %dma_start3A_510] : memref<8x1x8x136xf32, #tpu.memory_space<vmem>> -> memref<8x1x8x128xf32, #tpu.memory_space<vmem>>
      tpu.enqueue_dma source(%dma_start3A_511 : memref<8x1x8x128xf32, #tpu.memory_space<vmem>>) target(%dma_start3A_506 : memref<8x1x8x128xf32, #tpu.memory_space<hbm>>) target_semaphore(%arg17 : memref<!tpu.dma_semaphore, #tpu.memory_space<semaphore_mem>>)
      %lt3A_512 = arith.constant 198 : i32
      %lt3A_513 = arith.cmpi slt, %add3A_474, %lt3A_512 : i32
      %convert_element_type3A_514 = arith.extui %lt3A_513 : i1 to i32
      %cond3A_515 = arith.constant 0 : i32
      %cond3A_516 = arith.cmpi ne, %convert_element_type3A_514, %cond3A_515 : i32
      scf.if %cond3A_516 {
        %add3A_517 = arith.constant 2 : i32
        %add3A_518 = arith.addi %add3A_474, %add3A_517 : i32
        %shift_right_arithmetic3A = arith.constant 3 : i32
        %shift_right_arithmetic3A_519 = arith.shrsi %add3A_518, %shift_right_arithmetic3A : i32
        %and3A_520 = arith.constant 7 : i32
        %and3A_521 = arith.andi %add3A_518, %and3A_520 : i32
        %dma_start3A_522 = arith.constant 0 : i32
        %dma_start3A_523 = arith.constant 0 : i32
        %dma_start3A_524 = tpu.memref_slice %arg5[%shift_right_arithmetic3A_519, %dma_start3A_522, %and3A_521, %dma_start3A_523] : memref<25x1x8x128xi32, #tpu.memory_space<vmem>> -> memref<1x1x1x128xi32, #tpu.memory_space<vmem>>
        %dma_start3A_525 = tpu.memref_squeeze %dma_start3A_524 : memref<1x1x1x128xi32, #tpu.memory_space<vmem>> -> memref<128xi32, #tpu.memory_space<vmem>>
        %dma_start3A_526 = arith.constant 0 : i32
        %dma_start3A_527 = arith.constant 0 : i32
        %dma_start3A_528 = tpu.memref_slice %arg3[%dma_start3A_526, %dma_start3A_527] : memref<1000000x64xf32, #tpu.memory_space<hbm>> -> memref<1000000x64xf32, #tpu.memory_space<hbm>>
        tpu.enqueue_indirect_dma source(%dma_start3A_528 : memref<1000000x64xf32, #tpu.memory_space<hbm>>) target(%arg7 : memref<128x64xf32, #tpu.memory_space<vmem>>) offsets(%dma_start3A_525 : memref<128xi32, #tpu.memory_space<vmem>>) semaphore(%arg13 : memref<!tpu.dma_semaphore, #tpu.memory_space<semaphore_mem>>)
      } else {
      }
    }
    %scan3A_248 = arith.constant 50 : i32
    %dma_wait3A = arith.constant 0 : i32
    %dma_wait3A_249 = arith.constant 0 : i32
    %dma_wait3A_250 = arith.constant 0 : i32
    %dma_wait3A_251 = arith.constant 0 : i32
    %dma_wait3A_252 = arith.constant 0 : i32
    %dma_wait3A_253 = tpu.memref_slice %arg8[%dma_wait3A_249, %dma_wait3A_250, %dma_wait3A_251, %dma_wait3A_252] : memref<8x1x8x136xf32, #tpu.memory_space<vmem>> -> memref<8x1x8x128xf32, #tpu.memory_space<vmem>>
    %dma_wait3A_254 = arith.constant 0 : i32
    %dma_wait3A_255 = arith.constant 0 : i32
    %dma_wait3A_256 = arith.constant 0 : i32
    %dma_wait3A_257 = arith.constant 0 : i32
    %dma_wait3A_258 = tpu.memref_slice %arg4[%dma_wait3A, %dma_wait3A_254, %dma_wait3A_255, %dma_wait3A_256, %dma_wait3A_257] : memref<200x8x32x8x128xf32, #tpu.memory_space<hbm>> -> memref<1x8x1x8x128xf32, #tpu.memory_space<hbm>>
    %dma_wait3A_259 = tpu.memref_squeeze %dma_wait3A_258 : memref<1x8x1x8x128xf32, #tpu.memory_space<hbm>> -> memref<8x1x8x128xf32, #tpu.memory_space<hbm>>
    %dma_wait3A_260 = arith.constant 0 : i32
    %dma_wait3A_261 = arith.constant 0 : i32
    %dma_wait3A_262 = arith.constant 0 : i32
    %dma_wait3A_263 = arith.constant 0 : i32
    %dma_wait3A_264 = tpu.memref_slice %arg4[%dma_wait3A, %dma_wait3A_260, %dma_wait3A_261, %dma_wait3A_262, %dma_wait3A_263] : memref<200x8x32x8x128xf32, #tpu.memory_space<hbm>> -> memref<1x8x1x8x128xf32, #tpu.memory_space<hbm>>
    %dma_wait3A_265 = tpu.memref_squeeze %dma_wait3A_264 : memref<1x8x1x8x128xf32, #tpu.memory_space<hbm>> -> memref<8x1x8x128xf32, #tpu.memory_space<hbm>>
    %dma_wait3A_266 = arith.constant 0 : i32
    %dma_wait3A_267 = arith.constant 0 : i32
    %dma_wait3A_268 = arith.constant 0 : i32
    %dma_wait3A_269 = arith.constant 0 : i32
    %dma_wait3A_270 = tpu.memref_slice %arg8[%dma_wait3A_266, %dma_wait3A_267, %dma_wait3A_268, %dma_wait3A_269] : memref<8x1x8x136xf32, #tpu.memory_space<vmem>> -> memref<8x1x8x128xf32, #tpu.memory_space<vmem>>
    tpu.wait_dma2 semaphore(%arg14 : memref<!tpu.dma_semaphore, #tpu.memory_space<semaphore_mem>>) src(%dma_wait3A_270 : memref<8x1x8x128xf32, #tpu.memory_space<vmem>>) dst(%dma_wait3A_265 : memref<8x1x8x128xf32, #tpu.memory_space<hbm>>)
    %dma_wait3A_271 = arith.constant 0 : i32
    %dma_wait3A_272 = arith.constant 0 : i32
    %dma_wait3A_273 = arith.constant 0 : i32
    %dma_wait3A_274 = arith.constant 0 : i32
    %dma_wait3A_275 = arith.constant 0 : i32
    %dma_wait3A_276 = tpu.memref_slice %arg9[%dma_wait3A_272, %dma_wait3A_273, %dma_wait3A_274, %dma_wait3A_275] : memref<8x1x8x136xf32, #tpu.memory_space<vmem>> -> memref<8x1x8x128xf32, #tpu.memory_space<vmem>>
    %dma_wait3A_277 = arith.constant 0 : i32
    %dma_wait3A_278 = arith.constant 0 : i32
    %dma_wait3A_279 = arith.constant 0 : i32
    %dma_wait3A_280 = arith.constant 0 : i32
    %dma_wait3A_281 = tpu.memref_slice %arg4[%dma_wait3A_271, %dma_wait3A_277, %dma_wait3A_278, %dma_wait3A_279, %dma_wait3A_280] : memref<200x8x32x8x128xf32, #tpu.memory_space<hbm>> -> memref<1x8x1x8x128xf32, #tpu.memory_space<hbm>>
    %dma_wait3A_282 = tpu.memref_squeeze %dma_wait3A_281 : memref<1x8x1x8x128xf32, #tpu.memory_space<hbm>> -> memref<8x1x8x128xf32, #tpu.memory_space<hbm>>
    %dma_wait3A_283 = arith.constant 0 : i32
    %dma_wait3A_284 = arith.constant 0 : i32
    %dma_wait3A_285 = arith.constant 0 : i32
    %dma_wait3A_286 = arith.constant 0 : i32
    %dma_wait3A_287 = tpu.memref_slice %arg4[%dma_wait3A_271, %dma_wait3A_283, %dma_wait3A_284, %dma_wait3A_285, %dma_wait3A_286] : memref<200x8x32x8x128xf32, #tpu.memory_space<hbm>> -> memref<1x8x1x8x128xf32, #tpu.memory_space<hbm>>
    %dma_wait3A_288 = tpu.memref_squeeze %dma_wait3A_287 : memref<1x8x1x8x128xf32, #tpu.memory_space<hbm>> -> memref<8x1x8x128xf32, #tpu.memory_space<hbm>>
    %dma_wait3A_289 = arith.constant 0 : i32
    %dma_wait3A_290 = arith.constant 0 : i32
    %dma_wait3A_291 = arith.constant 0 : i32
    %dma_wait3A_292 = arith.constant 0 : i32
    %dma_wait3A_293 = tpu.memref_slice %arg9[%dma_wait3A_289, %dma_wait3A_290, %dma_wait3A_291, %dma_wait3A_292] : memref<8x1x8x136xf32, #tpu.memory_space<vmem>> -> memref<8x1x8x128xf32, #tpu.memory_space<vmem>>
    tpu.wait_dma2 semaphore(%arg15 : memref<!tpu.dma_semaphore, #tpu.memory_space<semaphore_mem>>) src(%dma_wait3A_293 : memref<8x1x8x128xf32, #tpu.memory_space<vmem>>) dst(%dma_wait3A_288 : memref<8x1x8x128xf32, #tpu.memory_space<hbm>>)
    %dma_wait3A_294 = arith.constant 0 : i32
    %dma_wait3A_295 = arith.constant 0 : i32
    %dma_wait3A_296 = arith.constant 0 : i32
    %dma_wait3A_297 = arith.constant 0 : i32
    %dma_wait3A_298 = arith.constant 0 : i32
    %dma_wait3A_299 = tpu.memref_slice %arg10[%dma_wait3A_295, %dma_wait3A_296, %dma_wait3A_297, %dma_wait3A_298] : memref<8x1x8x136xf32, #tpu.memory_space<vmem>> -> memref<8x1x8x128xf32, #tpu.memory_space<vmem>>
    %dma_wait3A_300 = arith.constant 0 : i32
    %dma_wait3A_301 = arith.constant 0 : i32
    %dma_wait3A_302 = arith.constant 0 : i32
    %dma_wait3A_303 = arith.constant 0 : i32
    %dma_wait3A_304 = tpu.memref_slice %arg4[%dma_wait3A_294, %dma_wait3A_300, %dma_wait3A_301, %dma_wait3A_302, %dma_wait3A_303] : memref<200x8x32x8x128xf32, #tpu.memory_space<hbm>> -> memref<1x8x1x8x128xf32, #tpu.memory_space<hbm>>
    %dma_wait3A_305 = tpu.memref_squeeze %dma_wait3A_304 : memref<1x8x1x8x128xf32, #tpu.memory_space<hbm>> -> memref<8x1x8x128xf32, #tpu.memory_space<hbm>>
    %dma_wait3A_306 = arith.constant 0 : i32
    %dma_wait3A_307 = arith.constant 0 : i32
    %dma_wait3A_308 = arith.constant 0 : i32
    %dma_wait3A_309 = arith.constant 0 : i32
    %dma_wait3A_310 = tpu.memref_slice %arg4[%dma_wait3A_294, %dma_wait3A_306, %dma_wait3A_307, %dma_wait3A_308, %dma_wait3A_309] : memref<200x8x32x8x128xf32, #tpu.memory_space<hbm>> -> memref<1x8x1x8x128xf32, #tpu.memory_space<hbm>>
    %dma_wait3A_311 = tpu.memref_squeeze %dma_wait3A_310 : memref<1x8x1x8x128xf32, #tpu.memory_space<hbm>> -> memref<8x1x8x128xf32, #tpu.memory_space<hbm>>
    %dma_wait3A_312 = arith.constant 0 : i32
    %dma_wait3A_313 = arith.constant 0 : i32
    %dma_wait3A_314 = arith.constant 0 : i32
    %dma_wait3A_315 = arith.constant 0 : i32
    %dma_wait3A_316 = tpu.memref_slice %arg10[%dma_wait3A_312, %dma_wait3A_313, %dma_wait3A_314, %dma_wait3A_315] : memref<8x1x8x136xf32, #tpu.memory_space<vmem>> -> memref<8x1x8x128xf32, #tpu.memory_space<vmem>>
    tpu.wait_dma2 semaphore(%arg16 : memref<!tpu.dma_semaphore, #tpu.memory_space<semaphore_mem>>) src(%dma_wait3A_316 : memref<8x1x8x128xf32, #tpu.memory_space<vmem>>) dst(%dma_wait3A_311 : memref<8x1x8x128xf32, #tpu.memory_space<hbm>>)
    %dma_wait3A_317 = arith.constant 0 : i32
    %dma_wait3A_318 = arith.constant 0 : i32
    %dma_wait3A_319 = arith.constant 0 : i32
    %dma_wait3A_320 = arith.constant 0 : i32
    %dma_wait3A_321 = arith.constant 0 : i32
    %dma_wait3A_322 = tpu.memref_slice %arg11[%dma_wait3A_318, %dma_wait3A_319, %dma_wait3A_320, %dma_wait3A_321] : memref<8x1x8x136xf32, #tpu.memory_space<vmem>> -> memref<8x1x8x128xf32, #tpu.memory_space<vmem>>
    %dma_wait3A_323 = arith.constant 0 : i32
    %dma_wait3A_324 = arith.constant 0 : i32
    %dma_wait3A_325 = arith.constant 0 : i32
    %dma_wait3A_326 = arith.constant 0 : i32
    %dma_wait3A_327 = tpu.memref_slice %arg4[%dma_wait3A_317, %dma_wait3A_323, %dma_wait3A_324, %dma_wait3A_325, %dma_wait3A_326] : memref<200x8x32x8x128xf32, #tpu.memory_space<hbm>> -> memref<1x8x1x8x128xf32, #tpu.memory_space<hbm>>
    %dma_wait3A_328 = tpu.memref_squeeze %dma_wait3A_327 : memref<1x8x1x8x128xf32, #tpu.memory_space<hbm>> -> memref<8x1x8x128xf32, #tpu.memory_space<hbm>>
    %dma_wait3A_329 = arith.constant 0 : i32
    %dma_wait3A_330 = arith.constant 0 : i32
    %dma_wait3A_331 = arith.constant 0 : i32
    %dma_wait3A_332 = arith.constant 0 : i32
    %dma_wait3A_333 = tpu.memref_slice %arg4[%dma_wait3A_317, %dma_wait3A_329, %dma_wait3A_330, %dma_wait3A_331, %dma_wait3A_332] : memref<200x8x32x8x128xf32, #tpu.memory_space<hbm>> -> memref<1x8x1x8x128xf32, #tpu.memory_space<hbm>>
    %dma_wait3A_334 = tpu.memref_squeeze %dma_wait3A_333 : memref<1x8x1x8x128xf32, #tpu.memory_space<hbm>> -> memref<8x1x8x128xf32, #tpu.memory_space<hbm>>
    %dma_wait3A_335 = arith.constant 0 : i32
    %dma_wait3A_336 = arith.constant 0 : i32
    %dma_wait3A_337 = arith.constant 0 : i32
    %dma_wait3A_338 = arith.constant 0 : i32
    %dma_wait3A_339 = tpu.memref_slice %arg11[%dma_wait3A_335, %dma_wait3A_336, %dma_wait3A_337, %dma_wait3A_338] : memref<8x1x8x136xf32, #tpu.memory_space<vmem>> -> memref<8x1x8x128xf32, #tpu.memory_space<vmem>>
    tpu.wait_dma2 semaphore(%arg17 : memref<!tpu.dma_semaphore, #tpu.memory_space<semaphore_mem>>) src(%dma_wait3A_339 : memref<8x1x8x128xf32, #tpu.memory_space<vmem>>) dst(%dma_wait3A_334 : memref<8x1x8x128xf32, #tpu.memory_space<hbm>>)
    return
  }
}

</mosaic_0001>

<sc_bundles>
// kernel: kernel.3.cloned.1.call-start
scs
__scs_entry_jumppad:
0x0: {  	(pc) =	sbr.rel $0x88, $3  }
0x1: {  	(tag) =	ssettag $0x0;
	lr =	simm.s32 $0x1  }
0x2: {  	[smem:$0x3F9F] =	sst lr;
	_ =	strace $0xD0000000  }
0x3: {  	_ = 	snop  }
0x4: {  	_ = 	snop  }
0x5: {  	_ = 	snop  }
0x6: {  	_ = 	snop  }
0x7: {  	_ = 	snop  }
__scs_overlays_trampoline_lowered:
0x8: {  	[smem:$0x3FAE] =	sst s0  }
0x9: {  	[smem:$0x3FAF] =	sst s1  }
0xa: {  	[smem:$0x3FB0] =	sst s2  }
0xb: {  	[smem:$0x3FB1] =	sst s3  }
0xc: {  	[smem:$0x3FB2] =	sst s4  }
0xd: {  	[smem:$0x3FB3] =	sst s5  }
0xe: {  	[smem:$0x3FB4] =	sst s6  }
0xf: {  	[smem:$0x3FB5] =	sst s7  }
0x10: {  	[smem:$0x3FB6] =	sst s8  }
0x11: {  	[smem:$0x3FB7] =	sst s9;
	s0 =	simm.s32 @!p0 $0x0  }
0x12: {  	s1 =	sld [smem:$0x3F9D];
	s0 =	simm.s32 @p0 $0x1  }
0x13: {  	[smem:$0x3FB8] =	sst s0;
	s0 =	simm.s32 @!p1 $0x0  }
0x14: {  	s2 =	sld [smem:$0x3F9C];
	s0 =	simm.s32 @p1 $0x1  }
0x15: {  	[smem:$0x3FB9] =	sst s0;
	s0 =	simm.s32 @!p2 $0x0  }
0x16: {  	s3 =	sld [smem:$0x3FDB];
	s0 =	simm.s32 @p2 $0x1  }
0x17: {  	s4 =	simm.s32 $0x1BF5;
	[smem:$0x3FBB] =	sst s0  }
0x18: {  	s0 =	sld [smem:$0x3F9E];
	_ =	swait.ge [sflag:s4], $0x0  }
0x19: {  	s7 =	sld [smem:$0x3F9F]  }
0x1a: {  	s8 =	sadd.s32 $0xFFFFE003, lr  }
0x1b: {  	s9 =	sadd.s32 $0xFFFFFEF7, lr;
	s5 =	simm.s32 $0xFFFFFFFF;
	p2 =	slt.u32 s8, $0xFFFFF086  }
0x1c: {  	p1 =	slt.u32 s9, $0xF7A;
	s5 =	simm.s32 @!p2 $0x0  }
0x1d: {  	s5 =	simm.s32 @p1 $0x1;
	p0 =	seq.s32 s7, s2  }
0x1e: {  	s7 =	smul.u32 @!p0 $0xF7A, s2;
	p2 =	seq.s32 @!p0 s5, $0x0  }
0x1f: {  	s9 =	smul.u32 $0xF7A, s1;
	s8 =	simm.s32 @!p0 $0x1BF5;
	p2 =	por !p2, p0  }
0x20: {  	[sflag:s8] =	ssyncset.s32 @!p0 $0xFFFFF086;
	s6 =	sadd.s32 @!p0 s3, s7;
	s7 =	simm.s32 @!p0 $0x108  }
0x21: {  	s3 =	sadd.s32 s3, s9;
	s6 =	sadd.s32 @!p0 $0x88, s6;
	s7 =	simm.s32 @p2 $0x1082  }
0x22: {  	[simem:s7], [sflag:s8] =	dma.local @!p0 [hbm:s6], $0xF7A  }
0x23: {  	s9 =	sor.u32 $0xD0000000, s2;
	s6 =	simm.s32 $0x108;
	_ =	swait.ge @!p0 [sflag:s8], $0x0  }
0x24: {  	s3 =	sadd.s32 $0x88, s3;
	s6 =	simm.s32 @!p1 $0x1082;
	[sflag:s4] =	ssyncset.s32 $0xFFFFF086  }
0x25: {  	[simem:s6], [sflag:s4] =	dma.local [hbm:s3], $0xF7A  }
0x26: {  	[smem:$0x3F9F] =	sst s1;
	(tag) =	ssettag s2;
	_ =	strace s9  }
0x27: {  	s1 =	sld [smem:$0x3FAF]  }
0x28: {  	s2 =	sld [smem:$0x3FB0]  }
0x29: {  	s4 =	sld [smem:$0x3FB2]  }
0x2a: {  	p0 =	seq.s32 s5, $0x0;
	s5 =	sld [smem:$0x3FB3]  }
0x2b: {  	s6 =	sld [smem:$0x3FB4]  }
0x2c: {  	s7 =	sld [smem:$0x3FB5]  }
0x2d: {  	s3 =	simm.s32 $0x108;
	s8 =	sld [smem:$0x3FB6]  }
0x2e: {  	s3 =	simm.s32 @!p0 $0x1082;
	s9 =	sld [smem:$0x3FB7]  }
0x2f: {  	lr =	sadd.s32 s0, s3;
	s0 =	sld [smem:$0x3FAE]  }
0x30: {  	s3 =	sld [smem:$0x3FB1]  }
0x31: {  	[smem:$0x3FBA] =	sst s10  }
0x32: {  	s10 =	sld [smem:$0x3FB8];
	_ =	sdelay $0x3  }
0x33: {  	p0 =	seq.s32 s10, $0x1;
	s10 =	sld [smem:$0x3FBA];
	_ =	sdelay $0x3  }
0x34: {  	[smem:$0x3FBA] =	sst s10  }
0x35: {  	s10 =	sld [smem:$0x3FB9];
	_ =	sdelay $0x3  }
0x36: {  	p1 =	seq.s32 s10, $0x1;
	s10 =	sld [smem:$0x3FBA];
	_ =	sdelay $0x3  }
0x37: {  	[smem:$0x3FBA] =	sst s10  }
0x38: {  	s10 =	sld [smem:$0x3FBB]  }
0x39: {  	_ = 	snop;
	(pc) =	sbr.ind lr, $3  }
0x3a: {  	_ = 	snop  }
0x3b: {  	_ = 	snop  }
0x3c: {  	p2 =	seq.s32 s10, $0x1;
	s10 =	sld [smem:$0x3FBA]  }
0x3d: {  	_ =	shalt  }
0x3e: {  	_ =	shalt  }
0x3f: {  	_ =	shalt  }
0x40: {  	_ =	shalt  }
0x41: {  	_ =	shalt  }
0x42: {  	_ =	shalt  }
0x43: {  	_ =	shalt  }
0x44: {  	_ =	shalt  }
0x45: {  	_ =	shalt  }
0x46: {  	_ =	shalt  }
0x47: {  	_ =	shalt  }
0x48: {  	_ =	shalt  }
0x49: {  	_ =	shalt  }
0x4a: {  	_ =	shalt  }
0x4b: {  	_ =	shalt  }
0x4c: {  	_ =	shalt  }
0x4d: {  	_ =	shalt  }
0x4e: {  	_ =	shalt  }
0x4f: {  	_ =	shalt  }
0x50: {  	_ =	shalt  }
0x51: {  	_ =	shalt  }
0x52: {  	_ =	shalt  }
0x53: {  	_ =	shalt  }
0x54: {  	_ =	shalt  }
0x55: {  	_ =	shalt  }
0x56: {  	_ =	shalt  }
0x57: {  	_ =	shalt  }
0x58: {  	_ =	shalt  }
0x59: {  	_ =	shalt  }
0x5a: {  	_ =	shalt  }
0x5b: {  	_ =	shalt  }
0x5c: {  	_ =	shalt  }
0x5d: {  	_ =	shalt  }
0x5e: {  	_ =	shalt  }
0x5f: {  	_ =	shalt  }
0x60: {  	_ =	shalt  }
0x61: {  	_ =	shalt  }
0x62: {  	_ =	shalt  }
0x63: {  	_ =	shalt  }
0x64: {  	_ =	shalt  }
0x65: {  	_ =	shalt  }
0x66: {  	_ =	shalt  }
0x67: {  	_ =	shalt  }
0x68: {  	_ =	shalt  }
0x69: {  	_ =	shalt  }
0x6a: {  	_ =	shalt  }
0x6b: {  	_ =	shalt  }
0x6c: {  	_ =	shalt  }
0x6d: {  	_ =	shalt  }
0x6e: {  	_ =	shalt  }
0x6f: {  	_ =	shalt  }
0x70: {  	_ =	shalt  }
0x71: {  	_ =	shalt  }
0x72: {  	_ =	shalt  }
0x73: {  	_ =	shalt  }
0x74: {  	_ =	shalt  }
0x75: {  	_ =	shalt  }
0x76: {  	_ =	shalt  }
0x77: {  	_ =	shalt  }
0x78: {  	_ =	shalt  }
0x79: {  	_ =	shalt  }
0x7a: {  	_ =	shalt  }
0x7b: {  	_ =	shalt  }
0x7c: {  	_ =	shalt  }
0x7d: {  	_ =	shalt  }
0x7e: {  	_ =	shalt  }
0x7f: {  	_ =	shalt  }
0x80: {  	_ =	shalt  }
0x81: {  	_ =	shalt  }
0x82: {  	_ =	shalt  }
0x83: {  	_ =	shalt  }
0x84: {  	_ =	shalt  }
0x85: {  	_ =	shalt  }
0x86: {  	_ =	shalt  }
0x87: {  	_ =	shalt  }
.Lfunc_end0:
.L_simem_size_0:
called_computation_lowered:
.L_overlay_start_0:
0x88: {  	s2 =	sld [smem:$0x3FD9]  }
0x89: {  	s3 =	sld [smem:$0x3FFE];
	_ =	sdelay $0x1  }
0x8a: {  	s1 =	srdreg.scid  }
0x8b: {  	s0 =	sand.u32 $0x1, s1  }
0x8c: {  	s17 =	sshll.u32 s0, $0xA;
	s2 =	sadd.s32 s3, s2  }
0x8d: {  	s2 =	sadd.s32 s2, s17  }
0x8e: {  	[smem:$0x3FC6] =	sst s2  }
0x8f: {  	_ = 	snop  }
0x90: {  	s2 =	sld [smem:$0x3FC9]  }
0x91: {  	s18 =	sld [smem:$0x3FD0];
	(tm) =	ssettm $0x1  }
0x92: {  	s4 =	sld [smem:$0x3FFB];
	_ =	sdelay $0x3  }
0x93: {  	_ =	strace s4  }
0x94: {  	s4 =	sld [smem:$0x3FFC];
	_ =	sdelay $0x3  }
0x95: {  	_ =	strace s4  }
0x96: {  	s4 =	sld [smem:$0x3FFD];
	_ =	sdelay $0x3  }
0x97: {  	_ =	strace s4  }
0x98: {  	_ =	strace $0x8FFFFFFF  }
0x99: {  	s19 =	sld [smem:$0x3FDB];
	_ =	sdelay $0x1  }
0x9a: {  	s5 =	simm.s32 $_scs_section_size  }
0x9b: {  	s6 =	simm.s32 $_size__tile_overlayer_lowered;
	s7 =	simm.s32 $_tile_overlayer_lowered  }
0x9c: {  	s22 =	simm.s32 $0x1BFF;
	s21 =	sshll.u32 s7, $0x1;
	s4 =	sadd.s32 s5, s19  }
0x9d: {  	s8 =	simm.s32 $0x0;
	s20 =	sshll.u32 s6, $0x1;
	s6 =	sadd.s32 s21, s4  }
0x9e: {  	[timem:s8], [sflag:s22] =	dma.local [hbm:s6], s20  }
0x9f: {  	_ =	swait.ge [sflag:s22], s20  }
0xa0: {  	s5 =	ssub.s32 $0x0, s20;
	[sflag:s22] =	ssyncset.done $0x0  }
0xa1: {  	[sflag:s22] =	ssyncadd.s32 s5;
	_ =	sdelay $0x1  }
0xa2: {  	s23 =	simm.s32 $0x1B8B  }
0xa3: {  	_ =	swait.ge [sflag:s23], $0x1  }
0xa4: {  	[sflag:s23] =	ssyncset.done $0x0  }
0xa5: {  	s25 =	simm.s32 $0x1B8E;
	s24 =	sld [smem:$0x3FFE];
	[sflag:s23] =	ssyncadd.s32 $0xFFFFFFFF  }
0xa6: {  	s26 =	simm.s32 $execute0_lowered;
	[smem:$0x3FD2] =	sst s25  }
0xa7: {  	s6 =	sshll.u32 s26, $0x1;
	_ =	strace $0x80000046;
	[dreg:$0x1] =	wrdreg $0xFFFFFFFF  }
0xa8: {  	s28 =	simm.s32 $_size_execute0_lowered;
	s4 =	sadd.s32 s4, s6;
	[dreg:$0x0] =	wrdreg $0x0  }
0xa9: {  	s6 =	sshll.u32 s28, $0x1;
	[dreg:$0x2] =	wrdreg s4  }
0xaa: {  	[dreg:$0x3] =	wrdreg s6  }
0xab: {  	[dreg:$0x4] =	wrdreg $0xC0  }
0xac: {  	_ =	task [dreg:s8], $0x5FFFF  }
0xad: {  	[dreg:$0x1] =	wrdreg $0xFFFFFFFF  }
0xae: {  	[dreg:$0x0] =	wrdreg $0x60  }
0xaf: {  	[dreg:$0x2] =	wrdreg s2  }
0xb0: {  	[dreg:$0x3] =	wrdreg s24  }
0xb1: {  	[dreg:$0x4] =	wrdreg s18  }
0xb2: {  	[dreg:$0x5] =	wrdreg $0x9  }
0xb3: {  	_ =	task.clear_ibuf [dreg:s8], $0x6FFFF;
	_ =	strace $0x90000046  }
0xb4: {  	s29 =	simm.s32 $0x9;
	_ =	strace $0x80000048  }
0xb5: {  	_ =	swait.ge [sflag:s29], $0x1  }
0xb6: {  	[sflag:s29] =	ssyncadd.s32 $0xFFFFFFFF  }
0xb7: {  	_ =	strace $0x90000048  }
0xb8: {  	_ =	sfence  }
0xb9: {  	s30 =	sld [smem:$0x0];
	_ =	sdelay $0x2  }
0xba: {  	s31 =	sshll.u32 s1, $0xD;
	s1 =	sshrl.u32 s1, $0x2  }
0xbb: {  	s3 =	sand.u32 $0x4000, s31;
	s1 =	sadd.s32 s1, s30  }
0xbc: {  	s0 =	sor.u32 s3, s0;
	s1 =	sshll.u32 s1, $0x11  }
0xbd: {  	s0 =	sor.u32 s1, s0  }
0xbe: {  	s0 =	sadd.s32 $0x8F2B, s0  }
0xbf: {  	[sflag:s0] =	ssyncadd.remote.s32 $0x1  }
0xc0: {  	_ =	sfence.sel $0xFFFF  }
0xc1: {  	[dreg:$0x0] =	wrdreg $0xFFFFFFFF;
	(pc) =	sbr.abs _section_cstart, $3  }
0xc2: {  	[dreg:$0x1] =	wrdreg $0xFFFFFFFF  }
0xc3: {  	_ =	task.clear_ibuf [dreg:s8], $0x2FFFF;
	_ =	strace $0x9FFFFFFF  }
0xc4: {  	(tm) =	ssettm $0x7FFFFFFF  }
0xc5: {  	_ =	shalt  }
tec
execute0_lowered:
.L_overlay_start_1:
0x0: {  	(tag) =	ssettag $0x1  }
0x1: {  	v0 =	vlaneseq.u32  }
0x2: {  	v7 =	vmul.u32 $0x88, v0  }
0x3: {  	s0 =	rddreg [dreg:$0x0]  }
0x4: {  	s2 =	rddreg [dreg:$0x1];
	s3 =	simm.s32 $0x0;
	v2 =	vadd.s32 $0x1980, v7  }
0x5: {  	[smem:$0x7FF] =	sst s3;
	[tilespmem:$0x1FE90] =	vst v2;
	v2 =	vadd.s32 $0x1101, v7  }
0x6: {  	s1 =	rddreg [dreg:$0x2];
	v5 =	vadd.s32 $0x1987, v7;
	_ =	strace $0x80000047;
	[tilespmem:$0x1FEA0] =	vst v2  }
0x7: {  	[tilespmem:$0x1FEF0] =	vst v5  }
0x8: {  	v28 =	vadd.s32 $0x1981, v7;
	[tilespmem:$0x1FF00] =	vst v7  }
0x9: {  	v29 =	vadd.s32 $0x1982, v7;
	[tilespmem:$0x1FF10] =	vst v28  }
0xa: {  	v26 =	vor.u32 $0x4, v7;
	[tilespmem:$0x1FF20] =	vst v29  }
0xb: {  	v62 =	vor.u32 $0x5, v7;
	[tilespmem:$0x1FF30] =	vst v26  }
0xc: {  	v58 =	vor.u32 $0x6, v7;
	[tilespmem:$0x1FF40] =	vst v62  }
0xd: {  	v13 =	vadd.s32 $0x1106, v7;
	[tilespmem:$0x1FF50] =	vst v58  }
0xe: {  	v20 =	vor.u32 $0x7, v7;
	[tilespmem:$0x1FF60] =	vst v13  }
0xf: {  	v23 =	vadd.s32 $0x1983, v7;
	[tilespmem:$0x1FF70] =	vst v20  }
0x10: {  	v9 =	vadd.s32 $0x1984, v7;
	[tilespmem:$0x1FF90] =	vst v23  }
0x11: {  	s4 =	srdreg.scid;
	v27 =	vadd.s32 $0x1985, v7;
	[tilespmem:$0x1FFA0] =	vst v9  }
0x12: {  	s5 =	stileid.u32;
	s11 =	simm.s32 $0x7;
	s12 =	simm.s32 $0x80;
	v4 =	vadd.s32 $0x1986, v7;
	[tilespmem:$0x1FFB0] =	vst v27  }
0x13: {  	s13 =	simm.s32 $0x6400;
	s14 =	simm.s32 $0x8400;
	s15 =	simm.s32 $0x1;
	v8 =	vor.u32 $0x3, v7;
	[tilespmem:$0x1FFC0] =	vst v4  }
0x14: {  	s16 =	simm.s32 $0xA400;
	s17 =	simm.s32 $0x2;
	s18 =	simm.s32 $0xC600;
	v0 =	vadd.s32 $0x880, v7;
	[tilespmem:$0x1FFD0] =	vst v8  }
0x15: {  	s19 =	simm.s32 $0xE800;
	s20 =	simm.s32 $0x10A00;
	s4 =	sand.u32 $0x1, s4;
	v17 =	vor.u32 $0x2, v7;
	[tilespmem:$0x1FFE0] =	vst v0  }
0x16: {  	v1 =	vimm.s32 $0x0;
	vm0 =	vcmask $0x300;
	s21 =	simm.s32 $0x3;
	s5 =	sshll.u32 s5, $0xB;
	s6 =	sshll.u32 s4, $0xA;
	v2 =	vadd.s32 $0x1102, v7;
	[tilespmem:$0x1FFF0] =	vst v17  }
0x17: {  	s22 =	simm.s32 $0x4;
	v1 =	vsel vm0, $0x3, v1;
	s7 =	ssub.s32 $0x2, s4;
	s4 =	sor.u32 s6, s5;
	[tilespmem:$0x1FEB0] =	vst v2;
	v2 =	vadd.s32 $0x1103, v7  }
0x18: {  	s23 =	simm.s32 $0x5;
	v31 =	vadd.s32 $0x1100, v7;
	v10 =	vor.u32 $0x1, v7;
	s30 =	sshrl.u32 s7, $0x1;
	s6 =	sshrl.u32 s4, $0x3;
	[tilespmem:$0x1FEC0] =	vst v2;
	v2 =	vadd.s32 $0x1104, v7  }
0x19: {  	v3 =	vadd.s32 $0x881, v7;
	s5 =	sadd.s32 $0xF42800, s2;
	v41 =	vadd.s32 $0x882, v7;
	s2 =	ssub.s32 s7, s30;
	s0 =	sadd.s32 s0, s6;
	[tilespmem:$0x1FED0] =	vst v2;
	v2 =	vadd.s32 $0x1105, v7  }
0x1a: {  	s24 =	simm.s32 $0x6;
	v63 =	vadd.s32 $0x883, v7;
	v22 =	vadd.s32 $0x884, v7;
	s31 =	smax.u32 s2, $0x1;
	[dreg:$0x4] =	wrdreg s0;
	[tilespmem:$0x1FEE0] =	vst v2;
	v2 =	vadd.s32 $0x1107, v7  }
0x1b: {  	s25 =	simm.s32 $0x0;
	v11 =	vadd.s32 $0x885, v7;
	v19 =	vadd.s32 $0x886, v7;
	v57 =	vadd.s32 $0x887, v7;
	s7 =	sadd.s32 $0x8000, s1;
	[dreg:$0x5] =	wrdreg s31;
	[tilespmem:$0x1FF80] =	vst v2  }
.LBB2_1:
0x1c: {  	s0 =	rddreg [dreg:$0x4];
	s2 =	simm.s32 $0x400;
	s6 =	simm.s32 $0x8000  }
0x1d: {  	[tilespmem:s3], [sflag:$0x7] =	stream.strided.gather [hbm4b:s0+s2], $0x6400, s6, s2, $0x38;
	[tilespmem:$0x12C00] =	vst v63  }
0x1e: {  	_ =	swait.ge [sflag:s11], $0x6400  }
0x1f: {  	[sflag:s11] =	ssyncset.done $0x0  }
0x20: {  	[sflag:s11] =	ssyncadd.s32 $0xFFFF9C00  }
0x21: {  	[tilespmem:s13], [sflag:$0x1] =	stream.indirect.gather [hbm4b:s5+s12], $0x40, s3, s12, $0xb8;
	[tilespmem:$0x12C00] =	vst v63  }
0x22: {  	s26 =	simm.s32 $0x0  }
0x23: {  	v30 =	vmov v13;
	[tilespmem:s14], [sflag:$0x2] =	stream.indirect.gather [hbm4b:s5+s12], $0x40, s12, s12, $0xb8;
	[tilespmem:$0x12C00] =	vst v63  }
.LBB2_2:
0x24: {  	_ =	swait.ge [sflag:s15], $0x2000  }
0x25: {  	s0 =	simm.s32 $0x0;
	p0 =	seq.s32 s26, $0x0;
	s6 =	simm.s32 $0x1  }
0x26: {  	s2 =	simm.s32 $0x2;
	s9 =	simm.s32 $0x3;
	s8 =	simm.s32 $0x4;
	v33 =	vmov s0;
	v34 =	vmov s6  }
0x27: {  	s30 =	simm.s32 $0x6;
	s31 =	simm.s32 $0x7;
	[sflag:s15] =	ssyncset.done $0x0;
	v35 =	vmov s2;
	v36 =	vmov s9;
	v37 =	vmov s8  }
0x28: {  	s9 =	simm.s32 $0x5;
	s10 =	simm.s32 @!p0 $0x3;
	v39 =	vmov s30;
	v40 =	vmov s31;
	v33 =	vshrl.u32 v33, $0x3;
	[sflag:s15] =	ssyncadd.s32 $0xFFFFE000  }
0x29: {  	v38 =	vmov s9;
	v34 =	vshrl.u32 v34, $0x3;
	v35 =	vshrl.u32 v35, $0x3;
	_ =	swait.ge @!p0 [sflag:s10], $0x2000  }
0x2a: {  	v36 =	vshrl.u32 v36, $0x3;
	v40 =	vshrl.u32 v40, $0x3;
	v37 =	vshrl.u32 v37, $0x3;
	[sflag:s10] =	ssyncset.done @!p0 $0x0  }
0x2b: {  	s28 =	simm.s32 $0x6500;
	v42 =	vshrl.u32 v39, $0x3;
	v33 =	vshll.u32 v33, v1;
	v40 =	vshll.u32 v40, v1;
	[sflag:s10] =	ssyncadd.s32 @!p0 $0xFFFFE000  }
0x2c: {  	v38 =	vshrl.u32 v38, $0x3;
	v34 =	vshll.u32 v34, v1;
	v5 =	vbroadcast v40, $0x0;
	v59 =	vld [tilespmem:s28+$0xC0]  }
0x2d: {  	v35 =	vshll.u32 v35, v1;
	v36 =	vshll.u32 v36, v1;
	v24 =	vbroadcast v33, $0x0;
	v43 =	vld [tilespmem:s28+$0xFFFFFF00]  }
0x2e: {  	v44 =	vshll.u32 v37, v1;
	v14 =	vbroadcast v34, $0x0;
	v45 =	vld [tilespmem:s28+$0xFFFFFF40];
	v46 =	vadd.s32 v20, v5  }
0x2f: {  	v42 =	vshll.u32 v42, v1;
	v37 =	vbroadcast v35, $0x0;
	v61 =	vadd.s32 v7, v24;
	v47 =	vld [tilespmem:s28+$0xFFFFFF80]  }
0x30: {  	v60 =	vshll.u32 v38, v1;
	v36 =	vbroadcast v36, $0x0;
	v48 =	vadd.s32 v10, v14;
	v49 =	vld [tilespmem:s28+$0xFFFFFFC0]  }
0x31: {  	v35 =	vbroadcast v44, $0x0;
	v50 =	vadd.s32 v17, v37;
	v51 =	vld [tilespmem:s28+$0x0];
	v59 =	vmul.f32 $8.000000000e+00, v59  }
0x32: {  	v33 =	vbroadcast v60, $0x0;
	v52 =	vadd.s32 v8, v36;
	v53 =	vld [tilespmem:s28+$0x40];
	v43 =	vmul.f32 $8.000000000e+00, v43  }
0x33: {  	v34 =	vbroadcast v42, $0x0;
	v54 =	vadd.s32 v26, v35;
	v55 =	vld [tilespmem:s28+$0x80];
	v45 =	vmul.f32 $8.000000000e+00, v45;
	[tilespmem:v46+s16+$0x0] =	vst.idx.msk $0xffff, v59  }
0x34: {  	s2 =	simm.s32 $0x8;
	[tilespmem:v61+s16+$0x0] =	vst.idx.msk $0xffff, v43;
	v61 =	vmul.f32 $8.000000000e+00, v47;
	v43 =	vadd.s32 v62, v33;
	v44 =	vld [tilespmem:s28+$0xD0]  }
0x35: {  	v60 =	vmov s2;
	v40 =	vmul.f32 $8.000000000e+00, v49;
	[tilespmem:v48+s16+$0x0] =	vst.idx.msk $0xffff, v45;
	v47 =	vadd.s32 v58, v34;
	v46 =	vld [tilespmem:s28+$0xFFFFFF10]  }
0x36: {  	v42 =	vshrl.u32 v60, $0x3;
	v60 =	vmul.f32 $8.000000000e+00, v51;
	v49 =	vld [tilespmem:s28+$0xFFFFFF50];
	[tilespmem:v50+s16+$0x0] =	vst.idx.msk $0xffff, v61;
	v50 =	vadd.s32 v57, v5  }
0x37: {  	v56 =	vadd.s32 v0, v24;
	v8 =	vmov v57;
	[tilespmem:v52+s16+$0x0] =	vst.idx.msk $0xffff, v40;
	v61 =	vmul.f32 $8.000000000e+00, v53;
	v57 =	vld [tilespmem:s28+$0xFFFFFF90]  }
0x38: {  	v15 =	vmov v58;
	v38 =	vmul.f32 $8.000000000e+00, v55;
	[tilespmem:v54+s16+$0x0] =	vst.idx.msk $0xffff, v60;
	v58 =	vld [tilespmem:s28+$0xFFFFFFD0];
	v53 =	vadd.s32 v3, v14  }
0x39: {  	v55 =	vadd.s32 v41, v37;
	v59 =	vld [tilespmem:s28+$0x10];
	[tilespmem:v43+s16+$0x0] =	vst.idx.msk $0xffff, v61;
	v43 =	vmul.f32 $8.000000000e+00, v44  }
0x3a: {  	[tilespmem:v47+s16+$0x0] =	vst.idx.msk $0xffff, v38;
	v45 =	vmul.f32 $8.000000000e+00, v46;
	v46 =	vadd.s32 v63, v36  }
0x3b: {  	v39 =	vmul.f32 $8.000000000e+00, v49;
	v49 =	vadd.s32 v22, v35;
	[tilespmem:v50+s16+$0x0] =	vst.idx.msk $0xffff, v43  }
0x3c: {  	v43 =	vshll.u32 v42, v1;
	[tilespmem:v56+s16+$0x0] =	vst.idx.msk $0xffff, v45;
	v42 =	vmul.f32 $8.000000000e+00, v57  }
0x3d: {  	v60 =	vld [tilespmem:s28+$0x50];
	[tilespmem:v53+s16+$0x0] =	vst.idx.msk $0xffff, v39;
	v39 =	vmul.f32 $8.000000000e+00, v58  }
0x3e: {  	v61 =	vld [tilespmem:s28+$0x90];
	[tilespmem:v55+s16+$0x0] =	vst.idx.msk $0xffff, v42;
	v42 =	vmul.f32 $8.000000000e+00, v59  }
0x3f: {  	v50 =	vld [tilespmem:s28+$0xE0];
	[tilespmem:v46+s16+$0x0] =	vst.idx.msk $0xffff, v39  }
0x40: {  	v18 =	vld [tilespmem:$0x1FEA0];
	[tilespmem:v49+s16+$0x0] =	vst.idx.msk $0xffff, v42  }
0x41: {  	v45 =	vadd.s32 v11, v33;
	v12 =	vld [tilespmem:$0x1FEB0]  }
0x42: {  	v53 =	vadd.s32 v19, v34;
	v56 =	vld [tilespmem:s28+$0xFFFFFF20]  }
0x43: {  	v57 =	vld [tilespmem:s28+$0xFFFFFF60];
	v55 =	vadd.s32 v2, v5  }
0x44: {  	v21 =	vmov v10;
	s30 =	simm.s32 $0xD;
	v58 =	vadd.s32 v31, v24;
	v59 =	vld [tilespmem:s28+$0xFFFFFFA0];
	v46 =	vmul.f32 $8.000000000e+00, v60  }
0x45: {  	v16 =	vmovc v62;
	v10 =	vmovc v63;
	v44 =	vmov s30;
	v47 =	vmul.f32 $8.000000000e+00, v61;
	v63 =	vld [tilespmem:s28+$0xFFFFFFE0];
	v62 =	vadd.s32 v18, v14  }
0x46: {  	s31 =	simm.s32 $0xE;
	v61 =	vshrl.u32 v44, $0x3;
	v39 =	vld [tilespmem:s28+$0x20];
	[tilespmem:v45+s16+$0x0] =	vst.idx.msk $0xffff, v46;
	v44 =	vmul.f32 $8.000000000e+00, v50;
	v49 =	vadd.s32 v12, v37  }
0x47: {  	v32 =	vmovc v26;
	v26 =	vmov v11;
	v38 =	vmov s31;
	v50 =	vmul.f32 $8.000000000e+00, v56;
	v11 =	vld [tilespmem:$0x1FEC0];
	[tilespmem:v53+s16+$0x0] =	vst.idx.msk $0xffff, v47  }
0x48: {  	v42 =	vshrl.u32 v38, $0x3;
	v38 =	vbroadcast v43, $0x0;
	v43 =	vmul.f32 $8.000000000e+00, v57;
	v25 =	vld [tilespmem:$0x1FED0];
	[tilespmem:v55+s16+$0x0] =	vst.idx.msk $0xffff, v44  }
0x49: {  	s8 =	simm.s32 $0xA;
	v40 =	vld [tilespmem:s28+$0x60];
	[tilespmem:v58+s16+$0x0] =	vst.idx.msk $0xffff, v50;
	v59 =	vmul.f32 $8.000000000e+00, v59  }
0x4a: {  	v13 =	vmov v4;
	s6 =	simm.s32 $0x9;
	v51 =	vmov s8;
	v4 =	vld [tilespmem:$0x1FEE0];
	[tilespmem:v62+s16+$0x0] =	vst.idx.msk $0xffff, v43  }
0x4b: {  	s9 =	simm.s32 $0xB;
	v51 =	vshrl.u32 v51, $0x3;
	v48 =	vmov s6;
	v60 =	vld [tilespmem:s28+$0xA0];
	[tilespmem:v49+s16+$0x0] =	vst.idx.msk $0xffff, v59  }
0x4c: {  	s10 =	simm.s32 $0xC;
	v52 =	vmov s9;
	v56 =	vadd.s32 v11, v36;
	v43 =	vmul.f32 $8.000000000e+00, v63;
	v63 =	vld [tilespmem:$0x1FEF0]  }
0x4d: {  	v0 =	vmovc v31;
	v54 =	vmov s10;
	v48 =	vshrl.u32 v48, $0x3;
	v52 =	vshrl.u32 v52, $0x3;
	v31 =	vmovc v2;
	v2 =	vld [tilespmem:$0x1FE90]  }
0x4e: {  	v6 =	vmovc v41;
	v41 =	vshrl.u32 v54, $0x3;
	v45 =	vshll.u32 v52, v1;
	v57 =	vadd.s32 v25, v35  }
0x4f: {  	v46 =	vshll.u32 v41, v1;
	v41 =	vadd.s32 v28, v14;
	v47 =	vshll.u32 v48, v1;
	v55 =	vld [tilespmem:s28+$0xF0]  }
0x50: {  	v44 =	vshll.u32 v51, v1;
	v50 =	vld [tilespmem:s28+$0xFFFFFF30];
	v54 =	vadd.s32 v4, v33;
	v62 =	vmul.f32 $8.000000000e+00, v39  }
0x51: {  	v51 =	vadd.s32 v30, v34;
	v39 =	vmul.f32 $8.000000000e+00, v40;
	v40 =	vmul.f32 $8.000000000e+00, v60;
	v52 =	vld [tilespmem:s28+$0xFFFFFF70];
	[tilespmem:v56+s16+$0x0] =	vst.idx.msk $0xffff, v43  }
0x52: {  	v14 =	vmovc v0;
	v49 =	vld [tilespmem:s28+$0xFFFFFFB0];
	v43 =	vshll.u32 v61, v1;
	v53 =	vadd.s32 v63, v5;
	v48 =	vadd.s32 v2, v24  }
0x53: {  	s29 =	sshll.u32 s26, $0x2;
	s0 =	simm.s32 $0x10;
	s2 =	simm.s32 $0xF;
	v56 =	vld [tilespmem:s28+$0xFFFFFFF0];
	[tilespmem:v57+s16+$0x0] =	vst.idx.msk $0xffff, v62;
	v24 =	vmovc v28;
	v28 =	vmovc v63;
	v5 =	vmov v30;
	v30 =	vmov v32;
	v32 =	vmov v2  }
.LBB2_3:
0x54: {  	v58 =	vld [tilespmem:s28+$0x30]  }
0x55: {  	v57 =	vmov s2;
	v37 =	vadd.s32 v29, v37;
	v0 =	vld [tilespmem:$0x1FFD0];
	[tilespmem:v54+s16+$0x0] =	vst.idx.msk $0xffff, v39;
	v60 =	vmul.f32 $8.000000000e+00, v55  }
0x56: {  	v36 =	vadd.s32 v23, v36;
	v35 =	vadd.s32 v9, v35;
	[tilespmem:v51+s16+$0x0] =	vst.idx.msk $0xffff, v40;
	v62 =	vld [tilespmem:s28+$0x70];
	v50 =	vmul.f32 $8.000000000e+00, v50  }
0x57: {  	v33 =	vadd.s32 v27, v33;
	v61 =	vshrl.u32 v57, $0x3;
	v63 =	vmul.f32 $8.000000000e+00, v52;
	v52 =	vld [tilespmem:s28+$0xB0];
	s28 =	sadd.s32 $0x200, s28;
	[tilespmem:v53+s16+$0x0] =	vst.idx.msk $0xffff, v60  }
0x58: {  	v39 =	vmov v38;
	v38 =	vshll.u32 v61, v1;
	v54 =	vmul.f32 $8.000000000e+00, v49;
	[tilespmem:v48+s16+$0x0] =	vst.idx.msk $0xffff, v50;
	v53 =	vld [tilespmem:s28+$0xC0]  }
0x59: {  	v40 =	vbroadcast v38, $0x0;
	v57 =	vmul.f32 $8.000000000e+00, v56;
	[tilespmem:v41+s16+$0x0] =	vst.idx.msk $0xffff, v63;
	v48 =	vld [tilespmem:s28+$0xFFFFFF00]  }
0x5a: {  	v34 =	vadd.s32 v13, v34;
	[tilespmem:v37+s16+$0x0] =	vst.idx.msk $0xffff, v54;
	v60 =	vmul.f32 $8.000000000e+00, v58;
	v59 =	vld [tilespmem:s28+$0xFFFFFF40]  }
0x5b: {  	v41 =	vbroadcast v47, $0x0;
	v47 =	vadd.s32 v20, v40;
	[tilespmem:v36+s16+$0x0] =	vst.idx.msk $0xffff, v57;
	v61 =	vld [tilespmem:s28+$0xFFFFFF80];
	v62 =	vmul.f32 $8.000000000e+00, v62  }
0x5c: {  	v42 =	vshll.u32 v42, v1;
	v51 =	vadd.s32 v7, v39;
	v37 =	vbroadcast v44, $0x0;
	v63 =	vld [tilespmem:s28+$0xFFFFFFC0];
	[tilespmem:v35+s16+$0x0] =	vst.idx.msk $0xffff, v60  }
0x5d: {  	v36 =	vbroadcast v45, $0x0;
	v49 =	vadd.s32 v21, v41;
	v56 =	vmul.f32 $8.000000000e+00, v52;
	v52 =	vld [tilespmem:s28+$0x0];
	[tilespmem:v33+s16+$0x0] =	vst.idx.msk $0xffff, v62  }
0x5e: {  	v45 =	vadd.s32 v17, v37;
	v35 =	vbroadcast v46, $0x0;
	v57 =	vmul.f32 $8.000000000e+00, v53;
	v53 =	vld [tilespmem:s28+$0x40]  }
0x5f: {  	v33 =	vbroadcast v43, $0x0;
	[tilespmem:v34+s16+$0x0] =	vst.idx.msk $0xffff, v56;
	v58 =	vmul.f32 $8.000000000e+00, v48;
	v48 =	vadd.s32 v0, v36;
	v0 =	vld [tilespmem:$0x1FFE0]  }
0x60: {  	s6 =	sadd.s32 $0x1, s0;
	v43 =	vadd.s32 v30, v35;
	v34 =	vbroadcast v42, $0x0;
	v59 =	vmul.f32 $8.000000000e+00, v59;
	v50 =	vld [tilespmem:s28+$0x80];
	[tilespmem:v47+s16+$0x0] =	vst.idx.msk $0xffff, v57  }
0x61: {  	v54 =	vmov s6;
	v62 =	vadd.s32 v16, v33;
	v61 =	vmul.f32 $8.000000000e+00, v61;
	[tilespmem:v51+s16+$0x0] =	vst.idx.msk $0xffff, v58;
	v47 =	vld [tilespmem:s28+$0xD0]  }
0x62: {  	v60 =	vmov s0;
	v63 =	vmul.f32 $8.000000000e+00, v63;
	[tilespmem:v49+s16+$0x0] =	vst.idx.msk $0xffff, v59;
	v49 =	vadd.s32 v15, v34;
	v51 =	vld [tilespmem:s28+$0xFFFFFF10]  }
0x63: {  	s10 =	sadd.s32 $0x4, s0;
	v42 =	vshrl.u32 v60, $0x3;
	[tilespmem:v45+s16+$0x0] =	vst.idx.msk $0xffff, v61;
	v60 =	vmul.f32 $8.000000000e+00, v52;
	v45 =	vadd.s32 v8, v40;
	v55 =	vld [tilespmem:s28+$0xFFFFFF50]  }
0x64: {  	v44 =	vmov s10;
	v57 =	vld [tilespmem:s28+$0xFFFFFF90];
	v56 =	vadd.s32 v0, v39;
	[tilespmem:v48+s16+$0x0] =	vst.idx.msk $0xffff, v63;
	v61 =	vmul.f32 $8.000000000e+00, v53  }
0x65: {  	s30 =	sadd.s32 $0x5, s0;
	v54 =	vshrl.u32 v54, $0x3;
	[tilespmem:v43+s16+$0x0] =	vst.idx.msk $0xffff, v60;
	v53 =	vadd.s32 v3, v41;
	v43 =	vmul.f32 $8.000000000e+00, v50;
	v58 =	vld [tilespmem:s28+$0xFFFFFFD0]  }
0x66: {  	s8 =	sadd.s32 $0x2, s0;
	v46 =	vmov s30;
	v50 =	vadd.s32 v6, v37;
	v59 =	vld [tilespmem:s28+$0x10];
	[tilespmem:v62+s16+$0x0] =	vst.idx.msk $0xffff, v61;
	v38 =	vmul.f32 $8.000000000e+00, v47  }
0x67: {  	v52 =	vmov s8;
	[tilespmem:v49+s16+$0x0] =	vst.idx.msk $0xffff, v43;
	v47 =	vmul.f32 $8.000000000e+00, v51;
	v51 =	vadd.s32 v10, v36;
	v60 =	vld [tilespmem:s28+$0x50]  }
0x68: {  	s9 =	sadd.s32 $0x3, s0;
	v52 =	vshrl.u32 v52, $0x3;
	v49 =	vmul.f32 $8.000000000e+00, v55;
	v55 =	vadd.s32 v22, v35;
	v61 =	vld [tilespmem:s28+$0x90];
	[tilespmem:v45+s16+$0x0] =	vst.idx.msk $0xffff, v38  }
0x69: {  	v48 =	vmov s9;
	v62 =	vmul.f32 $8.000000000e+00, v57;
	[tilespmem:v56+s16+$0x0] =	vst.idx.msk $0xffff, v47;
	v45 =	vadd.s32 v26, v33;
	v47 =	vld [tilespmem:s28+$0xE0]  }
0x6a: {  	v48 =	vshrl.u32 v48, $0x3;
	[tilespmem:v53+s16+$0x0] =	vst.idx.msk $0xffff, v49;
	v53 =	vadd.s32 v19, v34;
	v56 =	vld [tilespmem:s28+$0xFFFFFF20];
	v63 =	vmul.f32 $8.000000000e+00, v58  }
0x6b: {  	s31 =	sadd.s32 $0x6, s0;
	v38 =	vshll.u32 v42, v1;
	[tilespmem:v50+s16+$0x0] =	vst.idx.msk $0xffff, v62;
	v42 =	vmul.f32 $8.000000000e+00, v59;
	v50 =	vadd.s32 v31, v40;
	v57 =	vld [tilespmem:s28+$0xFFFFFF60]  }
0x6c: {  	v43 =	vmov s31;
	v58 =	vadd.s32 v14, v39;
	v59 =	vld [tilespmem:s28+$0xFFFFFFA0];
	[tilespmem:v51+s16+$0x0] =	vst.idx.msk $0xffff, v63;
	v49 =	vmul.f32 $8.000000000e+00, v60  }
0x6d: {  	v60 =	vshrl.u32 v44, $0x3;
	v51 =	vadd.s32 v18, v41;
	[tilespmem:v55+s16+$0x0] =	vst.idx.msk $0xffff, v42;
	v44 =	vmul.f32 $8.000000000e+00, v61;
	v62 =	vld [tilespmem:s28+$0xFFFFFFE0]  }
0x6e: {  	v61 =	vshrl.u32 v46, $0x3;
	v46 =	vadd.s32 v12, v37;
	v63 =	vld [tilespmem:s28+$0x20];
	[tilespmem:v45+s16+$0x0] =	vst.idx.msk $0xffff, v49;
	v45 =	vmul.f32 $8.000000000e+00, v47  }
0x6f: {  	v42 =	vshrl.u32 v43, $0x3;
	[tilespmem:v53+s16+$0x0] =	vst.idx.msk $0xffff, v44;
	v43 =	vmul.f32 $8.000000000e+00, v56;
	v56 =	vadd.s32 v11, v36;
	v0 =	vld [tilespmem:s28+$0x60]  }
0x70: {  	p1 =	slt.u32 s0, $0x78;
	v41 =	vadd.s32 v24, v41;
	v49 =	vmul.f32 $8.000000000e+00, v57;
	v57 =	vadd.s32 v25, v35;
	v2 =	vld [tilespmem:s28+$0xA0];
	[tilespmem:v50+s16+$0x0] =	vst.idx.msk $0xffff, v45  }
.Ltmp0:
0x71: {  	v44 =	vshll.u32 v52, v1;
	v53 =	vadd.s32 v28, v40;
	[tilespmem:v58+s16+$0x0] =	vst.idx.msk $0xffff, v43;
	v43 =	vmul.f32 $8.000000000e+00, v59;
	v55 =	vld [tilespmem:s28+$0xF0];
	(pc) =	sbr.rel @p1 .LBB2_3-.Ltmp0, $4  }
0x72: {  	v47 =	vshll.u32 v54, v1;
	v54 =	vadd.s32 v4, v33;
	[tilespmem:v51+s16+$0x0] =	vst.idx.msk $0xffff, v49;
	v50 =	vld [tilespmem:s28+$0xFFFFFF30];
	v62 =	vmul.f32 $8.000000000e+00, v62  }
0x73: {  	v51 =	vadd.s32 v5, v34;
	v45 =	vshll.u32 v48, v1;
	v52 =	vld [tilespmem:s28+$0xFFFFFF70];
	v63 =	vmul.f32 $8.000000000e+00, v63;
	[tilespmem:v46+s16+$0x0] =	vst.idx.msk $0xffff, v43  }
0x74: {  	v38 =	vbroadcast v38, $0x0;
	v48 =	vadd.s32 v32, v39;
	v46 =	vshll.u32 v60, v1;
	v49 =	vld [tilespmem:s28+$0xFFFFFFB0];
	[tilespmem:v56+s16+$0x0] =	vst.idx.msk $0xffff, v62  }
0x75: {  	s2 =	sadd.s32 $0x7, s0;
	s0 =	sadd.s32 $0x8, s0;
	v43 =	vshll.u32 v61, v1;
	v39 =	vmul.f32 $8.000000000e+00, v0;
	[tilespmem:v57+s16+$0x0] =	vst.idx.msk $0xffff, v63;
	v40 =	vmul.f32 $8.000000000e+00, v2;
	v56 =	vld [tilespmem:s28+$0xFFFFFFF0]  }
0x76: {  	_ =	sdelay $0x3  }
0x77: {  	v0 =	vmov s2;
	v2 =	vadd.s32 v29, v37;
	v37 =	vld [tilespmem:s28+$0x30];
	v63 =	vmul.f32 $8.000000000e+00, v55;
	[tilespmem:v54+s16+$0x0] =	vst.idx.msk $0xffff, v39  }
0x78: {  	v36 =	vadd.s32 v23, v36;
	v0 =	vshrl.u32 v0, $0x3;
	v50 =	vmul.f32 $8.000000000e+00, v50;
	[tilespmem:v51+s16+$0x0] =	vst.idx.msk $0xffff, v40;
	v54 =	vld [tilespmem:s28+$0x70]  }
0x79: {  	v35 =	vadd.s32 v9, v35;
	s0 =	sadd.s32 $0x200, s28;
	v0 =	vshll.u32 v0, v1;
	v55 =	vmul.f32 $8.000000000e+00, v52;
	v51 =	vld [tilespmem:s28+$0xB0];
	[tilespmem:v53+s16+$0x0] =	vst.idx.msk $0xffff, v63  }
0x7a: {  	v33 =	vadd.s32 v27, v33;
	v39 =	vld [tilespmem:s0+$0xC0];
	v0 =	vbroadcast v0, $0x0;
	[tilespmem:v48+s16+$0x0] =	vst.idx.msk $0xffff, v50;
	v60 =	vmul.f32 $8.000000000e+00, v49  }
0x7b: {  	v34 =	vadd.s32 v13, v34;
	v61 =	vld [tilespmem:s0+$0xFFFFFF00];
	[tilespmem:v41+s16+$0x0] =	vst.idx.msk $0xffff, v55;
	v62 =	vmul.f32 $8.000000000e+00, v56  }
0x7c: {  	v47 =	vbroadcast v47, $0x0;
	v63 =	vld [tilespmem:s0+$0xFFFFFF40];
	v50 =	vadd.s32 v20, v0;
	[tilespmem:v2+s16+$0x0] =	vst.idx.msk $0xffff, v60;
	v2 =	vmul.f32 $8.000000000e+00, v37  }
0x7d: {  	v44 =	vbroadcast v44, $0x0;
	v48 =	vld [tilespmem:s0+$0xFFFFFF80];
	v37 =	vadd.s32 v7, v38;
	[tilespmem:v36+s16+$0x0] =	vst.idx.msk $0xffff, v62;
	v57 =	vmul.f32 $8.000000000e+00, v54  }
0x7e: {  	v40 =	vadd.s32 v21, v47;
	[tilespmem:v35+s16+$0x0] =	vst.idx.msk $0xffff, v2;
	v2 =	vmul.f32 $8.000000000e+00, v51  }
0x7f: {  	v39 =	vmul.f32 $8.000000000e+00, v39;
	v35 =	vadd.s32 v17, v44;
	[tilespmem:v33+s16+$0x0] =	vst.idx.msk $0xffff, v57  }
0x80: {  	v59 =	vmul.f32 $8.000000000e+00, v61;
	v54 =	vld [tilespmem:$0x1FFD0];
	[tilespmem:v34+s16+$0x0] =	vst.idx.msk $0xffff, v2  }
0x81: {  	v2 =	vmul.f32 $8.000000000e+00, v63;
	[tilespmem:v50+s16+$0x0] =	vst.idx.msk $0xffff, v39  }
0x82: {  	v52 =	vld [tilespmem:s0+$0xFFFFFFC0];
	[tilespmem:v37+s16+$0x0] =	vst.idx.msk $0xffff, v59;
	v59 =	vmul.f32 $8.000000000e+00, v48  }
0x83: {  	v45 =	vbroadcast v45, $0x0;
	v49 =	vld [tilespmem:s0+$0x40];
	[tilespmem:v40+s16+$0x0] =	vst.idx.msk $0xffff, v2  }
0x84: {  	v58 =	vmov v9;
	v42 =	vshll.u32 v42, v1;
	v46 =	vbroadcast v46, $0x0;
	v51 =	vld [tilespmem:s0+$0x0];
	[tilespmem:v35+s16+$0x0] =	vst.idx.msk $0xffff, v59  }
0x85: {  	v9 =	vmovc v13;
	v43 =	vbroadcast v43, $0x0;
	v13 =	vmovc v8;
	v35 =	vadd.s32 v8, v0;
	v8 =	vld [tilespmem:$0x1FFE0];
	v36 =	vadd.s32 v54, v45  }
0x86: {  	v42 =	vbroadcast v42, $0x0;
	v57 =	vld [tilespmem:s0+$0x80];
	v34 =	vadd.s32 v30, v46  }
0x87: {  	v56 =	vmov v20;
	v20 =	vmov v15;
	v37 =	vadd.s32 v16, v43;
	v39 =	vld [tilespmem:s0+$0xD0]  }
0x88: {  	v48 =	vld [tilespmem:s0+$0xFFFFFF10];
	v2 =	vmul.f32 $8.000000000e+00, v52;
	v40 =	vadd.s32 v20, v42  }
0x89: {  	v61 =	vmul.f32 $8.000000000e+00, v51;
	v50 =	vld [tilespmem:s0+$0xFFFFFF50]  }
0x8a: {  	v52 =	vld [tilespmem:s0+$0xFFFFFF90];
	v51 =	vadd.s32 v8, v38;
	[tilespmem:v36+s16+$0x0] =	vst.idx.msk $0xffff, v2;
	v2 =	vmul.f32 $8.000000000e+00, v49  }
0x8b: {  	v53 =	vmul.f32 $8.000000000e+00, v57;
	[tilespmem:v34+s16+$0x0] =	vst.idx.msk $0xffff, v61;
	v36 =	vadd.s32 v3, v47;
	v49 =	vld [tilespmem:s0+$0xFFFFFFD0]  }
0x8c: {  	v34 =	vadd.s32 v6, v44;
	v41 =	vld [tilespmem:s0+$0x10];
	[tilespmem:v37+s16+$0x0] =	vst.idx.msk $0xffff, v2;
	v2 =	vmul.f32 $8.000000000e+00, v39  }
0x8d: {  	v60 =	vmul.f32 $8.000000000e+00, v48;
	[tilespmem:v40+s16+$0x0] =	vst.idx.msk $0xffff, v53;
	v39 =	vadd.s32 v10, v45;
	v48 =	vld [tilespmem:s0+$0x50]  }
0x8e: {  	v40 =	vadd.s32 v22, v46;
	v61 =	vmul.f32 $8.000000000e+00, v50;
	v50 =	vld [tilespmem:s0+$0x90];
	[tilespmem:v35+s16+$0x0] =	vst.idx.msk $0xffff, v2  }
0x8f: {  	[tilespmem:v51+s16+$0x0] =	vst.idx.msk $0xffff, v60;
	v2 =	vmul.f32 $8.000000000e+00, v52;
	v35 =	vadd.s32 v26, v43;
	v37 =	vld [tilespmem:s0+$0xE0]  }
0x90: {  	v51 =	vld [tilespmem:s0+$0xFFFFFF20];
	[tilespmem:v36+s16+$0x0] =	vst.idx.msk $0xffff, v61;
	v36 =	vadd.s32 v19, v42;
	v33 =	vmul.f32 $8.000000000e+00, v49  }
0x91: {  	v49 =	vld [tilespmem:s0+$0xFFFFFF60];
	[tilespmem:v34+s16+$0x0] =	vst.idx.msk $0xffff, v2;
	v2 =	vmul.f32 $8.000000000e+00, v41;
	v34 =	vadd.s32 v31, v0  }
0x92: {  	v41 =	vadd.s32 v14, v38;
	v52 =	vld [tilespmem:s0+$0xFFFFFFA0];
	[tilespmem:v39+s16+$0x0] =	vst.idx.msk $0xffff, v33;
	v53 =	vmul.f32 $8.000000000e+00, v48  }
0x93: {  	v39 =	vadd.s32 v18, v47;
	[tilespmem:v40+s16+$0x0] =	vst.idx.msk $0xffff, v2;
	v2 =	vmul.f32 $8.000000000e+00, v50;
	v48 =	vld [tilespmem:s0+$0xFFFFFFE0]  }
0x94: {  	v40 =	vadd.s32 v12, v44;
	v50 =	vld [tilespmem:s0+$0x20];
	[tilespmem:v35+s16+$0x0] =	vst.idx.msk $0xffff, v53;
	v33 =	vmul.f32 $8.000000000e+00, v37  }
0x95: {  	v60 =	vmul.f32 $8.000000000e+00, v51;
	v37 =	vadd.s32 v11, v45;
	[tilespmem:v36+s16+$0x0] =	vst.idx.msk $0xffff, v2;
	v51 =	vld [tilespmem:s0+$0x60]  }
0x96: {  	v36 =	vadd.s32 v25, v46;
	v2 =	vmul.f32 $8.000000000e+00, v49;
	v49 =	vld [tilespmem:s0+$0xA0];
	[tilespmem:v34+s16+$0x0] =	vst.idx.msk $0xffff, v33  }
0x97: {  	v55 =	vmov v5;
	[tilespmem:v41+s16+$0x0] =	vst.idx.msk $0xffff, v60;
	v53 =	vmul.f32 $8.000000000e+00, v52;
	v34 =	vadd.s32 v4, v43;
	v60 =	vld [tilespmem:s0+$0xF0]  }
0x98: {  	v41 =	vld [tilespmem:s0+$0xFFFFFF30];
	[tilespmem:v39+s16+$0x0] =	vst.idx.msk $0xffff, v2;
	v39 =	vadd.s32 v55, v42;
	v2 =	vmul.f32 $8.000000000e+00, v48  }
0x99: {  	v0 =	vadd.s32 v28, v0;
	v52 =	vld [tilespmem:s0+$0xFFFFFF70];
	[tilespmem:v40+s16+$0x0] =	vst.idx.msk $0xffff, v53;
	v53 =	vmul.f32 $8.000000000e+00, v50  }
0x9a: {  	v38 =	vadd.s32 v32, v38;
	v40 =	vld [tilespmem:s0+$0xFFFFFFB0];
	[tilespmem:v37+s16+$0x0] =	vst.idx.msk $0xffff, v2;
	v2 =	vmul.f32 $8.000000000e+00, v51  }
0x9b: {  	v37 =	vadd.s32 v24, v47;
	[tilespmem:v36+s16+$0x0] =	vst.idx.msk $0xffff, v53;
	v55 =	vmul.f32 $8.000000000e+00, v49;
	v47 =	vld [tilespmem:s0+$0xFFFFFFF0]  }
0x9c: {  	v36 =	vadd.s32 v29, v44;
	v44 =	vld [tilespmem:s0+$0x30];
	[tilespmem:v34+s16+$0x0] =	vst.idx.msk $0xffff, v2;
	v2 =	vmul.f32 $8.000000000e+00, v60  }
0x9d: {  	v49 =	vadd.s32 v23, v45;
	v60 =	vmul.f32 $8.000000000e+00, v41;
	[tilespmem:v39+s16+$0x0] =	vst.idx.msk $0xffff, v55;
	v50 =	vld [tilespmem:s0+$0x70]  }
0x9e: {  	v51 =	vmul.f32 $8.000000000e+00, v52;
	v52 =	vadd.s32 v58, v46;
	v53 =	vld [tilespmem:s0+$0xB0];
	[tilespmem:v0+s16+$0x0] =	vst.idx.msk $0xffff, v2  }
0x9f: {  	[tilespmem:v38+s16+$0x0] =	vst.idx.msk $0xffff, v60;
	v0 =	vmul.f32 $8.000000000e+00, v40;
	v2 =	vadd.s32 v27, v43  }
0xa0: {  	v58 =	vadd.s32 v9, v42;
	[tilespmem:v37+s16+$0x0] =	vst.idx.msk $0xffff, v51;
	v55 =	vmul.f32 $8.000000000e+00, v47  }
0xa1: {  	[tilespmem:v36+s16+$0x0] =	vst.idx.msk $0xffff, v0;
	v0 =	vmul.f32 $8.000000000e+00, v44  }
0xa2: {  	s2 =	sshll.u32 s26, $0x14;
	[tilespmem:v49+s16+$0x0] =	vst.idx.msk $0xffff, v55;
	v60 =	vmul.f32 $8.000000000e+00, v50  }
0xa3: {  	s0 =	sor.u32 s4, s2;
	[tilespmem:v52+s16+$0x0] =	vst.idx.msk $0xffff, v0;
	v0 =	vmul.f32 $8.000000000e+00, v53  }
0xa4: {  	s30 =	sshrl.u32 s0, $0x3;
	[tilespmem:v2+s16+$0x0] =	vst.idx.msk $0xffff, v60  }
0xa5: {  	s6 =	simm.s32 $0xA400;
	s2 =	sadd.s32 s1, s30;
	[tilespmem:v58+s16+$0x0] =	vst.idx.msk $0xffff, v0  }
0xa6: {  	[hbm4b:s2+s3] =	stream.linear.scatter [tilespmem:s6], [sflag:$0x3], $0x80, $0x38;
	[tilespmem:$0x12C00] =	vst v63  }
0xa7: {  	s8 =	simm.s32 $0xA488;
	s9 =	sadd.s32 $0x10, s2  }
0xa8: {  	[hbm4b:s9+s3] =	stream.linear.scatter [tilespmem:s8], [sflag:$0x3], $0x80, $0x38;
	[tilespmem:$0x12C00] =	vst v63  }
0xa9: {  	s10 =	sadd.s32 $0x20, s2;
	s9 =	simm.s32 $0xA510  }
0xaa: {  	[hbm4b:s10+s3] =	stream.linear.scatter [tilespmem:s9], [sflag:$0x3], $0x80, $0x38;
	[tilespmem:$0x12C00] =	vst v63  }
0xab: {  	s6 =	simm.s32 $0xA598;
	s8 =	sadd.s32 $0x30, s2  }
0xac: {  	[hbm4b:s8+s3] =	stream.linear.scatter [tilespmem:s6], [sflag:$0x3], $0x80, $0x38;
	[tilespmem:$0x12C00] =	vst v63  }
0xad: {  	s9 =	simm.s32 $0xA620;
	s10 =	sadd.s32 $0x40, s2  }
0xae: {  	[hbm4b:s10+s3] =	stream.linear.scatter [tilespmem:s9], [sflag:$0x3], $0x80, $0x38;
	[tilespmem:$0x12C00] =	vst v63  }
0xaf: {  	s28 =	simm.s32 $0x2200;
	s6 =	simm.s32 $0xA6A8;
	s8 =	sadd.s32 $0x50, s2  }
0xb0: {  	v15 =	vmovc v16;
	v7 =	vmovc v3;
	v5 =	vmov v31;
	v62 =	vmov v20;
	v63 =	vmov v30;
	[hbm4b:s8+s3] =	stream.linear.scatter [tilespmem:s6], [sflag:$0x3], $0x80, $0x38;
	[tilespmem:$0x12C00] =	vst v63  }
0xb1: {  	v30 =	vmovc v26;
	v20 =	vmovc v10;
	v57 =	vmov v6;
	v59 =	vmov v22;
	v6 =	vmov v12;
	s0 =	simm.s32 $0x440;
	s9 =	simm.s32 $0xA730;
	s10 =	sadd.s32 $0x60, s2  }
0xb2: {  	v3 =	vmovc v13;
	v13 =	vmovc v54;
	v10 =	vmov v11;
	v26 =	vmov v19;
	v61 =	vmov v14;
	[hbm4b:s10+s3] =	stream.linear.scatter [tilespmem:s9], [sflag:$0x3], $0x80, $0x38;
	[tilespmem:$0x12C00] =	vst v63  }
0xb3: {  	v31 =	vmovc v18;
	v28 =	vmovc v27;
	v32 =	vmov v9;
	v11 =	vmov v17;
	v17 =	vmov v7;
	s31 =	sadd.s32 $0x70, s2;
	s2 =	sadd.s32 $0x1000, s2;
	s9 =	simm.s32 $0xA7B8  }
.LBB2_5:
0xb4: {  	[hbm4b:s31+s3] =	stream.linear.scatter [tilespmem:s9], [sflag:$0x3], $0x80, $0x38;
	[tilespmem:$0x12C00] =	vst v63  }
0xb5: {  	s9 =	smov.u32 s0;
	s0 =	smov.u32 s28  }
0xb6: {  	s10 =	sadd.s32 $0x1100, s28;
	s0 =	sshra.s32 s0, $0x2;
	s31 =	sadd.s32 $0xA400, s9  }
0xb7: {  	[hbm4b:s2+s3] =	stream.linear.scatter [tilespmem:s31], [sflag:$0x3], $0x80, $0x38;
	[tilespmem:$0x12C00] =	vst v63  }
0xb8: {  	p1 =	sne.s32 s28, $0x7700;
	s28 =	sadd.s32 $0xA488, s9;
	s31 =	sadd.s32 $0x10, s2  }
0xb9: {  	[hbm4b:s31+s3] =	stream.linear.scatter [tilespmem:s28], [sflag:$0x3], $0x80, $0x38;
	[tilespmem:$0x12C00] =	vst v63  }
0xba: {  	s28 =	sadd.s32 $0xA510, s9;
	s31 =	sadd.s32 $0x20, s2  }
0xbb: {  	[hbm4b:s31+s3] =	stream.linear.scatter [tilespmem:s28], [sflag:$0x3], $0x80, $0x38;
	[tilespmem:$0x12C00] =	vst v63  }
0xbc: {  	s28 =	sadd.s32 $0xA598, s9;
	s31 =	sadd.s32 $0x30, s2  }
0xbd: {  	[hbm4b:s31+s3] =	stream.linear.scatter [tilespmem:s28], [sflag:$0x3], $0x80, $0x38;
	[tilespmem:$0x12C00] =	vst v63  }
0xbe: {  	s28 =	sadd.s32 $0xA620, s9;
	s31 =	sadd.s32 $0x40, s2  }
0xbf: {  	[hbm4b:s31+s3] =	stream.linear.scatter [tilespmem:s28], [sflag:$0x3], $0x80, $0x38;
	[tilespmem:$0x12C00] =	vst v63  }
.Ltmp1:
0xc0: {  	s28 =	sadd.s32 $0xA6A8, s9;
	s31 =	sadd.s32 $0x50, s2;
	(pc) =	sbr.rel @p1 .LBB2_5-.Ltmp1, $4  }
0xc1: {  	[hbm4b:s31+s3] =	stream.linear.scatter [tilespmem:s28], [sflag:$0x3], $0x80, $0x38;
	[tilespmem:$0x12C00] =	vst v63  }
0xc2: {  	s28 =	sadd.s32 $0xA730, s9;
	s31 =	sadd.s32 $0x60, s2;
	s9 =	sadd.s32 $0xA7B8, s9  }
0xc3: {  	[hbm4b:s31+s3] =	stream.linear.scatter [tilespmem:s28], [sflag:$0x3], $0x80, $0x38;
	[tilespmem:$0x12C00] =	vst v63  }
0xc4: {  	s31 =	sadd.s32 $0x70, s2;
	s2 =	sadd.s32 $0x1000, s2;
	s28 =	smov.u32 s10  }
0xc5: {  	[hbm4b:s31+s3] =	stream.linear.scatter [tilespmem:s9], [sflag:$0x3], $0x80, $0x38;
	[tilespmem:$0x12C00] =	vst v63  }
0xc6: {  	s6 =	sadd.s32 $0xA400, s0  }
0xc7: {  	[hbm4b:s2+s3] =	stream.linear.scatter [tilespmem:s6], [sflag:$0x3], $0x80, $0x38;
	[tilespmem:$0x12C00] =	vst v63  }
0xc8: {  	s8 =	sadd.s32 $0xA488, s0;
	s10 =	sadd.s32 $0x10, s2  }
0xc9: {  	[hbm4b:s10+s3] =	stream.linear.scatter [tilespmem:s8], [sflag:$0x3], $0x80, $0x38;
	[tilespmem:$0x12C00] =	vst v63  }
0xca: {  	s6 =	sadd.s32 $0xA510, s0;
	s8 =	sadd.s32 $0x20, s2  }
0xcb: {  	[hbm4b:s8+s3] =	stream.linear.scatter [tilespmem:s6], [sflag:$0x3], $0x80, $0x38;
	[tilespmem:$0x12C00] =	vst v63  }
0xcc: {  	s6 =	sadd.s32 $0xA598, s0;
	s8 =	sadd.s32 $0x30, s2  }
0xcd: {  	[hbm4b:s8+s3] =	stream.linear.scatter [tilespmem:s6], [sflag:$0x3], $0x80, $0x38;
	[tilespmem:$0x12C00] =	vst v63  }
0xce: {  	s6 =	sadd.s32 $0xA620, s0;
	s8 =	sadd.s32 $0x40, s2  }
0xcf: {  	[hbm4b:s8+s3] =	stream.linear.scatter [tilespmem:s6], [sflag:$0x3], $0x80, $0x38;
	[tilespmem:$0x12C00] =	vst v63  }
0xd0: {  	s6 =	sadd.s32 $0xA6A8, s0;
	s8 =	sadd.s32 $0x50, s2  }
0xd1: {  	[hbm4b:s8+s3] =	stream.linear.scatter [tilespmem:s6], [sflag:$0x3], $0x80, $0x38;
	[tilespmem:$0x12C00] =	vst v63  }
0xd2: {  	s28 =	sshll.u32 s26, $0x9;
	s6 =	sadd.s32 $0xA730, s0;
	s8 =	sadd.s32 $0x60, s2  }
0xd3: {  	[hbm4b:s8+s3] =	stream.linear.scatter [tilespmem:s6], [sflag:$0x3], $0x80, $0x38;
	[tilespmem:$0x12C00] =	vst v63  }
0xd4: {  	s9 =	sadd.s32 $0xA7B8, s0;
	s31 =	sand.u32 $0x7E00, s28;
	s10 =	sadd.s32 $0x70, s2  }
0xd5: {  	[hbm4b:s10+s3] =	stream.linear.scatter [tilespmem:s9], [sflag:$0x3], $0x80, $0x38;
	[tilespmem:$0x12C00] =	vst v63  }
0xd6: {  	s2 =	sor.u32 $0x100, s31;
	s6 =	simm.s32 $0x0;
	s8 =	simm.s32 $0x1  }
0xd7: {  	[tilespmem:s13], [sflag:$0x1] =	stream.indirect.gather [hbm4b:s5+s12], $0x40, s2, s12, $0xb8;
	[tilespmem:$0x12C00] =	vst v63  }
0xd8: {  	v0 =	vmov s6;
	v2 =	vmov s8;
	s6 =	simm.s32 $0x4;
	s8 =	simm.s32 $0x5;
	_ =	swait.ge [sflag:s17], $0x2000  }
0xd9: {  	s9 =	simm.s32 $0x2;
	s10 =	simm.s32 $0x3;
	v35 =	vmov s6;
	[sflag:s17] =	ssyncset.done $0x0  }
0xda: {  	v0 =	vshrl.u32 v0, $0x3;
	v36 =	vmov s8;
	s6 =	simm.s32 $0x7;
	v33 =	vmov s9;
	s9 =	simm.s32 @!p0 $0x4;
	[sflag:s17] =	ssyncadd.s32 $0xFFFFE000  }
0xdb: {  	v2 =	vshrl.u32 v2, $0x3;
	v34 =	vmov s10;
	v38 =	vmov s6;
	_ =	swait.ge @!p0 [sflag:s9], $0x2000  }
0xdc: {  	v0 =	vshll.u32 v0, v1;
	v35 =	vshrl.u32 v35, $0x3;
	v38 =	vshrl.u32 v38, $0x3;
	[sflag:s9] =	ssyncset.done @!p0 $0x0  }
0xdd: {  	s0 =	simm.s32 $0x8500;
	s10 =	simm.s32 $0x6;
	v36 =	vshrl.u32 v36, $0x3;
	v2 =	vshll.u32 v2, v1;
	v38 =	vshll.u32 v38, v1;
	v29 =	vld [tilespmem:$0x1FF00];
	[sflag:s9] =	ssyncadd.s32 @!p0 $0xFFFFE000  }
0xde: {  	v37 =	vmov s10;
	v39 =	vbroadcast v0, $0x0;
	v41 =	vbroadcast v38, $0x0;
	v0 =	vld [tilespmem:s0+$0xC0]  }
0xdf: {  	v33 =	vshrl.u32 v33, $0x3;
	v34 =	vshrl.u32 v34, $0x3;
	v24 =	vbroadcast v2, $0x0;
	v43 =	vld [tilespmem:s0+$0xFFFFFF40]  }
0xe0: {  	v35 =	vshll.u32 v35, v1;
	v42 =	vshrl.u32 v37, $0x3;
	v2 =	vadd.s32 v56, v41;
	v60 =	vld [tilespmem:s0+$0xFFFFFF00]  }
0xe1: {  	v33 =	vshll.u32 v33, v1;
	v34 =	vshll.u32 v34, v1;
	v47 =	vadd.s32 v21, v24;
	v46 =	vld [tilespmem:s0+$0xFFFFFF80]  }
0xe2: {  	v35 =	vbroadcast v35, $0x0;
	v37 =	vbroadcast v33, $0x0;
	v48 =	vld [tilespmem:s0+$0xFFFFFFC0];
	v45 =	vadd.s32 v29, v39  }
0xe3: {  	v44 =	vshll.u32 v36, v1;
	v36 =	vbroadcast v34, $0x0;
	v50 =	vld [tilespmem:s0+$0x0];
	v0 =	vmul.f32 $8.000000000e+00, v0  }
0xe4: {  	v42 =	vshll.u32 v42, v1;
	v49 =	vadd.s32 v11, v37;
	v52 =	vld [tilespmem:s0+$0x40];
	v43 =	vmul.f32 $8.000000000e+00, v43  }
0xe5: {  	v33 =	vbroadcast v44, $0x0;
	v51 =	vadd.s32 v13, v36;
	v53 =	vld [tilespmem:s0+$0x80];
	v38 =	vmul.f32 $8.000000000e+00, v60;
	[tilespmem:v2+s18+$0x0] =	vst.idx.msk $0xffff, v0  }
0xe6: {  	v44 =	vadd.s32 v63, v35;
	v34 =	vbroadcast v42, $0x0;
	[tilespmem:v47+s18+$0x0] =	vst.idx.msk $0xffff, v43;
	v63 =	vld [tilespmem:s0+$0xD0]  }
0xe7: {  	v58 =	vmul.f32 $8.000000000e+00, v48;
	v2 =	vmul.f32 $8.000000000e+00, v46;
	[tilespmem:v45+s18+$0x0] =	vst.idx.msk $0xffff, v38;
	v38 =	vadd.s32 v15, v33;
	v48 =	vld [tilespmem:s0+$0xFFFFFF50]  }
0xe8: {  	v46 =	vadd.s32 v62, v34;
	v45 =	vld [tilespmem:s0+$0xFFFFFF10]  }
0xe9: {  	[tilespmem:v49+s18+$0x0] =	vst.idx.msk $0xffff, v2;
	v2 =	vmul.f32 $8.000000000e+00, v50;
	v49 =	vadd.s32 v3, v41  }
0xea: {  	v60 =	vmul.f32 $8.000000000e+00, v52;
	v52 =	vadd.s32 v17, v24;
	[tilespmem:v51+s18+$0x0] =	vst.idx.msk $0xffff, v58;
	v55 =	vld [tilespmem:s0+$0xFFFFFF90]  }
0xeb: {  	v4 =	vmov v56;
	v54 =	vadd.s32 v8, v39;
	v56 =	vld [tilespmem:s0+$0xFFFFFFD0];
	[tilespmem:v44+s18+$0x0] =	vst.idx.msk $0xffff, v2;
	v2 =	vmul.f32 $8.000000000e+00, v53  }
0xec: {  	v18 =	vmov v57;
	v53 =	vadd.s32 v57, v37;
	v57 =	vld [tilespmem:s0+$0x10];
	[tilespmem:v38+s18+$0x0] =	vst.idx.msk $0xffff, v60;
	v62 =	vmul.f32 $8.000000000e+00, v63  }
0xed: {  	[tilespmem:v46+s18+$0x0] =	vst.idx.msk $0xffff, v2;
	v60 =	vmul.f32 $8.000000000e+00, v48;
	v63 =	vmul.f32 $8.000000000e+00, v45;
	v45 =	vadd.s32 v20, v36;
	v58 =	vld [tilespmem:s0+$0x50]  }
0xee: {  	v22 =	vmov v59;
	s8 =	simm.s32 $0x8;
	v48 =	vadd.s32 v59, v35;
	v59 =	vld [tilespmem:s0+$0x90];
	[tilespmem:v49+s18+$0x0] =	vst.idx.msk $0xffff, v62  }
0xef: {  	s9 =	simm.s32 $0x9;
	v0 =	vmov s8;
	v43 =	vadd.s32 v30, v33;
	v62 =	vmul.f32 $8.000000000e+00, v55;
	[tilespmem:v52+s18+$0x0] =	vst.idx.msk $0xffff, v60;
	v49 =	vld [tilespmem:s0+$0xE0]  }
0xf0: {  	s6 =	simm.s32 $0xB;
	v47 =	vmov s9;
	v52 =	vadd.s32 v26, v34;
	[tilespmem:v54+s18+$0x0] =	vst.idx.msk $0xffff, v63;
	v63 =	vmul.f32 $8.000000000e+00, v56;
	v55 =	vld [tilespmem:s0+$0xFFFFFF60]  }
0xf1: {  	s10 =	simm.s32 $0xA;
	v51 =	vmov s6;
	v0 =	vshrl.u32 v0, $0x3;
	v54 =	vld [tilespmem:s0+$0xFFFFFF20];
	[tilespmem:v53+s18+$0x0] =	vst.idx.msk $0xffff, v62;
	v38 =	vmul.f32 $8.000000000e+00, v57  }
0xf2: {  	v50 =	vmov s10;
	v53 =	vadd.s32 v5, v41;
	v56 =	vld [tilespmem:s0+$0xFFFFFFA0];
	[tilespmem:v45+s18+$0x0] =	vst.idx.msk $0xffff, v63;
	v40 =	vmul.f32 $8.000000000e+00, v58  }
0xf3: {  	s9 =	simm.s32 $0xD;
	s10 =	simm.s32 $0xE;
	v57 =	vshrl.u32 v51, $0x3;
	v51 =	vadd.s32 v61, v39;
	[tilespmem:v48+s18+$0x0] =	vst.idx.msk $0xffff, v38;
	v38 =	vmul.f32 $8.000000000e+00, v59;
	v60 =	vld [tilespmem:s0+$0xFFFFFFE0]  }
0xf4: {  	v16 =	vmovc v61;
	v42 =	vmov s9;
	v0 =	vshll.u32 v0, v1;
	v2 =	vmov s10;
	v61 =	vld [tilespmem:s0+$0x20];
	[tilespmem:v43+s18+$0x0] =	vst.idx.msk $0xffff, v40  }
0xf5: {  	v58 =	vadd.s32 v31, v24;
	v59 =	vshrl.u32 v42, $0x3;
	v45 =	vmul.f32 $8.000000000e+00, v49;
	[tilespmem:v52+s18+$0x0] =	vst.idx.msk $0xffff, v38;
	v62 =	vld [tilespmem:s0+$0x60]  }
0xf6: {  	v48 =	vadd.s32 v6, v37;
	v42 =	vshrl.u32 v2, $0x3;
	v2 =	vmul.f32 $8.000000000e+00, v54;
	v15 =	vld [tilespmem:$0x1FED0]  }
0xf7: {  	v38 =	vbroadcast v0, $0x0;
	v40 =	vld [tilespmem:s0+$0xA0];
	[tilespmem:v53+s18+$0x0] =	vst.idx.msk $0xffff, v45  }
0xf8: {  	s8 =	simm.s32 $0xC;
	v0 =	vmul.f32 $8.000000000e+00, v55;
	v54 =	vadd.s32 v10, v36;
	[tilespmem:v51+s18+$0x0] =	vst.idx.msk $0xffff, v2;
	v2 =	vmul.f32 $8.000000000e+00, v56;
	v56 =	vld [tilespmem:s0+$0xF0]  }
0xf9: {  	v25 =	vmov v21;
	v50 =	vshrl.u32 v50, $0x3;
	v44 =	vmov s8;
	v21 =	vld [tilespmem:$0x1FEE0]  }
0xfa: {  	v46 =	vshrl.u32 v44, $0x3;
	v44 =	vshll.u32 v50, v1;
	v50 =	vld [tilespmem:s0+$0xFFFFFF30];
	[tilespmem:v58+s18+$0x0] =	vst.idx.msk $0xffff, v0  }
0xfb: {  	v19 =	vmov v8;
	v0 =	vmul.f32 $8.000000000e+00, v60;
	v8 =	vld [tilespmem:$0x1FF60];
	[tilespmem:v48+s18+$0x0] =	vst.idx.msk $0xffff, v2;
	v63 =	vadd.s32 v15, v35  }
0xfc: {  	v23 =	vmov v31;
	v31 =	vmov v3;
	v3 =	vld [tilespmem:$0x1FEF0]  }
0xfd: {  	v14 =	vmov v16;
	v16 =	vmov v25;
	v25 =	vmov v19;
	v19 =	vld [tilespmem:$0x1FE90];
	[tilespmem:v54+s18+$0x0] =	vst.idx.msk $0xffff, v0  }
0xfe: {  	v27 =	vmovc v6;
	v6 =	vmov v18;
	v18 =	vmov v23;
	v2 =	vmul.f32 $8.000000000e+00, v61;
	v23 =	vld [tilespmem:$0x1FF10]  }
0xff: {  	v49 =	vmov v10;
	v52 =	vld [tilespmem:s0+$0xFFFFFF70]  }
0x100: {  	v7 =	vmov v11;
	v47 =	vshrl.u32 v47, $0x3;
	v11 =	vmov v49;
	v49 =	vld [tilespmem:s0+$0xFFFFFFB0];
	[tilespmem:v63+s18+$0x0] =	vst.idx.msk $0xffff, v2  }
0x101: {  	v47 =	vshll.u32 v47, v1;
	v46 =	vshll.u32 v46, v1;
	v10 =	vmov v20;
	v20 =	vld [tilespmem:$0x1FF20]  }
0x102: {  	v43 =	vshll.u32 v59, v1;
	v45 =	vshll.u32 v57, v1;
	v54 =	vld [tilespmem:s0+$0xFFFFFFF0];
	v55 =	vadd.s32 v21, v33  }
0x103: {  	v9 =	vmovc v30;
	v40 =	vmul.f32 $8.000000000e+00, v40;
	v53 =	vadd.s32 v3, v41;
	v41 =	vadd.s32 v23, v24;
	v24 =	vld [tilespmem:$0x1FFA0]  }
0x104: {  	v12 =	vmovc v27;
	s2 =	simm.s32 $0x10;
	s9 =	simm.s32 $0xF;
	v51 =	vadd.s32 v8, v34;
	v30 =	vmovc v3;
	v48 =	vadd.s32 v19, v39;
	v39 =	vmul.f32 $8.000000000e+00, v62;
	v27 =	vld [tilespmem:$0x1FF90]  }
.LBB2_7:
0x105: {  	_ = 	snop  }
0x106: {  	v0 =	vmov s9;
	v2 =	vadd.s32 v20, v37;
	v59 =	vld [tilespmem:s0+$0x30]  }
0x107: {  	[tilespmem:v55+s18+$0x0] =	vst.idx.msk $0xffff, v39;
	v0 =	vshrl.u32 v0, $0x3  }
0x108: {  	v35 =	vadd.s32 v24, v35;
	v0 =	vshll.u32 v0, v1;
	v62 =	vmul.f32 $8.000000000e+00, v56;
	v56 =	vld [tilespmem:s0+$0x70]  }
0x109: {  	[tilespmem:v51+s18+$0x0] =	vst.idx.msk $0xffff, v40;
	v40 =	vbroadcast v0, $0x0;
	v0 =	vmul.f32 $8.000000000e+00, v49  }
0x10a: {  	v33 =	vadd.s32 v28, v33;
	v3 =	vld [tilespmem:$0x1FF30];
	v63 =	vmul.f32 $8.000000000e+00, v50  }
0x10b: {  	[tilespmem:v2+s18+$0x0] =	vst.idx.msk $0xffff, v0;
	v0 =	vmul.f32 $8.000000000e+00, v59  }
0x10c: {  	v58 =	vld [tilespmem:s0+$0xB0];
	s0 =	sadd.s32 $0x200, s0;
	[tilespmem:v48+s18+$0x0] =	vst.idx.msk $0xffff, v63  }
0x10d: {  	v36 =	vadd.s32 v27, v36;
	v39 =	vmovc v38;
	v38 =	vld [tilespmem:s0+$0xFFFFFF00];
	[tilespmem:v35+s18+$0x0] =	vst.idx.msk $0xffff, v0;
	v35 =	vbroadcast v46, $0x0;
	v59 =	vmul.f32 $8.000000000e+00, v56  }
0x10e: {  	v57 =	vmul.f32 $8.000000000e+00, v52;
	[tilespmem:v53+s18+$0x0] =	vst.idx.msk $0xffff, v62  }
0x10f: {  	v2 =	vadd.s32 v29, v39;
	[tilespmem:v33+s18+$0x0] =	vst.idx.msk $0xffff, v59;
	v33 =	vbroadcast v43, $0x0;
	v43 =	vadd.s32 v3, v35;
	v3 =	vld [tilespmem:$0x1FF40]  }
0x110: {  	v60 =	vmul.f32 $8.000000000e+00, v54;
	[tilespmem:v41+s18+$0x0] =	vst.idx.msk $0xffff, v57;
	v53 =	vld [tilespmem:s0+$0xC0]  }
0x111: {  	v34 =	vadd.s32 v32, v34;
	v49 =	vld [tilespmem:s0+$0xFFFFFF40]  }
0x112: {  	v61 =	vadd.s32 v4, v40;
	v41 =	vbroadcast v47, $0x0;
	[tilespmem:v36+s18+$0x0] =	vst.idx.msk $0xffff, v60;
	v62 =	vld [tilespmem:s0+$0xFFFFFF80];
	v38 =	vmul.f32 $8.000000000e+00, v38  }
0x113: {  	v37 =	vbroadcast v44, $0x0;
	v36 =	vbroadcast v45, $0x0;
	v63 =	vld [tilespmem:s0+$0xFFFFFFC0]  }
0x114: {  	v60 =	vadd.s32 v16, v41;
	v0 =	vmul.f32 $8.000000000e+00, v58;
	[tilespmem:v2+s18+$0x0] =	vst.idx.msk $0xffff, v38;
	v38 =	vadd.s32 v3, v33;
	v3 =	vld [tilespmem:$0x1FF50]  }
0x115: {  	v45 =	vadd.s32 v7, v37;
	v56 =	vld [tilespmem:s0+$0x0];
	v57 =	vmul.f32 $8.000000000e+00, v53  }
0x116: {  	v42 =	vshll.u32 v42, v1;
	v58 =	vadd.s32 v13, v36;
	[tilespmem:v34+s18+$0x0] =	vst.idx.msk $0xffff, v0;
	v59 =	vld [tilespmem:s0+$0x40]  }
0x117: {  	s6 =	sadd.s32 $0x1, s2;
	s10 =	sadd.s32 $0x3, s2;
	v34 =	vbroadcast v42, $0x0;
	v0 =	vmul.f32 $8.000000000e+00, v49;
	v49 =	vld [tilespmem:s0+$0x80];
	[tilespmem:v61+s18+$0x0] =	vst.idx.msk $0xffff, v57  }
0x118: {  	s8 =	sadd.s32 $0x2, s2;
	v44 =	vmov s10;
	v50 =	vmov s6;
	v2 =	vmul.f32 $8.000000000e+00, v62;
	v46 =	vld [tilespmem:s0+$0xD0]  }
0x119: {  	v52 =	vmov s8;
	[tilespmem:v60+s18+$0x0] =	vst.idx.msk $0xffff, v0;
	v0 =	vmul.f32 $8.000000000e+00, v63;
	v62 =	vld [tilespmem:s0+$0xFFFFFF10];
	v63 =	vadd.s32 v3, v34  }
0x11a: {  	v61 =	vmov s2;
	v60 =	vld [tilespmem:s0+$0xFFFFFF50];
	[tilespmem:v45+s18+$0x0] =	vst.idx.msk $0xffff, v2;
	v2 =	vmul.f32 $8.000000000e+00, v56;
	v45 =	vadd.s32 v31, v40  }
0x11b: {  	v54 =	vadd.s32 v25, v39;
	v42 =	vshrl.u32 v61, $0x3;
	[tilespmem:v58+s18+$0x0] =	vst.idx.msk $0xffff, v0;
	v61 =	vld [tilespmem:s0+$0xFFFFFF90];
	v0 =	vmul.f32 $8.000000000e+00, v59  }
0x11c: {  	v50 =	vshrl.u32 v50, $0x3;
	v53 =	vadd.s32 v17, v41;
	v56 =	vld [tilespmem:s0+$0xFFFFFFD0];
	[tilespmem:v43+s18+$0x0] =	vst.idx.msk $0xffff, v2;
	v2 =	vmul.f32 $8.000000000e+00, v49  }
0x11d: {  	v52 =	vshrl.u32 v52, $0x3;
	v49 =	vadd.s32 v6, v37;
	v57 =	vld [tilespmem:s0+$0x10];
	[tilespmem:v38+s18+$0x0] =	vst.idx.msk $0xffff, v0;
	v0 =	vmul.f32 $8.000000000e+00, v46  }
0x11e: {  	v47 =	vadd.s32 v10, v36;
	v48 =	vadd.s32 v18, v41;
	v62 =	vmul.f32 $8.000000000e+00, v62;
	v58 =	vld [tilespmem:s0+$0x50];
	[tilespmem:v63+s18+$0x0] =	vst.idx.msk $0xffff, v2  }
0x11f: {  	s6 =	sadd.s32 $0x4, s2;
	v41 =	vadd.s32 v23, v41;
	[tilespmem:v45+s18+$0x0] =	vst.idx.msk $0xffff, v0;
	v63 =	vmul.f32 $8.000000000e+00, v60;
	v60 =	vadd.s32 v22, v35;
	v59 =	vld [tilespmem:s0+$0x90]  }
0x120: {  	v43 =	vmov s6;
	[tilespmem:v54+s18+$0x0] =	vst.idx.msk $0xffff, v62;
	v61 =	vmul.f32 $8.000000000e+00, v61;
	v45 =	vadd.s32 v9, v33;
	v46 =	vld [tilespmem:s0+$0xE0]  }
0x121: {  	s8 =	sadd.s32 $0x5, s2;
	v43 =	vshrl.u32 v43, $0x3;
	v62 =	vmul.f32 $8.000000000e+00, v56;
	v54 =	vld [tilespmem:s0+$0xFFFFFF20];
	[tilespmem:v53+s18+$0x0] =	vst.idx.msk $0xffff, v63;
	v53 =	vadd.s32 v26, v34  }
0x122: {  	v38 =	vmov s8;
	[tilespmem:v49+s18+$0x0] =	vst.idx.msk $0xffff, v61;
	v49 =	vadd.s32 v5, v40;
	v63 =	vmul.f32 $8.000000000e+00, v57;
	v55 =	vld [tilespmem:s0+$0xFFFFFF60]  }
0x123: {  	s10 =	sadd.s32 $0x6, s2;
	[tilespmem:v47+s18+$0x0] =	vst.idx.msk $0xffff, v62;
	v56 =	vld [tilespmem:s0+$0xFFFFFFA0];
	v47 =	vmul.f32 $8.000000000e+00, v58;
	v57 =	vshrl.u32 v44, $0x3;
	v44 =	vadd.s32 v14, v39  }
0x124: {  	v0 =	vshll.u32 v42, v1;
	v2 =	vmov s10;
	v58 =	vld [tilespmem:s0+$0xFFFFFFE0];
	[tilespmem:v60+s18+$0x0] =	vst.idx.msk $0xffff, v63;
	v51 =	vmul.f32 $8.000000000e+00, v59  }
0x125: {  	v42 =	vshrl.u32 v2, $0x3;
	[tilespmem:v45+s18+$0x0] =	vst.idx.msk $0xffff, v47;
	v45 =	vmul.f32 $8.000000000e+00, v46;
	v60 =	vadd.s32 v12, v37;
	v61 =	vld [tilespmem:s0+$0x20]  }
0x126: {  	v2 =	vmul.f32 $8.000000000e+00, v54;
	v54 =	vadd.s32 v11, v36;
	v62 =	vld [tilespmem:s0+$0x60];
	v63 =	vadd.s32 v15, v35;
	[tilespmem:v53+s18+$0x0] =	vst.idx.msk $0xffff, v51  }
0x127: {  	p1 =	slt.u32 s2, $0x78;
	[tilespmem:v49+s18+$0x0] =	vst.idx.msk $0xffff, v45;
	v59 =	vshrl.u32 v38, $0x3;
	v38 =	vbroadcast v0, $0x0;
	v0 =	vmul.f32 $8.000000000e+00, v55;
	v3 =	vld [tilespmem:s0+$0xA0]  }
.Ltmp2:
0x128: {  	v47 =	vshll.u32 v50, v1;
	v46 =	vshll.u32 v43, v1;
	[tilespmem:v44+s18+$0x0] =	vst.idx.msk $0xffff, v2;
	v2 =	vmul.f32 $8.000000000e+00, v56;
	v56 =	vld [tilespmem:s0+$0xF0];
	(pc) =	sbr.rel @p1 .LBB2_7-.Ltmp2, $4  }
0x129: {  	v45 =	vshll.u32 v57, v1;
	v44 =	vshll.u32 v52, v1;
	v50 =	vld [tilespmem:s0+$0xFFFFFF30];
	[tilespmem:v48+s18+$0x0] =	vst.idx.msk $0xffff, v0;
	v0 =	vmul.f32 $8.000000000e+00, v58  }
0x12a: {  	v43 =	vshll.u32 v59, v1;
	v55 =	vadd.s32 v21, v33;
	[tilespmem:v60+s18+$0x0] =	vst.idx.msk $0xffff, v2;
	v52 =	vld [tilespmem:s0+$0xFFFFFF70];
	v2 =	vmul.f32 $8.000000000e+00, v61  }
0x12b: {  	v51 =	vadd.s32 v8, v34;
	v53 =	vadd.s32 v30, v40;
	v49 =	vld [tilespmem:s0+$0xFFFFFFB0];
	[tilespmem:v54+s18+$0x0] =	vst.idx.msk $0xffff, v0  }
0x12c: {  	s9 =	sadd.s32 $0x7, s2;
	s2 =	sadd.s32 $0x8, s2;
	v48 =	vadd.s32 v19, v39;
	v39 =	vmul.f32 $8.000000000e+00, v62;
	v54 =	vld [tilespmem:s0+$0xFFFFFFF0];
	[tilespmem:v63+s18+$0x0] =	vst.idx.msk $0xffff, v2;
	v40 =	vmul.f32 $8.000000000e+00, v3  }
0x12d: {  	_ =	sdelay $0x3  }
0x12e: {  	v2 =	vadd.s32 v20, v37;
	v3 =	vld [tilespmem:s0+$0x30];
	v56 =	vmul.f32 $8.000000000e+00, v56;
	[tilespmem:v55+s18+$0x0] =	vst.idx.msk $0xffff, v39  }
0x12f: {  	v36 =	vadd.s32 v27, v36;
	v57 =	vmul.f32 $8.000000000e+00, v50;
	[tilespmem:v51+s18+$0x0] =	vst.idx.msk $0xffff, v40;
	v58 =	vld [tilespmem:s0+$0x70]  }
0x130: {  	v35 =	vadd.s32 v24, v35;
	v59 =	vmul.f32 $8.000000000e+00, v52;
	v51 =	vld [tilespmem:s0+$0xB0];
	[tilespmem:v53+s18+$0x0] =	vst.idx.msk $0xffff, v56  }
0x131: {  	v0 =	vmov s9;
	v33 =	vadd.s32 v28, v33;
	[tilespmem:v48+s18+$0x0] =	vst.idx.msk $0xffff, v57;
	v60 =	vmul.f32 $8.000000000e+00, v49  }
0x132: {  	v34 =	vadd.s32 v32, v34;
	v0 =	vshrl.u32 v0, $0x3;
	[tilespmem:v41+s18+$0x0] =	vst.idx.msk $0xffff, v59;
	v62 =	vmul.f32 $8.000000000e+00, v54  }
0x133: {  	s9 =	sadd.s32 $0x200, s0;
	v0 =	vshll.u32 v0, v1;
	[tilespmem:v2+s18+$0x0] =	vst.idx.msk $0xffff, v60;
	v2 =	vmul.f32 $8.000000000e+00, v3  }
0x134: {  	v37 =	vld [tilespmem:s9+$0xC0];
	v0 =	vbroadcast v0, $0x0;
	[tilespmem:v36+s18+$0x0] =	vst.idx.msk $0xffff, v62;
	v63 =	vmul.f32 $8.000000000e+00, v58  }
0x135: {  	v61 =	vld [tilespmem:s9+$0xFFFFFF00];
	[tilespmem:v35+s18+$0x0] =	vst.idx.msk $0xffff, v2;
	v2 =	vmul.f32 $8.000000000e+00, v51  }
0x136: {  	v49 =	vadd.s32 v4, v0;
	[tilespmem:v33+s18+$0x0] =	vst.idx.msk $0xffff, v63  }
0x137: {  	v3 =	vadd.s32 v29, v38;
	[tilespmem:v34+s18+$0x0] =	vst.idx.msk $0xffff, v2  }
0x138: {  	v4 =	vld [tilespmem:$0x1FF30]  }
0x139: {  	v37 =	vmul.f32 $8.000000000e+00, v37  }
0x13a: {  	v47 =	vbroadcast v47, $0x0;
	v41 =	vld [tilespmem:s9+$0xFFFFFF40];
	v60 =	vmul.f32 $8.000000000e+00, v61  }
0x13b: {  	v46 =	vbroadcast v46, $0x0;
	[tilespmem:v49+s18+$0x0] =	vst.idx.msk $0xffff, v37  }
0x13c: {  	v40 =	vadd.s32 v16, v47;
	[tilespmem:v3+s18+$0x0] =	vst.idx.msk $0xffff, v60  }
0x13d: {  	v34 =	vadd.s32 v4, v46;
	v4 =	vld [tilespmem:$0x1FF40];
	_ =	sdelay $0x1  }
0x13e: {  	v2 =	vmul.f32 $8.000000000e+00, v41  }
0x13f: {  	v43 =	vbroadcast v43, $0x0;
	v39 =	vld [tilespmem:s9+$0xFFFFFF80]  }
0x140: {  	v44 =	vbroadcast v44, $0x0;
	v57 =	vld [tilespmem:s9+$0xFFFFFFC0];
	[tilespmem:v40+s18+$0x0] =	vst.idx.msk $0xffff, v2  }
0x141: {  	v45 =	vbroadcast v45, $0x0;
	v33 =	vadd.s32 v4, v43;
	v4 =	vld [tilespmem:$0x1FF50]  }
0x142: {  	v59 =	vld [tilespmem:s9+$0x0];
	v58 =	vadd.s32 v7, v44  }
0x143: {  	v42 =	vshll.u32 v42, v1;
	v61 =	vadd.s32 v13, v45;
	v62 =	vld [tilespmem:s9+$0x40]  }
0x144: {  	v42 =	vbroadcast v42, $0x0;
	v41 =	vld [tilespmem:s9+$0x80]  }
0x145: {  	v3 =	vmul.f32 $8.000000000e+00, v39;
	v63 =	vld [tilespmem:s9+$0xFFFFFF10]  }
0x146: {  	v37 =	vld [tilespmem:s9+$0xD0];
	v2 =	vmul.f32 $8.000000000e+00, v57;
	v56 =	vadd.s32 v4, v42  }
0x147: {  	v57 =	vld [tilespmem:s9+$0xFFFFFF50];
	[tilespmem:v58+s18+$0x0] =	vst.idx.msk $0xffff, v3;
	v3 =	vmul.f32 $8.000000000e+00, v59;
	v59 =	vadd.s32 v25, v38  }
0x148: {  	v58 =	vadd.s32 v31, v0;
	[tilespmem:v61+s18+$0x0] =	vst.idx.msk $0xffff, v2;
	v2 =	vmul.f32 $8.000000000e+00, v62;
	v60 =	vld [tilespmem:s9+$0xFFFFFF90]  }
0x149: {  	v61 =	vadd.s32 v17, v47;
	v62 =	vld [tilespmem:s9+$0xFFFFFFD0];
	[tilespmem:v34+s18+$0x0] =	vst.idx.msk $0xffff, v3;
	v3 =	vmul.f32 $8.000000000e+00, v41  }
0x14a: {  	v63 =	vmul.f32 $8.000000000e+00, v63;
	v34 =	vadd.s32 v6, v44;
	v41 =	vld [tilespmem:s9+$0x10];
	[tilespmem:v33+s18+$0x0] =	vst.idx.msk $0xffff, v2  }
0x14b: {  	v2 =	vmul.f32 $8.000000000e+00, v37;
	v37 =	vadd.s32 v10, v45;
	v39 =	vld [tilespmem:s9+$0x50];
	[tilespmem:v56+s18+$0x0] =	vst.idx.msk $0xffff, v3  }
0x14c: {  	v40 =	vadd.s32 v22, v46;
	[tilespmem:v59+s18+$0x0] =	vst.idx.msk $0xffff, v63;
	v3 =	vmul.f32 $8.000000000e+00, v57;
	v49 =	vld [tilespmem:s9+$0x90]  }
0x14d: {  	v55 =	vadd.s32 v9, v43;
	v50 =	vld [tilespmem:s9+$0xFFFFFF20];
	[tilespmem:v58+s18+$0x0] =	vst.idx.msk $0xffff, v2;
	v2 =	vmul.f32 $8.000000000e+00, v60  }
0x14e: {  	v35 =	vld [tilespmem:s9+$0xE0];
	v56 =	vadd.s32 v26, v42;
	[tilespmem:v61+s18+$0x0] =	vst.idx.msk $0xffff, v3;
	v3 =	vmul.f32 $8.000000000e+00, v62  }
0x14f: {  	[tilespmem:v34+s18+$0x0] =	vst.idx.msk $0xffff, v2;
	v2 =	vmul.f32 $8.000000000e+00, v41;
	v41 =	vadd.s32 v14, v38;
	v57 =	vld [tilespmem:s9+$0xFFFFFF60]  }
0x150: {  	v34 =	vadd.s32 v5, v0;
	v58 =	vld [tilespmem:s9+$0xFFFFFFA0];
	[tilespmem:v37+s18+$0x0] =	vst.idx.msk $0xffff, v3;
	v3 =	vmul.f32 $8.000000000e+00, v39  }
0x151: {  	[tilespmem:v40+s18+$0x0] =	vst.idx.msk $0xffff, v2;
	v61 =	vadd.s32 v18, v47;
	v62 =	vld [tilespmem:s9+$0xFFFFFFE0];
	v2 =	vmul.f32 $8.000000000e+00, v49  }
0x152: {  	v40 =	vadd.s32 v12, v44;
	v63 =	vmul.f32 $8.000000000e+00, v50;
	v49 =	vld [tilespmem:s9+$0x20];
	[tilespmem:v55+s18+$0x0] =	vst.idx.msk $0xffff, v3  }
0x153: {  	v3 =	vmul.f32 $8.000000000e+00, v35;
	v35 =	vadd.s32 v11, v45;
	v55 =	vld [tilespmem:s9+$0x60];
	[tilespmem:v56+s18+$0x0] =	vst.idx.msk $0xffff, v2  }
0x154: {  	[tilespmem:v41+s18+$0x0] =	vst.idx.msk $0xffff, v63;
	v2 =	vmul.f32 $8.000000000e+00, v57;
	v56 =	vadd.s32 v15, v46;
	v57 =	vld [tilespmem:s9+$0xA0]  }
0x155: {  	v41 =	vld [tilespmem:s9+$0xFFFFFF30];
	[tilespmem:v34+s18+$0x0] =	vst.idx.msk $0xffff, v3;
	v3 =	vmul.f32 $8.000000000e+00, v58;
	v58 =	vadd.s32 v21, v43  }
0x156: {  	v34 =	vld [tilespmem:s9+$0xF0];
	[tilespmem:v61+s18+$0x0] =	vst.idx.msk $0xffff, v2;
	v2 =	vmul.f32 $8.000000000e+00, v62;
	v61 =	vadd.s32 v8, v42  }
0x157: {  	v63 =	vadd.s32 v19, v38;
	[tilespmem:v40+s18+$0x0] =	vst.idx.msk $0xffff, v3;
	v62 =	vld [tilespmem:s9+$0xFFFFFF70];
	v3 =	vmul.f32 $8.000000000e+00, v49  }
0x158: {  	v0 =	vadd.s32 v30, v0;
	v40 =	vld [tilespmem:s9+$0xFFFFFFB0];
	[tilespmem:v35+s18+$0x0] =	vst.idx.msk $0xffff, v2;
	v2 =	vmul.f32 $8.000000000e+00, v55  }
0x159: {  	v49 =	vadd.s32 v23, v47;
	v50 =	vld [tilespmem:s9+$0xFFFFFFF0];
	[tilespmem:v56+s18+$0x0] =	vst.idx.msk $0xffff, v3;
	v3 =	vmul.f32 $8.000000000e+00, v57  }
0x15a: {  	v51 =	vadd.s32 v20, v44;
	v56 =	vmul.f32 $8.000000000e+00, v41;
	v55 =	vld [tilespmem:s9+$0x30];
	[tilespmem:v58+s18+$0x0] =	vst.idx.msk $0xffff, v2  }
0x15b: {  	v2 =	vmul.f32 $8.000000000e+00, v34;
	v57 =	vadd.s32 v27, v45;
	v58 =	vld [tilespmem:s9+$0x70];
	[tilespmem:v61+s18+$0x0] =	vst.idx.msk $0xffff, v3  }
0x15c: {  	[tilespmem:v63+s18+$0x0] =	vst.idx.msk $0xffff, v56;
	v3 =	vmul.f32 $8.000000000e+00, v62;
	v61 =	vadd.s32 v24, v46;
	v62 =	vld [tilespmem:s9+$0xB0]  }
0x15d: {  	[tilespmem:v0+s18+$0x0] =	vst.idx.msk $0xffff, v2;
	v0 =	vmul.f32 $8.000000000e+00, v40;
	v2 =	vadd.s32 v28, v43  }
0x15e: {  	v63 =	vadd.s32 v32, v42;
	[tilespmem:v49+s18+$0x0] =	vst.idx.msk $0xffff, v3;
	v3 =	vmul.f32 $8.000000000e+00, v50  }
0x15f: {  	[tilespmem:v51+s18+$0x0] =	vst.idx.msk $0xffff, v0;
	v0 =	vmul.f32 $8.000000000e+00, v55  }
0x160: {  	[tilespmem:v57+s18+$0x0] =	vst.idx.msk $0xffff, v3;
	v3 =	vmul.f32 $8.000000000e+00, v58  }
0x161: {  	[tilespmem:v61+s18+$0x0] =	vst.idx.msk $0xffff, v0;
	v0 =	vmul.f32 $8.000000000e+00, v62  }
0x162: {  	[tilespmem:v2+s18+$0x0] =	vst.idx.msk $0xffff, v3  }
0x163: {  	s2 =	sadd.s32 s30, s7;
	s10 =	simm.s32 $0xC600;
	[tilespmem:v63+s18+$0x0] =	vst.idx.msk $0xffff, v0  }
0x164: {  	[hbm4b:s2+s3] =	stream.linear.scatter [tilespmem:s10], [sflag:$0x4], $0x80, $0x38;
	[tilespmem:$0x12C00] =	vst v63  }
0x165: {  	s6 =	simm.s32 $0xC688;
	s8 =	sadd.s32 $0x10, s2  }
0x166: {  	[hbm4b:s8+s3] =	stream.linear.scatter [tilespmem:s6], [sflag:$0x4], $0x80, $0x38;
	[tilespmem:$0x12C00] =	vst v63  }
0x167: {  	s9 =	simm.s32 $0xC710;
	s10 =	sadd.s32 $0x20, s2  }
0x168: {  	[hbm4b:s10+s3] =	stream.linear.scatter [tilespmem:s9], [sflag:$0x4], $0x80, $0x38;
	[tilespmem:$0x12C00] =	vst v63  }
0x169: {  	s6 =	simm.s32 $0xC798;
	s8 =	sadd.s32 $0x30, s2  }
0x16a: {  	[hbm4b:s8+s3] =	stream.linear.scatter [tilespmem:s6], [sflag:$0x4], $0x80, $0x38;
	[tilespmem:$0x12C00] =	vst v63  }
0x16b: {  	s9 =	simm.s32 $0xC820;
	s10 =	sadd.s32 $0x40, s2  }
0x16c: {  	[hbm4b:s10+s3] =	stream.linear.scatter [tilespmem:s9], [sflag:$0x4], $0x80, $0x38;
	[tilespmem:$0x12C00] =	vst v63  }
0x16d: {  	s30 =	simm.s32 $0x2200;
	s6 =	simm.s32 $0xC8A8;
	s8 =	sadd.s32 $0x50, s2  }
0x16e: {  	v52 =	vmov v16;
	v54 =	vmov v7;
	[hbm4b:s8+s3] =	stream.linear.scatter [tilespmem:s6], [sflag:$0x4], $0x80, $0x38;
	[tilespmem:$0x12C00] =	vst v63  }
0x16f: {  	v16 =	vmovc v13;
	v53 =	vmovc v25;
	s0 =	simm.s32 $0x440;
	v7 =	vmov v17;
	v20 =	vmov v54;
	v17 =	vmov v6;
	s9 =	simm.s32 $0xC930;
	s10 =	sadd.s32 $0x60, s2  }
0x170: {  	v6 =	vmovc v10;
	v4 =	vmovc v31;
	v31 =	vmov v22;
	v59 =	vmov v9;
	v10 =	vmov v14;
	[hbm4b:s10+s3] =	stream.linear.scatter [tilespmem:s9], [sflag:$0x4], $0x80, $0x38;
	[tilespmem:$0x12C00] =	vst v63  }
0x171: {  	v60 =	vmovc v26;
	v14 =	vmovc v18;
	v18 =	vmov v12;
	v12 =	vmov v11;
	v24 =	vmov v4;
	s9 =	simm.s32 $0xC9B8;
	s10 =	sadd.s32 $0x70, s2;
	s2 =	sadd.s32 $0x1000, s2  }
.LBB2_9:
0x172: {  	[hbm4b:s10+s3] =	stream.linear.scatter [tilespmem:s9], [sflag:$0x4], $0x80, $0x38;
	[tilespmem:$0x12C00] =	vst v63  }
0x173: {  	s9 =	smov.u32 s0;
	s0 =	smov.u32 s30  }
0x174: {  	s6 =	sadd.s32 $0x1100, s30;
	s0 =	sshra.s32 s0, $0x2;
	s10 =	sadd.s32 $0xC600, s9  }
0x175: {  	[hbm4b:s2+s3] =	stream.linear.scatter [tilespmem:s10], [sflag:$0x4], $0x80, $0x38;
	[tilespmem:$0x12C00] =	vst v63  }
0x176: {  	p1 =	sne.s32 s30, $0x7700;
	s30 =	sadd.s32 $0x10, s2;
	s10 =	sadd.s32 $0xC688, s9  }
0x177: {  	[hbm4b:s30+s3] =	stream.linear.scatter [tilespmem:s10], [sflag:$0x4], $0x80, $0x38;
	[tilespmem:$0x12C00] =	vst v63  }
0x178: {  	s10 =	sadd.s32 $0xC710, s9;
	s30 =	sadd.s32 $0x20, s2  }
0x179: {  	[hbm4b:s30+s3] =	stream.linear.scatter [tilespmem:s10], [sflag:$0x4], $0x80, $0x38;
	[tilespmem:$0x12C00] =	vst v63  }
0x17a: {  	s10 =	sadd.s32 $0xC798, s9;
	s30 =	sadd.s32 $0x30, s2  }
0x17b: {  	[hbm4b:s30+s3] =	stream.linear.scatter [tilespmem:s10], [sflag:$0x4], $0x80, $0x38;
	[tilespmem:$0x12C00] =	vst v63  }
0x17c: {  	s10 =	sadd.s32 $0xC820, s9;
	s30 =	sadd.s32 $0x40, s2  }
0x17d: {  	[hbm4b:s30+s3] =	stream.linear.scatter [tilespmem:s10], [sflag:$0x4], $0x80, $0x38;
	[tilespmem:$0x12C00] =	vst v63  }
.Ltmp3:
0x17e: {  	s10 =	sadd.s32 $0xC8A8, s9;
	s30 =	sadd.s32 $0x50, s2;
	(pc) =	sbr.rel @p1 .LBB2_9-.Ltmp3, $4  }
0x17f: {  	[hbm4b:s30+s3] =	stream.linear.scatter [tilespmem:s10], [sflag:$0x4], $0x80, $0x38;
	[tilespmem:$0x12C00] =	vst v63  }
0x180: {  	s10 =	sadd.s32 $0xC930, s9;
	s30 =	sadd.s32 $0x60, s2;
	s9 =	sadd.s32 $0xC9B8, s9  }
0x181: {  	[hbm4b:s30+s3] =	stream.linear.scatter [tilespmem:s10], [sflag:$0x4], $0x80, $0x38;
	[tilespmem:$0x12C00] =	vst v63  }
0x182: {  	s10 =	sadd.s32 $0x70, s2;
	s2 =	sadd.s32 $0x1000, s2;
	s30 =	smov.u32 s6  }
0x183: {  	[hbm4b:s10+s3] =	stream.linear.scatter [tilespmem:s9], [sflag:$0x4], $0x80, $0x38;
	[tilespmem:$0x12C00] =	vst v63  }
0x184: {  	s6 =	sadd.s32 $0xC600, s0  }
0x185: {  	[hbm4b:s2+s3] =	stream.linear.scatter [tilespmem:s6], [sflag:$0x4], $0x80, $0x38;
	[tilespmem:$0x12C00] =	vst v63  }
0x186: {  	s10 =	sadd.s32 $0xC688, s0;
	s8 =	sadd.s32 $0x10, s2  }
0x187: {  	[hbm4b:s8+s3] =	stream.linear.scatter [tilespmem:s10], [sflag:$0x4], $0x80, $0x38;
	[tilespmem:$0x12C00] =	vst v63  }
0x188: {  	s10 =	sadd.s32 $0xC710, s0;
	s8 =	sadd.s32 $0x20, s2  }
0x189: {  	[hbm4b:s8+s3] =	stream.linear.scatter [tilespmem:s10], [sflag:$0x4], $0x80, $0x38;
	[tilespmem:$0x12C00] =	vst v63  }
0x18a: {  	s10 =	sadd.s32 $0xC798, s0;
	s8 =	sadd.s32 $0x30, s2  }
0x18b: {  	[hbm4b:s8+s3] =	stream.linear.scatter [tilespmem:s10], [sflag:$0x4], $0x80, $0x38;
	[tilespmem:$0x12C00] =	vst v63  }
0x18c: {  	s10 =	sadd.s32 $0xC820, s0;
	s8 =	sadd.s32 $0x40, s2  }
0x18d: {  	[hbm4b:s8+s3] =	stream.linear.scatter [tilespmem:s10], [sflag:$0x4], $0x80, $0x38;
	[tilespmem:$0x12C00] =	vst v63  }
0x18e: {  	s10 =	sadd.s32 $0xC8A8, s0;
	s8 =	sadd.s32 $0x50, s2  }
0x18f: {  	[hbm4b:s8+s3] =	stream.linear.scatter [tilespmem:s10], [sflag:$0x4], $0x80, $0x38;
	[tilespmem:$0x12C00] =	vst v63  }
0x190: {  	s10 =	sadd.s32 $0xC930, s0;
	s8 =	sadd.s32 $0x60, s2  }
0x191: {  	[hbm4b:s8+s3] =	stream.linear.scatter [tilespmem:s10], [sflag:$0x4], $0x80, $0x38;
	[tilespmem:$0x12C00] =	vst v63  }
0x192: {  	s9 =	sadd.s32 $0xC9B8, s0;
	s10 =	sadd.s32 $0x70, s2  }
0x193: {  	[hbm4b:s10+s3] =	stream.linear.scatter [tilespmem:s9], [sflag:$0x4], $0x80, $0x38;
	[tilespmem:$0x12C00] =	vst v63  }
0x194: {  	s2 =	sadd.s32 $0x180, s31  }
0x195: {  	[tilespmem:s14], [sflag:$0x2] =	stream.indirect.gather [hbm4b:s5+s12], $0x40, s2, s12, $0xb8;
	[tilespmem:$0x12C00] =	vst v63  }
0x196: {  	s8 =	simm.s32 $0x1;
	_ =	swait.ge [sflag:s15], $0x2000  }
0x197: {  	v2 =	vmov s8;
	s9 =	simm.s32 $0x2;
	[sflag:s15] =	ssyncset.done $0x0  }
0x198: {  	s8 =	simm.s32 $0x5;
	v2 =	vshrl.u32 v2, $0x3;
	v3 =	vmov s9;
	s9 =	simm.s32 @!p0 $0x5;
	[sflag:s15] =	ssyncadd.s32 $0xFFFFE000  }
0x199: {  	s6 =	simm.s32 $0x0;
	v35 =	vmov s8;
	s8 =	simm.s32 $0x7;
	v2 =	vshll.u32 v2, v1;
	_ =	swait.ge @!p0 [sflag:s9], $0x2000  }
0x19a: {  	v0 =	vmov s6;
	v37 =	vmov s8;
	v40 =	vbroadcast v2, $0x0;
	v2 =	vld [tilespmem:$0x1FF70]  }
0x19b: {  	v0 =	vshrl.u32 v0, $0x3;
	v37 =	vshrl.u32 v37, $0x3;
	[sflag:s9] =	ssyncset.done @!p0 $0x0;
	v5 =	vld [tilespmem:$0x1FF00]  }
0x19c: {  	v0 =	vshll.u32 v0, v1;
	s31 =	simm.s32 $0x6500;
	v37 =	vshll.u32 v37, v1;
	[sflag:s9] =	ssyncadd.s32 @!p0 $0xFFFFE000  }
0x19d: {  	s6 =	simm.s32 $0x4;
	v39 =	vbroadcast v0, $0x0;
	v41 =	vbroadcast v37, $0x0;
	v0 =	vld [tilespmem:s31+$0xC0]  }
0x19e: {  	v34 =	vmov s6;
	v38 =	vld [tilespmem:s31+$0xFFFFFF00]  }
0x19f: {  	v34 =	vshrl.u32 v34, $0x3;
	s10 =	simm.s32 $0x3;
	v42 =	vld [tilespmem:s31+$0xFFFFFF40];
	v2 =	vadd.s32 v2, v41  }
0x1a0: {  	v34 =	vshll.u32 v34, v1;
	v33 =	vmov s10;
	s10 =	simm.s32 $0x6;
	v44 =	vadd.s32 v5, v39  }
0x1a1: {  	v35 =	vshrl.u32 v35, $0x3;
	v36 =	vmov s10;
	v46 =	vadd.s32 v52, v40  }
0x1a2: {  	v3 =	vshrl.u32 v3, $0x3;
	v33 =	vshrl.u32 v33, $0x3;
	v9 =	vld [tilespmem:$0x1FF30];
	v0 =	vmul.f32 $8.000000000e+00, v0  }
0x1a3: {  	v43 =	vshll.u32 v35, v1;
	v35 =	vbroadcast v34, $0x0;
	v45 =	vld [tilespmem:s31+$0xFFFFFF80];
	v38 =	vmul.f32 $8.000000000e+00, v38  }
0x1a4: {  	v36 =	vshrl.u32 v36, $0x3;
	v3 =	vshll.u32 v3, v1;
	v47 =	vld [tilespmem:s31+$0xFFFFFFC0];
	v42 =	vmul.f32 $8.000000000e+00, v42;
	[tilespmem:v2+s19+$0x0] =	vst.idx.msk $0xffff, v0  }
0x1a5: {  	v33 =	vshll.u32 v33, v1;
	v37 =	vbroadcast v3, $0x0;
	v3 =	vshll.u32 v36, v1;
	v49 =	vld [tilespmem:s31+$0x0];
	[tilespmem:v44+s19+$0x0] =	vst.idx.msk $0xffff, v38  }
0x1a6: {  	v36 =	vbroadcast v33, $0x0;
	v34 =	vbroadcast v3, $0x0;
	v3 =	vld [tilespmem:$0x1FF40];
	[tilespmem:v46+s19+$0x0] =	vst.idx.msk $0xffff, v42  }
0x1a7: {  	v33 =	vbroadcast v43, $0x0;
	v48 =	vadd.s32 v20, v37;
	v43 =	vadd.s32 v9, v35;
	v9 =	vld [tilespmem:$0x1FF50]  }
0x1a8: {  	v50 =	vadd.s32 v16, v36;
	v61 =	vld [tilespmem:s31+$0xFFFFFF50]  }
0x1a9: {  	v51 =	vld [tilespmem:s31+$0x40]  }
0x1aa: {  	v63 =	vadd.s32 v7, v40;
	v57 =	vld [tilespmem:s31+$0x80];
	v2 =	vmul.f32 $8.000000000e+00, v45  }
0x1ab: {  	v58 =	vmul.f32 $8.000000000e+00, v47;
	v32 =	vld [tilespmem:s31+$0xD0];
	v3 =	vadd.s32 v3, v33  }
0x1ac: {  	v44 =	vld [tilespmem:s31+$0xFFFFFF10];
	[tilespmem:v48+s19+$0x0] =	vst.idx.msk $0xffff, v2;
	v2 =	vmul.f32 $8.000000000e+00, v49;
	v45 =	vadd.s32 v9, v34  }
0x1ad: {  	v48 =	vadd.s32 v24, v41;
	[tilespmem:v50+s19+$0x0] =	vst.idx.msk $0xffff, v58;
	v54 =	vld [tilespmem:s31+$0xFFFFFF90];
	v61 =	vmul.f32 $8.000000000e+00, v61  }
0x1ae: {  	v19 =	vmov v53;
	v53 =	vadd.s32 v53, v39;
	v62 =	vmul.f32 $8.000000000e+00, v51;
	[tilespmem:v43+s19+$0x0] =	vst.idx.msk $0xffff, v2  }
0x1af: {  	v8 =	vmov v52;
	v52 =	vadd.s32 v17, v37;
	v2 =	vmul.f32 $8.000000000e+00, v57;
	[tilespmem:v63+s19+$0x0] =	vst.idx.msk $0xffff, v61  }
0x1b0: {  	[tilespmem:v3+s19+$0x0] =	vst.idx.msk $0xffff, v62;
	v3 =	vmul.f32 $8.000000000e+00, v32  }
0x1b1: {  	v55 =	vld [tilespmem:s31+$0xFFFFFFD0];
	v32 =	vmul.f32 $8.000000000e+00, v44;
	[tilespmem:v45+s19+$0x0] =	vst.idx.msk $0xffff, v2  }
0x1b2: {  	v56 =	vld [tilespmem:s31+$0x10];
	[tilespmem:v48+s19+$0x0] =	vst.idx.msk $0xffff, v3;
	v3 =	vmul.f32 $8.000000000e+00, v54  }
0x1b3: {  	v57 =	vld [tilespmem:s31+$0x50];
	[tilespmem:v53+s19+$0x0] =	vst.idx.msk $0xffff, v32  }
0x1b4: {  	v44 =	vadd.s32 v6, v36;
	v58 =	vld [tilespmem:s31+$0x90];
	[tilespmem:v52+s19+$0x0] =	vst.idx.msk $0xffff, v3  }
0x1b5: {  	v62 =	vadd.s32 v31, v35;
	v26 =	vld [tilespmem:$0x1FF80]  }
0x1b6: {  	v42 =	vadd.s32 v59, v33;
	v54 =	vld [tilespmem:s31+$0xFFFFFF60]  }
0x1b7: {  	s6 =	simm.s32 $0xB;
	v51 =	vadd.s32 v60, v34;
	v63 =	vmul.f32 $8.000000000e+00, v55;
	v53 =	vld [tilespmem:s31+$0xFFFFFF20]  }
0x1b8: {  	v50 =	vmov s6;
	v48 =	vld [tilespmem:s31+$0xE0];
	v3 =	vmul.f32 $8.000000000e+00, v56  }
0x1b9: {  	s10 =	simm.s32 $0x9;
	v56 =	vshrl.u32 v50, $0x3;
	v50 =	vadd.s32 v10, v39;
	v55 =	vld [tilespmem:s31+$0xFFFFFFA0];
	[tilespmem:v44+s19+$0x0] =	vst.idx.msk $0xffff, v63;
	v44 =	vmul.f32 $8.000000000e+00, v57  }
0x1ba: {  	s9 =	simm.s32 $0x8;
	v46 =	vmov s10;
	s10 =	simm.s32 $0xE;
	v57 =	vld [tilespmem:s31+$0xFFFFFFE0];
	[tilespmem:v62+s19+$0x0] =	vst.idx.msk $0xffff, v3;
	v3 =	vmul.f32 $8.000000000e+00, v58;
	v52 =	vadd.s32 v26, v41  }
0x1bb: {  	v28 =	vmov v60;
	v0 =	vmov s9;
	v2 =	vmov s10;
	v60 =	vld [tilespmem:s31+$0x20];
	[tilespmem:v42+s19+$0x0] =	vst.idx.msk $0xffff, v44  }
0x1bc: {  	v45 =	vadd.s32 v14, v40;
	v42 =	vshrl.u32 v2, $0x3;
	v2 =	vmul.f32 $8.000000000e+00, v53;
	v62 =	vld [tilespmem:s31+$0x60];
	[tilespmem:v51+s19+$0x0] =	vst.idx.msk $0xffff, v3  }
0x1bd: {  	s9 =	simm.s32 $0xD;
	v0 =	vshrl.u32 v0, $0x3;
	v48 =	vmul.f32 $8.000000000e+00, v48;
	v23 =	vld [tilespmem:$0x1FED0]  }
0x1be: {  	v38 =	vmov s9;
	v0 =	vshll.u32 v0, v1;
	v32 =	vmovc v59;
	v59 =	vadd.s32 v18, v37;
	v63 =	vld [tilespmem:s31+$0xA0];
	[tilespmem:v50+s19+$0x0] =	vst.idx.msk $0xffff, v2  }
0x1bf: {  	v58 =	vshrl.u32 v38, $0x3;
	v38 =	vbroadcast v0, $0x0;
	v0 =	vmul.f32 $8.000000000e+00, v54;
	v50 =	vld [tilespmem:s31+$0xFFFFFF30];
	[tilespmem:v52+s19+$0x0] =	vst.idx.msk $0xffff, v48  }
0x1c0: {  	v61 =	vadd.s32 v12, v36;
	v27 =	vld [tilespmem:$0x1FEE0]  }
0x1c1: {  	v2 =	vmul.f32 $8.000000000e+00, v55;
	v55 =	vld [tilespmem:s31+$0xF0];
	[tilespmem:v45+s19+$0x0] =	vst.idx.msk $0xffff, v0  }
0x1c2: {  	v22 =	vmov v31;
	s2 =	simm.s32 $0xA;
	v3 =	vadd.s32 v23, v35;
	v31 =	vld [tilespmem:$0x1FF60]  }
0x1c3: {  	v49 =	vmov s2;
	v0 =	vmul.f32 $8.000000000e+00, v57;
	v52 =	vld [tilespmem:s31+$0xFFFFFF70];
	[tilespmem:v59+s19+$0x0] =	vst.idx.msk $0xffff, v2  }
0x1c4: {  	v49 =	vshrl.u32 v49, $0x3;
	v9 =	vmov v7;
	v7 =	vld [tilespmem:$0x1FE90]  }
0x1c5: {  	v44 =	vshll.u32 v49, v1;
	v2 =	vmul.f32 $8.000000000e+00, v60;
	v49 =	vld [tilespmem:s31+$0xFFFFFFB0];
	[tilespmem:v61+s19+$0x0] =	vst.idx.msk $0xffff, v0  }
0x1c6: {  	s8 =	simm.s32 $0xC;
	v11 =	vld [tilespmem:$0x1FF10]  }
0x1c7: {  	v13 =	vmovc v17;
	v17 =	vmovc v6;
	v46 =	vshrl.u32 v46, $0x3;
	v43 =	vmov s8;
	v45 =	vshll.u32 v56, v1;
	v56 =	vld [tilespmem:s31+$0xFFFFFFF0];
	[tilespmem:v3+s19+$0x0] =	vst.idx.msk $0xffff, v2  }
0x1c8: {  	v6 =	vmovc v10;
	v10 =	vmovc v14;
	v14 =	vmov v18;
	v18 =	vmov v12;
	v12 =	vmov v20;
	v20 =	vld [tilespmem:$0x1FF20]  }
0x1c9: {  	v47 =	vshll.u32 v46, v1;
	v43 =	vshrl.u32 v43, $0x3;
	v15 =	vld [tilespmem:$0x1FF90]  }
0x1ca: {  	v46 =	vshll.u32 v43, v1;
	v53 =	vadd.s32 v30, v41;
	v54 =	vadd.s32 v27, v33;
	v29 =	vld [tilespmem:$0x1FFA0]  }
0x1cb: {  	v43 =	vshll.u32 v58, v1;
	v25 =	vld [tilespmem:$0x1FFB0];
	v51 =	vadd.s32 v31, v34;
	v48 =	vadd.s32 v7, v39  }
0x1cc: {  	s30 =	sor.u32 $0x2, s29;
	s0 =	simm.s32 $0x10;
	s2 =	simm.s32 $0xF;
	v21 =	vld [tilespmem:$0x1FFC0];
	v39 =	vmul.f32 $8.000000000e+00, v62;
	v41 =	vadd.s32 v11, v40;
	v40 =	vmul.f32 $8.000000000e+00, v63  }
.LBB2_11:
0x1cd: {  	v0 =	vmov s2;
	v4 =	vld [tilespmem:$0x1FF70]  }
0x1ce: {  	v0 =	vshrl.u32 v0, $0x3  }
0x1cf: {  	v2 =	vadd.s32 v20, v37;
	v3 =	vld [tilespmem:s31+$0x30];
	[tilespmem:v54+s19+$0x0] =	vst.idx.msk $0xffff, v39;
	v0 =	vshll.u32 v0, v1  }
0x1d0: {  	[tilespmem:v51+s19+$0x0] =	vst.idx.msk $0xffff, v40;
	v63 =	vld [tilespmem:s31+$0x70];
	v40 =	vbroadcast v0, $0x0;
	v62 =	vmul.f32 $8.000000000e+00, v50  }
0x1d1: {  	v36 =	vadd.s32 v15, v36;
	v58 =	vld [tilespmem:s31+$0xB0];
	v61 =	vmul.f32 $8.000000000e+00, v55  }
0x1d2: {  	v35 =	vadd.s32 v29, v35;
	s31 =	sadd.s32 $0x200, s31;
	v0 =	vmul.f32 $8.000000000e+00, v49;
	[tilespmem:v48+s19+$0x0] =	vst.idx.msk $0xffff, v62;
	v62 =	vadd.s32 v4, v40;
	v4 =	vld [tilespmem:$0x1FF30]  }
0x1d3: {  	v39 =	vmov v38;
	v57 =	vmul.f32 $8.000000000e+00, v52;
	[tilespmem:v53+s19+$0x0] =	vst.idx.msk $0xffff, v61;
	v38 =	vld [tilespmem:s31+$0xFFFFFF00]  }
0x1d4: {  	v60 =	vmul.f32 $8.000000000e+00, v56;
	[tilespmem:v2+s19+$0x0] =	vst.idx.msk $0xffff, v0;
	v53 =	vld [tilespmem:s31+$0xC0]  }
0x1d5: {  	[tilespmem:v41+s19+$0x0] =	vst.idx.msk $0xffff, v57;
	v0 =	vmul.f32 $8.000000000e+00, v3;
	v2 =	vadd.s32 v5, v39;
	v3 =	vld [tilespmem:s31+$0xFFFFFF80]  }
0x1d6: {  	v34 =	vadd.s32 v21, v34;
	v41 =	vbroadcast v47, $0x0;
	[tilespmem:v36+s19+$0x0] =	vst.idx.msk $0xffff, v60;
	v61 =	vld [tilespmem:s31+$0xFFFFFF40]  }
0x1d7: {  	v33 =	vadd.s32 v25, v33;
	v59 =	vmul.f32 $8.000000000e+00, v63;
	v63 =	vld [tilespmem:s31+$0xFFFFFFC0];
	[tilespmem:v35+s19+$0x0] =	vst.idx.msk $0xffff, v0;
	v35 =	vbroadcast v46, $0x0  }
0x1d8: {  	v37 =	vbroadcast v44, $0x0;
	v51 =	vld [tilespmem:s31+$0x0];
	v38 =	vmul.f32 $8.000000000e+00, v38  }
0x1d9: {  	v60 =	vadd.s32 v8, v41;
	v0 =	vmul.f32 $8.000000000e+00, v58;
	v58 =	vadd.s32 v4, v35;
	v4 =	vld [tilespmem:$0x1FF50]  }
0x1da: {  	v36 =	vbroadcast v45, $0x0;
	v45 =	vadd.s32 v12, v37;
	[tilespmem:v2+s19+$0x0] =	vst.idx.msk $0xffff, v38;
	v2 =	vmul.f32 $8.000000000e+00, v3;
	v3 =	vld [tilespmem:$0x1FF40]  }
0x1db: {  	v42 =	vshll.u32 v42, v1;
	[tilespmem:v34+s19+$0x0] =	vst.idx.msk $0xffff, v0;
	v56 =	vmul.f32 $8.000000000e+00, v53  }
0x1dc: {  	[tilespmem:v33+s19+$0x0] =	vst.idx.msk $0xffff, v59;
	v34 =	vbroadcast v42, $0x0;
	v59 =	vld [tilespmem:s31+$0x80];
	v0 =	vmul.f32 $8.000000000e+00, v61  }
0x1dd: {  	v44 =	vadd.s32 v16, v36;
	v33 =	vbroadcast v43, $0x0;
	v57 =	vld [tilespmem:s31+$0x40];
	[tilespmem:v62+s19+$0x0] =	vst.idx.msk $0xffff, v56  }
0x1de: {  	[tilespmem:v60+s19+$0x0] =	vst.idx.msk $0xffff, v0;
	v0 =	vmul.f32 $8.000000000e+00, v63;
	v62 =	vld [tilespmem:s31+$0xFFFFFF10];
	v63 =	vadd.s32 v4, v34  }
0x1df: {  	s9 =	sadd.s32 $0x1, s0;
	v38 =	vld [tilespmem:s31+$0xD0];
	[tilespmem:v45+s19+$0x0] =	vst.idx.msk $0xffff, v2;
	v2 =	vmul.f32 $8.000000000e+00, v51;
	v3 =	vadd.s32 v3, v33  }
0x1e0: {  	v48 =	vmov s9;
	v53 =	vadd.s32 v19, v39;
	v60 =	vld [tilespmem:s31+$0xFFFFFF50]  }
0x1e1: {  	v61 =	vmov s0;
	v45 =	vadd.s32 v24, v40;
	[tilespmem:v58+s19+$0x0] =	vst.idx.msk $0xffff, v2;
	v2 =	vmul.f32 $8.000000000e+00, v59  }
0x1e2: {  	v52 =	vadd.s32 v9, v41;
	v42 =	vshrl.u32 v61, $0x3;
	[tilespmem:v44+s19+$0x0] =	vst.idx.msk $0xffff, v0;
	v0 =	vmul.f32 $8.000000000e+00, v57;
	v61 =	vld [tilespmem:s31+$0xFFFFFF90]  }
0x1e3: {  	v49 =	vadd.s32 v13, v37;
	v48 =	vshrl.u32 v48, $0x3;
	v55 =	vld [tilespmem:s31+$0xFFFFFFD0];
	v62 =	vmul.f32 $8.000000000e+00, v62;
	[tilespmem:v63+s19+$0x0] =	vst.idx.msk $0xffff, v2  }
0x1e4: {  	s8 =	sadd.s32 $0x4, s0;
	v46 =	vadd.s32 v17, v36;
	v47 =	vshll.u32 v48, v1;
	v56 =	vld [tilespmem:s31+$0x10];
	[tilespmem:v3+s19+$0x0] =	vst.idx.msk $0xffff, v0;
	v0 =	vmul.f32 $8.000000000e+00, v38  }
0x1e5: {  	s10 =	sadd.s32 $0x2, s0;
	v48 =	vadd.s32 v7, v39;
	v43 =	vmov s8;
	v63 =	vmul.f32 $8.000000000e+00, v60;
	v58 =	vld [tilespmem:s31+$0x90];
	[tilespmem:v53+s19+$0x0] =	vst.idx.msk $0xffff, v62  }
0x1e6: {  	s6 =	sadd.s32 $0x3, s0;
	v43 =	vshrl.u32 v43, $0x3;
	v51 =	vmov s10;
	v60 =	vadd.s32 v22, v35;
	v57 =	vld [tilespmem:s31+$0x50];
	[tilespmem:v45+s19+$0x0] =	vst.idx.msk $0xffff, v0  }
0x1e7: {  	v44 =	vmov s6;
	v61 =	vmul.f32 $8.000000000e+00, v61;
	[tilespmem:v52+s19+$0x0] =	vst.idx.msk $0xffff, v63;
	v52 =	vadd.s32 v28, v34;
	v45 =	vld [tilespmem:s31+$0xE0]  }
0x1e8: {  	v62 =	vmul.f32 $8.000000000e+00, v55;
	v53 =	vld [tilespmem:s31+$0xFFFFFF20];
	v0 =	vshll.u32 v42, v1;
	v42 =	vadd.s32 v32, v33  }
0x1e9: {  	v51 =	vshrl.u32 v51, $0x3;
	v54 =	vld [tilespmem:s31+$0xFFFFFF60];
	[tilespmem:v49+s19+$0x0] =	vst.idx.msk $0xffff, v61;
	v63 =	vmul.f32 $8.000000000e+00, v56;
	v49 =	vadd.s32 v26, v40  }
0x1ea: {  	s10 =	sadd.s32 $0x6, s0;
	v56 =	vshrl.u32 v44, $0x3;
	v44 =	vadd.s32 v6, v39;
	[tilespmem:v46+s19+$0x0] =	vst.idx.msk $0xffff, v62;
	v55 =	vld [tilespmem:s31+$0xFFFFFFA0];
	v50 =	vmul.f32 $8.000000000e+00, v58  }
0x1eb: {  	s9 =	sadd.s32 $0x5, s0;
	v2 =	vmov s10;
	v59 =	vld [tilespmem:s31+$0xFFFFFFE0];
	[tilespmem:v60+s19+$0x0] =	vst.idx.msk $0xffff, v63;
	v46 =	vmul.f32 $8.000000000e+00, v57;
	v57 =	vadd.s32 v10, v41  }
0x1ec: {  	v3 =	vmov s9;
	v58 =	vadd.s32 v14, v37;
	v60 =	vld [tilespmem:s31+$0x20];
	[tilespmem:v52+s19+$0x0] =	vst.idx.msk $0xffff, v50;
	v45 =	vmul.f32 $8.000000000e+00, v45  }
0x1ed: {  	v61 =	vadd.s32 v18, v36;
	v4 =	vld [tilespmem:s31+$0xA0];
	[tilespmem:v42+s19+$0x0] =	vst.idx.msk $0xffff, v46;
	v42 =	vshrl.u32 v2, $0x3;
	v2 =	vmul.f32 $8.000000000e+00, v53  }
0x1ee: {  	p1 =	slt.u32 s0, $0x78;
	v63 =	vadd.s32 v23, v35;
	v38 =	vbroadcast v0, $0x0;
	v0 =	vmul.f32 $8.000000000e+00, v54;
	v62 =	vld [tilespmem:s31+$0x60];
	[tilespmem:v49+s19+$0x0] =	vst.idx.msk $0xffff, v45  }
.Ltmp4:
0x1ef: {  	v3 =	vshrl.u32 v3, $0x3;
	v54 =	vadd.s32 v27, v33;
	[tilespmem:v44+s19+$0x0] =	vst.idx.msk $0xffff, v2;
	v2 =	vmul.f32 $8.000000000e+00, v55;
	v55 =	vld [tilespmem:s31+$0xF0];
	(pc) =	sbr.rel @p1 .LBB2_11-.Ltmp4, $4  }
0x1f0: {  	v41 =	vadd.s32 v11, v41;
	v53 =	vadd.s32 v30, v40;
	v50 =	vld [tilespmem:s31+$0xFFFFFF30];
	[tilespmem:v57+s19+$0x0] =	vst.idx.msk $0xffff, v0;
	v0 =	vmul.f32 $8.000000000e+00, v59  }
0x1f1: {  	v46 =	vshll.u32 v43, v1;
	v43 =	vshll.u32 v3, v1;
	v52 =	vld [tilespmem:s31+$0xFFFFFF70];
	[tilespmem:v58+s19+$0x0] =	vst.idx.msk $0xffff, v2;
	v2 =	vmul.f32 $8.000000000e+00, v60  }
0x1f2: {  	v44 =	vshll.u32 v51, v1;
	v51 =	vadd.s32 v31, v34;
	v49 =	vld [tilespmem:s31+$0xFFFFFFB0];
	[tilespmem:v61+s19+$0x0] =	vst.idx.msk $0xffff, v0  }
0x1f3: {  	s2 =	sadd.s32 $0x7, s0;
	s0 =	sadd.s32 $0x8, s0;
	v45 =	vshll.u32 v56, v1;
	v40 =	vmul.f32 $8.000000000e+00, v4;
	v39 =	vmul.f32 $8.000000000e+00, v62;
	v56 =	vld [tilespmem:s31+$0xFFFFFFF0];
	[tilespmem:v63+s19+$0x0] =	vst.idx.msk $0xffff, v2  }
0x1f4: {  	_ =	sdelay $0x3  }
0x1f5: {  	v4 =	vmul.f32 $8.000000000e+00, v55;
	[tilespmem:v54+s19+$0x0] =	vst.idx.msk $0xffff, v39  }
0x1f6: {  	v63 =	vmul.f32 $8.000000000e+00, v50;
	[tilespmem:v51+s19+$0x0] =	vst.idx.msk $0xffff, v40  }
0x1f7: {  	v2 =	vadd.s32 v20, v37;
	v3 =	vld [tilespmem:s31+$0x30];
	v54 =	vmul.f32 $8.000000000e+00, v52;
	[tilespmem:v53+s19+$0x0] =	vst.idx.msk $0xffff, v4  }
0x1f8: {  	v36 =	vadd.s32 v15, v36;
	v39 =	vld [tilespmem:s31+$0x70];
	[tilespmem:v48+s19+$0x0] =	vst.idx.msk $0xffff, v63  }
0x1f9: {  	v35 =	vadd.s32 v29, v35;
	v55 =	vld [tilespmem:s31+$0xB0];
	[tilespmem:v41+s19+$0x0] =	vst.idx.msk $0xffff, v54  }
0x1fa: {  	v0 =	vmov s2;
	v33 =	vadd.s32 v25, v33;
	v57 =	vmul.f32 $8.000000000e+00, v49;
	v61 =	vld [tilespmem:$0x1FF70]  }
0x1fb: {  	s0 =	sadd.s32 $0x200, s31;
	v34 =	vadd.s32 v21, v34;
	v0 =	vshrl.u32 v0, $0x3;
	v59 =	vmul.f32 $8.000000000e+00, v56  }
0x1fc: {  	v58 =	vld [tilespmem:s0+$0xFFFFFF00];
	v0 =	vshll.u32 v0, v1;
	[tilespmem:v2+s19+$0x0] =	vst.idx.msk $0xffff, v57;
	v2 =	vmul.f32 $8.000000000e+00, v3  }
0x1fd: {  	v4 =	vld [tilespmem:s0+$0xC0];
	v0 =	vbroadcast v0, $0x0;
	[tilespmem:v36+s19+$0x0] =	vst.idx.msk $0xffff, v59;
	v63 =	vmul.f32 $8.000000000e+00, v39  }
0x1fe: {  	v47 =	vbroadcast v47, $0x0;
	v60 =	vld [tilespmem:s0+$0xFFFFFF40];
	v3 =	vadd.s32 v5, v38;
	[tilespmem:v35+s19+$0x0] =	vst.idx.msk $0xffff, v2;
	v2 =	vmul.f32 $8.000000000e+00, v55  }
0x1ff: {  	[tilespmem:v33+s19+$0x0] =	vst.idx.msk $0xffff, v63;
	v49 =	vadd.s32 v61, v0  }
0x200: {  	v39 =	vadd.s32 v8, v47;
	[tilespmem:v34+s19+$0x0] =	vst.idx.msk $0xffff, v2  }
0x201: {  	v57 =	vmul.f32 $8.000000000e+00, v58;
	v5 =	vld [tilespmem:$0x1FF30]  }
0x202: {  	v4 =	vmul.f32 $8.000000000e+00, v4  }
0x203: {  	v62 =	vld [tilespmem:s0+$0xFFFFFF80];
	v2 =	vmul.f32 $8.000000000e+00, v60;
	[tilespmem:v3+s19+$0x0] =	vst.idx.msk $0xffff, v57  }
0x204: {  	v46 =	vbroadcast v46, $0x0;
	v40 =	vld [tilespmem:s0+$0xFFFFFFC0];
	[tilespmem:v49+s19+$0x0] =	vst.idx.msk $0xffff, v4  }
0x205: {  	v44 =	vbroadcast v44, $0x0;
	v4 =	vld [tilespmem:$0x1FF40];
	[tilespmem:v39+s19+$0x0] =	vst.idx.msk $0xffff, v2  }
0x206: {  	v45 =	vbroadcast v45, $0x0;
	v60 =	vadd.s32 v5, v46;
	v5 =	vld [tilespmem:$0x1FF50]  }
0x207: {  	v56 =	vld [tilespmem:s0+$0x0];
	v35 =	vadd.s32 v12, v44  }
0x208: {  	v42 =	vshll.u32 v42, v1;
	v43 =	vbroadcast v43, $0x0;
	v58 =	vadd.s32 v16, v45;
	v59 =	vld [tilespmem:s0+$0x40]  }
0x209: {  	v42 =	vbroadcast v42, $0x0;
	v61 =	vld [tilespmem:s0+$0x80]  }
0x20a: {  	v3 =	vmul.f32 $8.000000000e+00, v62;
	v62 =	vld [tilespmem:s0+$0xD0];
	v4 =	vadd.s32 v4, v43  }
0x20b: {  	v63 =	vld [tilespmem:s0+$0xFFFFFF10];
	v2 =	vmul.f32 $8.000000000e+00, v40;
	v39 =	vadd.s32 v5, v42  }
0x20c: {  	v52 =	vmov v12;
	v12 =	vld [tilespmem:s0+$0xFFFFFF50];
	[tilespmem:v35+s19+$0x0] =	vst.idx.msk $0xffff, v3;
	v3 =	vmul.f32 $8.000000000e+00, v56;
	v35 =	vadd.s32 v24, v0  }
0x20d: {  	v49 =	vadd.s32 v19, v38;
	v50 =	vld [tilespmem:s0+$0xFFFFFF90];
	[tilespmem:v58+s19+$0x0] =	vst.idx.msk $0xffff, v2;
	v2 =	vmul.f32 $8.000000000e+00, v59  }
0x20e: {  	v53 =	vmov v16;
	v36 =	vadd.s32 v9, v47;
	v16 =	vld [tilespmem:s0+$0xFFFFFFD0];
	[tilespmem:v60+s19+$0x0] =	vst.idx.msk $0xffff, v3;
	v3 =	vmul.f32 $8.000000000e+00, v61  }
0x20f: {  	v60 =	vadd.s32 v13, v44;
	v61 =	vld [tilespmem:s0+$0x10];
	[tilespmem:v4+s19+$0x0] =	vst.idx.msk $0xffff, v2;
	v2 =	vmul.f32 $8.000000000e+00, v62  }
0x210: {  	v4 =	vmul.f32 $8.000000000e+00, v63;
	v62 =	vadd.s32 v17, v45;
	v63 =	vld [tilespmem:s0+$0x50];
	[tilespmem:v39+s19+$0x0] =	vst.idx.msk $0xffff, v3  }
0x211: {  	v54 =	vmov v9;
	v9 =	vadd.s32 v22, v46;
	v3 =	vmul.f32 $8.000000000e+00, v12;
	v12 =	vld [tilespmem:s0+$0x90];
	[tilespmem:v35+s19+$0x0] =	vst.idx.msk $0xffff, v2  }
0x212: {  	[tilespmem:v49+s19+$0x0] =	vst.idx.msk $0xffff, v4;
	v2 =	vmul.f32 $8.000000000e+00, v50;
	v4 =	vadd.s32 v32, v43;
	v35 =	vld [tilespmem:s0+$0xE0]  }
0x213: {  	v49 =	vld [tilespmem:s0+$0xFFFFFF20];
	[tilespmem:v36+s19+$0x0] =	vst.idx.msk $0xffff, v3;
	v3 =	vmul.f32 $8.000000000e+00, v16;
	v36 =	vadd.s32 v28, v42  }
0x214: {  	v55 =	vmov v13;
	v34 =	vadd.s32 v26, v0;
	v13 =	vld [tilespmem:s0+$0xFFFFFF60];
	[tilespmem:v60+s19+$0x0] =	vst.idx.msk $0xffff, v2;
	v2 =	vmul.f32 $8.000000000e+00, v61  }
0x215: {  	v41 =	vadd.s32 v6, v38;
	v16 =	vld [tilespmem:s0+$0xFFFFFFA0];
	[tilespmem:v62+s19+$0x0] =	vst.idx.msk $0xffff, v3;
	v3 =	vmul.f32 $8.000000000e+00, v63  }
0x216: {  	v56 =	vmov v17;
	v17 =	vadd.s32 v10, v47;
	v26 =	vld [tilespmem:s0+$0xFFFFFFE0];
	[tilespmem:v9+s19+$0x0] =	vst.idx.msk $0xffff, v2;
	v2 =	vmul.f32 $8.000000000e+00, v12  }
0x217: {  	v57 =	vadd.s32 v14, v44;
	v9 =	vld [tilespmem:s0+$0x20];
	[tilespmem:v4+s19+$0x0] =	vst.idx.msk $0xffff, v3;
	v3 =	vmul.f32 $8.000000000e+00, v35  }
0x218: {  	v59 =	vmov v10;
	v10 =	vadd.s32 v18, v45;
	v4 =	vmul.f32 $8.000000000e+00, v49;
	v12 =	vld [tilespmem:s0+$0x60];
	[tilespmem:v36+s19+$0x0] =	vst.idx.msk $0xffff, v2  }
0x219: {  	v60 =	vmov v14;
	v2 =	vmul.f32 $8.000000000e+00, v13;
	v13 =	vadd.s32 v23, v46;
	v14 =	vld [tilespmem:s0+$0xA0];
	[tilespmem:v34+s19+$0x0] =	vst.idx.msk $0xffff, v3  }
0x21a: {  	[tilespmem:v41+s19+$0x0] =	vst.idx.msk $0xffff, v4;
	v3 =	vmul.f32 $8.000000000e+00, v16;
	v4 =	vadd.s32 v27, v43;
	v34 =	vld [tilespmem:s0+$0xF0]  }
0x21b: {  	v16 =	vadd.s32 v31, v42;
	v41 =	vld [tilespmem:s0+$0xFFFFFF30];
	[tilespmem:v17+s19+$0x0] =	vst.idx.msk $0xffff, v2;
	v2 =	vmul.f32 $8.000000000e+00, v26  }
0x21c: {  	v0 =	vadd.s32 v30, v0;
	v17 =	vld [tilespmem:s0+$0xFFFFFF70];
	[tilespmem:v57+s19+$0x0] =	vst.idx.msk $0xffff, v3;
	v3 =	vmul.f32 $8.000000000e+00, v9  }
0x21d: {  	v61 =	vmov v18;
	v18 =	vadd.s32 v7, v38;
	v39 =	vld [tilespmem:s0+$0xFFFFFFB0];
	[tilespmem:v10+s19+$0x0] =	vst.idx.msk $0xffff, v2;
	v2 =	vmul.f32 $8.000000000e+00, v12  }
0x21e: {  	v26 =	vadd.s32 v11, v47;
	v27 =	vld [tilespmem:s0+$0xFFFFFFF0];
	[tilespmem:v13+s19+$0x0] =	vst.idx.msk $0xffff, v3;
	v3 =	vmul.f32 $8.000000000e+00, v14  }
0x21f: {  	v48 =	vadd.s32 v20, v44;
	v49 =	vld [tilespmem:s0+$0x30];
	[tilespmem:v4+s19+$0x0] =	vst.idx.msk $0xffff, v2;
	v2 =	vmul.f32 $8.000000000e+00, v34  }
0x220: {  	v50 =	vadd.s32 v15, v45;
	v4 =	vmul.f32 $8.000000000e+00, v41;
	v57 =	vld [tilespmem:s0+$0x70];
	[tilespmem:v16+s19+$0x0] =	vst.idx.msk $0xffff, v3  }
0x221: {  	v62 =	vadd.s32 v29, v46;
	v3 =	vmul.f32 $8.000000000e+00, v17;
	v63 =	vld [tilespmem:s0+$0xB0];
	[tilespmem:v0+s19+$0x0] =	vst.idx.msk $0xffff, v2  }
0x222: {  	[tilespmem:v18+s19+$0x0] =	vst.idx.msk $0xffff, v4;
	v0 =	vmul.f32 $8.000000000e+00, v39;
	v2 =	vadd.s32 v25, v43  }
0x223: {  	v4 =	vadd.s32 v21, v42;
	[tilespmem:v26+s19+$0x0] =	vst.idx.msk $0xffff, v3;
	v3 =	vmul.f32 $8.000000000e+00, v27  }
0x224: {  	[tilespmem:v48+s19+$0x0] =	vst.idx.msk $0xffff, v0;
	v0 =	vmul.f32 $8.000000000e+00, v49  }
0x225: {  	s2 =	sshll.u32 s30, $0x12;
	[tilespmem:v50+s19+$0x0] =	vst.idx.msk $0xffff, v3;
	v3 =	vmul.f32 $8.000000000e+00, v57  }
0x226: {  	s0 =	sor.u32 s4, s2;
	[tilespmem:v62+s19+$0x0] =	vst.idx.msk $0xffff, v0;
	v0 =	vmul.f32 $8.000000000e+00, v63  }
0x227: {  	s0 =	sshrl.u32 s0, $0x3;
	[tilespmem:v2+s19+$0x0] =	vst.idx.msk $0xffff, v3  }
0x228: {  	s6 =	simm.s32 $0xE800;
	s2 =	sadd.s32 s1, s0;
	[tilespmem:v4+s19+$0x0] =	vst.idx.msk $0xffff, v0  }
0x229: {  	[hbm4b:s2+s3] =	stream.linear.scatter [tilespmem:s6], [sflag:$0x5], $0x80, $0x38;
	[tilespmem:$0x12C00] =	vst v63  }
0x22a: {  	s8 =	simm.s32 $0xE888;
	s6 =	sadd.s32 $0x10, s2  }
0x22b: {  	[hbm4b:s6+s3] =	stream.linear.scatter [tilespmem:s8], [sflag:$0x5], $0x80, $0x38;
	[tilespmem:$0x12C00] =	vst v63  }
0x22c: {  	s9 =	simm.s32 $0xE910;
	s10 =	sadd.s32 $0x20, s2  }
0x22d: {  	[hbm4b:s10+s3] =	stream.linear.scatter [tilespmem:s9], [sflag:$0x5], $0x80, $0x38;
	[tilespmem:$0x12C00] =	vst v63  }
0x22e: {  	s6 =	simm.s32 $0xE998;
	s8 =	sadd.s32 $0x30, s2  }
0x22f: {  	[hbm4b:s8+s3] =	stream.linear.scatter [tilespmem:s6], [sflag:$0x5], $0x80, $0x38;
	[tilespmem:$0x12C00] =	vst v63  }
0x230: {  	s9 =	simm.s32 $0xEA20;
	s10 =	sadd.s32 $0x40, s2  }
0x231: {  	[hbm4b:s10+s3] =	stream.linear.scatter [tilespmem:s9], [sflag:$0x5], $0x80, $0x38;
	[tilespmem:$0x12C00] =	vst v63  }
0x232: {  	s31 =	simm.s32 $0x2200;
	s6 =	simm.s32 $0xEAA8;
	s8 =	sadd.s32 $0x50, s2  }
0x233: {  	[hbm4b:s8+s3] =	stream.linear.scatter [tilespmem:s6], [sflag:$0x5], $0x80, $0x38;
	[tilespmem:$0x12C00] =	vst v63  }
0x234: {  	s0 =	simm.s32 $0x440;
	s9 =	simm.s32 $0xEB30;
	s10 =	sadd.s32 $0x60, s2  }
0x235: {  	[hbm4b:s10+s3] =	stream.linear.scatter [tilespmem:s9], [sflag:$0x5], $0x80, $0x38;
	[tilespmem:$0x12C00] =	vst v63  }
0x236: {  	v51 =	vmovc v8;
	v30 =	vmovc v28;
	v58 =	vmov v6;
	v6 =	vmov v24;
	v7 =	vmov v19;
	s9 =	simm.s32 $0xEBB8;
	s10 =	sadd.s32 $0x70, s2;
	s2 =	sadd.s32 $0x1000, s2  }
.LBB2_13:
0x237: {  	[hbm4b:s10+s3] =	stream.linear.scatter [tilespmem:s9], [sflag:$0x5], $0x80, $0x38;
	[tilespmem:$0x12C00] =	vst v63  }
0x238: {  	s6 =	smov.u32 s0;
	s0 =	smov.u32 s31  }
0x239: {  	s8 =	sadd.s32 $0x1100, s31;
	s0 =	sshra.s32 s0, $0x2;
	s9 =	sadd.s32 $0xE800, s6  }
0x23a: {  	[hbm4b:s2+s3] =	stream.linear.scatter [tilespmem:s9], [sflag:$0x5], $0x80, $0x38;
	[tilespmem:$0x12C00] =	vst v63  }
0x23b: {  	p1 =	sne.s32 s31, $0x7700;
	s10 =	sadd.s32 $0x10, s2;
	s9 =	sadd.s32 $0xE888, s6  }
0x23c: {  	[hbm4b:s10+s3] =	stream.linear.scatter [tilespmem:s9], [sflag:$0x5], $0x80, $0x38;
	[tilespmem:$0x12C00] =	vst v63  }
0x23d: {  	s9 =	sadd.s32 $0xE910, s6;
	s10 =	sadd.s32 $0x20, s2  }
0x23e: {  	[hbm4b:s10+s3] =	stream.linear.scatter [tilespmem:s9], [sflag:$0x5], $0x80, $0x38;
	[tilespmem:$0x12C00] =	vst v63  }
0x23f: {  	s9 =	sadd.s32 $0xE998, s6;
	s10 =	sadd.s32 $0x30, s2  }
0x240: {  	[hbm4b:s10+s3] =	stream.linear.scatter [tilespmem:s9], [sflag:$0x5], $0x80, $0x38;
	[tilespmem:$0x12C00] =	vst v63  }
0x241: {  	s9 =	sadd.s32 $0xEA20, s6;
	s10 =	sadd.s32 $0x40, s2  }
0x242: {  	[hbm4b:s10+s3] =	stream.linear.scatter [tilespmem:s9], [sflag:$0x5], $0x80, $0x38;
	[tilespmem:$0x12C00] =	vst v63  }
.Ltmp5:
0x243: {  	s9 =	sadd.s32 $0xEAA8, s6;
	s10 =	sadd.s32 $0x50, s2;
	(pc) =	sbr.rel @p1 .LBB2_13-.Ltmp5, $4  }
0x244: {  	[hbm4b:s10+s3] =	stream.linear.scatter [tilespmem:s9], [sflag:$0x5], $0x80, $0x38;
	[tilespmem:$0x12C00] =	vst v63  }
0x245: {  	s31 =	smov.u32 s8;
	s9 =	sadd.s32 $0xEB30, s6;
	s10 =	sadd.s32 $0x60, s2  }
0x246: {  	[hbm4b:s10+s3] =	stream.linear.scatter [tilespmem:s9], [sflag:$0x5], $0x80, $0x38;
	[tilespmem:$0x12C00] =	vst v63  }
0x247: {  	s9 =	sadd.s32 $0xEBB8, s6;
	s10 =	sadd.s32 $0x70, s2;
	s2 =	sadd.s32 $0x1000, s2  }
0x248: {  	[hbm4b:s10+s3] =	stream.linear.scatter [tilespmem:s9], [sflag:$0x5], $0x80, $0x38;
	[tilespmem:$0x12C00] =	vst v63  }
0x249: {  	s6 =	sadd.s32 $0xE800, s0  }
0x24a: {  	[hbm4b:s2+s3] =	stream.linear.scatter [tilespmem:s6], [sflag:$0x5], $0x80, $0x38;
	[tilespmem:$0x12C00] =	vst v63  }
0x24b: {  	s31 =	sadd.s32 $0xE888, s0;
	s8 =	sadd.s32 $0x10, s2  }
0x24c: {  	[hbm4b:s8+s3] =	stream.linear.scatter [tilespmem:s31], [sflag:$0x5], $0x80, $0x38;
	[tilespmem:$0x12C00] =	vst v63  }
0x24d: {  	s9 =	sadd.s32 $0x20, s2;
	s8 =	sadd.s32 $0xE910, s0  }
0x24e: {  	[hbm4b:s9+s3] =	stream.linear.scatter [tilespmem:s8], [sflag:$0x5], $0x80, $0x38;
	[tilespmem:$0x12C00] =	vst v63  }
0x24f: {  	s10 =	sadd.s32 $0xE998, s0;
	s31 =	sadd.s32 $0x30, s2  }
0x250: {  	[hbm4b:s31+s3] =	stream.linear.scatter [tilespmem:s10], [sflag:$0x5], $0x80, $0x38;
	[tilespmem:$0x12C00] =	vst v63  }
0x251: {  	s8 =	sadd.s32 $0xEA20, s0;
	s9 =	sadd.s32 $0x40, s2  }
0x252: {  	[hbm4b:s9+s3] =	stream.linear.scatter [tilespmem:s8], [sflag:$0x5], $0x80, $0x38;
	[tilespmem:$0x12C00] =	vst v63  }
0x253: {  	s10 =	sadd.s32 $0xEAA8, s0;
	s31 =	sadd.s32 $0x50, s2  }
0x254: {  	[hbm4b:s31+s3] =	stream.linear.scatter [tilespmem:s10], [sflag:$0x5], $0x80, $0x38;
	[tilespmem:$0x12C00] =	vst v63  }
0x255: {  	p1 =	sgt.u32 s30, $0xC5;
	s9 =	sadd.s32 $0xEB30, s0;
	s10 =	sadd.s32 $0x60, s2  }
0x256: {  	[hbm4b:s10+s3] =	stream.linear.scatter [tilespmem:s9], [sflag:$0x5], $0x80, $0x38;
	[tilespmem:$0x12C00] =	vst v63  }
0x257: {  	s6 =	sadd.s32 $0x70, s2;
	s31 =	sadd.s32 $0xEBB8, s0;
	s0 =	sadd.s32 @!p1 $0x200, s28  }
0x258: {  	[hbm4b:s6+s3] =	stream.linear.scatter [tilespmem:s31], [sflag:$0x5], $0x80, $0x38;
	[tilespmem:$0x12C00] =	vst v63  }
0x259: {  	s2 =	simm.s32 @!p1 $0x80;
	s0 =	sand.u32 @!p1 $0xFE00, s0;
	s6 =	simm.s32 @!p1 $0x6400  }
0x25a: {  	[tilespmem:s6], [sflag:$0x1] =	stream.indirect.gather @!p1 [hbm4b:s5+s2], $0x40, s0, s2, $0xb8;
	[tilespmem:$0x12C00] =	vst v63  }
0x25b: {  	_ =	swait.ge [sflag:s17], $0x2000  }
0x25c: {  	s8 =	simm.s32 $0x0;
	[sflag:s17] =	ssyncset.done $0x0  }
0x25d: {  	v0 =	vmov s8;
	s8 =	simm.s32 @!p0 $0x6;
	s10 =	simm.s32 $0x2;
	[sflag:s17] =	ssyncadd.s32 $0xFFFFE000  }
0x25e: {  	v3 =	vmov s10;
	s10 =	simm.s32 $0x7;
	_ =	swait.ge @!p0 [sflag:s8], $0x2000  }
0x25f: {  	v36 =	vmov s10;
	v20 =	vld [tilespmem:$0x1FF70]  }
0x260: {  	v0 =	vshrl.u32 v0, $0x3;
	s9 =	simm.s32 $0x1;
	v36 =	vshrl.u32 v36, $0x3;
	[sflag:s8] =	ssyncset.done @!p0 $0x0;
	v24 =	vld [tilespmem:$0x1FF00]  }
0x261: {  	s30 =	simm.s32 $0x8500;
	v0 =	vshll.u32 v0, v1;
	v2 =	vmov s9;
	v36 =	vshll.u32 v36, v1;
	[sflag:s8] =	ssyncadd.s32 @!p0 $0xFFFFE000  }
0x262: {  	v39 =	vbroadcast v0, $0x0;
	v2 =	vshrl.u32 v2, $0x3;
	v41 =	vbroadcast v36, $0x0;
	v0 =	vld [tilespmem:s30+$0xC0]  }
0x263: {  	v2 =	vshll.u32 v2, v1;
	v38 =	vld [tilespmem:s30+$0xFFFFFF00]  }
0x264: {  	v40 =	vbroadcast v2, $0x0;
	v42 =	vld [tilespmem:s30+$0xFFFFFF40];
	v2 =	vadd.s32 v20, v41  }
0x265: {  	s9 =	simm.s32 $0x6;
	v43 =	vadd.s32 v24, v39  }
0x266: {  	s31 =	simm.s32 $0x3;
	v35 =	vmov s9;
	v3 =	vshrl.u32 v3, $0x3;
	v45 =	vadd.s32 v51, v40  }
0x267: {  	v4 =	vmov s31;
	v35 =	vshrl.u32 v35, $0x3;
	v8 =	vld [tilespmem:$0x1FF30];
	v0 =	vmul.f32 $8.000000000e+00, v0  }
0x268: {  	v3 =	vshll.u32 v3, v1;
	s2 =	simm.s32 $0x4;
	v4 =	vshrl.u32 v4, $0x3;
	v44 =	vld [tilespmem:s30+$0xFFFFFF80];
	v38 =	vmul.f32 $8.000000000e+00, v38  }
0x269: {  	v37 =	vbroadcast v3, $0x0;
	v33 =	vmov s2;
	v46 =	vld [tilespmem:s30+$0xFFFFFFC0];
	v42 =	vmul.f32 $8.000000000e+00, v42;
	[tilespmem:v2+s20+$0x0] =	vst.idx.msk $0xffff, v0  }
0x26a: {  	s6 =	simm.s32 $0x5;
	v3 =	vshll.u32 v35, v1;
	v4 =	vshll.u32 v4, v1;
	v33 =	vshrl.u32 v33, $0x3;
	v47 =	vld [tilespmem:s30+$0x0];
	[tilespmem:v43+s20+$0x0] =	vst.idx.msk $0xffff, v38  }
0x26b: {  	v34 =	vmov s6;
	v36 =	vbroadcast v4, $0x0;
	v33 =	vshll.u32 v33, v1;
	v17 =	vld [tilespmem:$0x1FF40];
	[tilespmem:v45+s20+$0x0] =	vst.idx.msk $0xffff, v42  }
0x26c: {  	v34 =	vshrl.u32 v34, $0x3;
	v4 =	vadd.s32 v52, v37;
	v35 =	vbroadcast v33, $0x0;
	v13 =	vld [tilespmem:$0x1FF50]  }
0x26d: {  	v34 =	vshll.u32 v34, v1;
	v48 =	vadd.s32 v53, v36;
	v43 =	vld [tilespmem:s30+$0xFFFFFF10]  }
0x26e: {  	v33 =	vbroadcast v34, $0x0;
	v49 =	vld [tilespmem:s30+$0x40];
	v50 =	vadd.s32 v8, v35  }
0x26f: {  	v16 =	vmovc v51;
	v52 =	vadd.s32 v7, v39;
	v34 =	vbroadcast v3, $0x0;
	v51 =	vld [tilespmem:s30+$0x80];
	v2 =	vmul.f32 $8.000000000e+00, v44  }
0x270: {  	v62 =	vmul.f32 $8.000000000e+00, v46;
	v57 =	vld [tilespmem:s30+$0xD0];
	v3 =	vadd.s32 v17, v33  }
0x271: {  	v46 =	vld [tilespmem:s30+$0xFFFFFF50];
	[tilespmem:v4+s20+$0x0] =	vst.idx.msk $0xffff, v2;
	v2 =	vmul.f32 $8.000000000e+00, v47;
	v44 =	vadd.s32 v13, v34  }
0x272: {  	v4 =	vadd.s32 v6, v41;
	[tilespmem:v48+s20+$0x0] =	vst.idx.msk $0xffff, v62;
	v53 =	vld [tilespmem:s30+$0xFFFFFF90];
	v42 =	vmul.f32 $8.000000000e+00, v43  }
0x273: {  	v63 =	vmul.f32 $8.000000000e+00, v49;
	v49 =	vadd.s32 v54, v40;
	[tilespmem:v50+s20+$0x0] =	vst.idx.msk $0xffff, v2  }
0x274: {  	v2 =	vmul.f32 $8.000000000e+00, v51;
	v51 =	vadd.s32 v55, v37;
	[tilespmem:v52+s20+$0x0] =	vst.idx.msk $0xffff, v42  }
0x275: {  	[tilespmem:v3+s20+$0x0] =	vst.idx.msk $0xffff, v63;
	v3 =	vmul.f32 $8.000000000e+00, v57  }
0x276: {  	v21 =	vmov v54;
	v54 =	vld [tilespmem:s30+$0xFFFFFFD0];
	[tilespmem:v44+s20+$0x0] =	vst.idx.msk $0xffff, v2;
	v44 =	vmul.f32 $8.000000000e+00, v46  }
0x277: {  	v9 =	vmov v55;
	v55 =	vld [tilespmem:s30+$0x10];
	[tilespmem:v4+s20+$0x0] =	vst.idx.msk $0xffff, v3;
	v3 =	vmul.f32 $8.000000000e+00, v53  }
0x278: {  	v52 =	vld [tilespmem:s30+$0xFFFFFF20];
	[tilespmem:v49+s20+$0x0] =	vst.idx.msk $0xffff, v44  }
0x279: {  	v43 =	vadd.s32 v56, v36;
	v63 =	vmov v56;
	v56 =	vld [tilespmem:s30+$0x50];
	[tilespmem:v51+s20+$0x0] =	vst.idx.msk $0xffff, v3  }
0x27a: {  	v25 =	vld [tilespmem:$0x1FF80]  }
0x27b: {  	v46 =	vadd.s32 v22, v35;
	v57 =	vld [tilespmem:s30+$0x90]  }
0x27c: {  	v4 =	vadd.s32 v32, v33;
	v42 =	vld [tilespmem:s30+$0xE0]  }
0x27d: {  	s31 =	simm.s32 $0x8;
	v62 =	vmov v32;
	v32 =	vmul.f32 $8.000000000e+00, v54;
	v49 =	vadd.s32 v30, v34  }
0x27e: {  	s6 =	simm.s32 $0xA;
	v0 =	vmov s31;
	v54 =	vadd.s32 v58, v39;
	v3 =	vmul.f32 $8.000000000e+00, v55  }
0x27f: {  	s31 =	simm.s32 $0xE;
	v47 =	vmov s6;
	[tilespmem:v43+s20+$0x0] =	vst.idx.msk $0xffff, v32;
	v32 =	vmul.f32 $8.000000000e+00, v56;
	v51 =	vadd.s32 v25, v41  }
0x280: {  	v2 =	vmov s31;
	v53 =	vshrl.u32 v47, $0x3;
	[tilespmem:v46+s20+$0x0] =	vst.idx.msk $0xffff, v3;
	v3 =	vmul.f32 $8.000000000e+00, v57  }
0x281: {  	v47 =	vld [tilespmem:s30+$0xFFFFFF60];
	[tilespmem:v4+s20+$0x0] =	vst.idx.msk $0xffff, v32;
	v4 =	vmul.f32 $8.000000000e+00, v42;
	v42 =	vshrl.u32 v2, $0x3;
	v2 =	vmul.f32 $8.000000000e+00, v52  }
0x282: {  	v55 =	vld [tilespmem:s30+$0xFFFFFFA0];
	[tilespmem:v49+s20+$0x0] =	vst.idx.msk $0xffff, v3  }
0x283: {  	v12 =	vmov v58;
	v58 =	vadd.s32 v59, v40;
	v3 =	vld [tilespmem:$0x1FED0];
	[tilespmem:v54+s20+$0x0] =	vst.idx.msk $0xffff, v2  }
0x284: {  	v14 =	vmov v59;
	s10 =	simm.s32 $0xD;
	v0 =	vshrl.u32 v0, $0x3;
	v59 =	vld [tilespmem:s30+$0xFFFFFFE0];
	v46 =	vadd.s32 v60, v37;
	[tilespmem:v51+s20+$0x0] =	vst.idx.msk $0xffff, v4  }
0x285: {  	v38 =	vmov s10;
	v0 =	vshll.u32 v0, v1;
	v4 =	vld [tilespmem:$0x1FEE0]  }
0x286: {  	v18 =	vmovc v60;
	v57 =	vshrl.u32 v38, $0x3;
	v60 =	vld [tilespmem:s30+$0x20];
	v38 =	vbroadcast v0, $0x0;
	v0 =	vmul.f32 $8.000000000e+00, v47  }
0x287: {  	v32 =	vld [tilespmem:s30+$0x60];
	v2 =	vmul.f32 $8.000000000e+00, v55  }
0x288: {  	v19 =	vld [tilespmem:s30+$0xA0];
	[tilespmem:v58+s20+$0x0] =	vst.idx.msk $0xffff, v0  }
0x289: {  	s9 =	simm.s32 $0xC;
	v23 =	vld [tilespmem:$0x1FF60];
	[tilespmem:v46+s20+$0x0] =	vst.idx.msk $0xffff, v2  }
0x28a: {  	v50 =	vmov s9;
	v43 =	vadd.s32 v61, v36;
	v15 =	vmovc v4;
	v54 =	vadd.s32 v4, v33;
	v4 =	vld [tilespmem:$0x1FEF0]  }
0x28b: {  	v56 =	vshrl.u32 v50, $0x3;
	v50 =	vld [tilespmem:s30+$0xFFFFFF30]  }
0x28c: {  	v10 =	vmov v3;
	v3 =	vadd.s32 v3, v35;
	v55 =	vld [tilespmem:s30+$0xF0]  }
0x28d: {  	v0 =	vmul.f32 $8.000000000e+00, v59;
	v52 =	vld [tilespmem:s30+$0xFFFFFF70]  }
0x28e: {  	v44 =	vshll.u32 v53, v1;
	v49 =	vld [tilespmem:s30+$0xFFFFFFB0]  }
0x28f: {  	v27 =	vmovc v6;
	v2 =	vmul.f32 $8.000000000e+00, v60;
	v6 =	vmov v4;
	v53 =	vadd.s32 v4, v41;
	v4 =	vld [tilespmem:$0x1FE90];
	[tilespmem:v43+s20+$0x0] =	vst.idx.msk $0xffff, v0  }
0x290: {  	v31 =	vld [tilespmem:$0x1FF10]  }
0x291: {  	s2 =	simm.s32 $0x9;
	v46 =	vshll.u32 v56, v1;
	v56 =	vld [tilespmem:s30+$0xFFFFFFF0];
	[tilespmem:v3+s20+$0x0] =	vst.idx.msk $0xffff, v2  }
0x292: {  	s8 =	simm.s32 $0xB;
	v45 =	vmov s2;
	v43 =	vshll.u32 v57, v1;
	v57 =	vmov v27;
	v27 =	vld [tilespmem:$0x1FF90]  }
0x293: {  	v48 =	vmov s8;
	v45 =	vshrl.u32 v45, $0x3;
	v29 =	vld [tilespmem:$0x1FFA0]  }
0x294: {  	v48 =	vshrl.u32 v48, $0x3;
	v47 =	vshll.u32 v45, v1;
	v28 =	vld [tilespmem:$0x1FFB0]  }
0x295: {  	v5 =	vmovc v61;
	v45 =	vshll.u32 v48, v1;
	v41 =	vadd.s32 v31, v40;
	v40 =	vmul.f32 $8.000000000e+00, v19;
	v19 =	vld [tilespmem:$0x1FF20]  }
0x296: {  	s29 =	sor.u32 $0x3, s29;
	s0 =	simm.s32 $0x10;
	s2 =	simm.s32 $0xF;
	v58 =	vmovc v13;
	v51 =	vadd.s32 v23, v34;
	v26 =	vld [tilespmem:$0x1FFC0];
	v11 =	vmovc v4;
	v48 =	vadd.s32 v4, v39;
	v39 =	vmul.f32 $8.000000000e+00, v32  }
.LBB2_15:
0x297: {  	_ = 	snop  }
0x298: {  	v36 =	vadd.s32 v27, v36;
	v13 =	vld [tilespmem:$0x1FFF0];
	_ =	sdelay $0x1  }
0x299: {  	v0 =	vmov s2;
	v2 =	vadd.s32 v19, v37;
	v3 =	vld [tilespmem:s30+$0x30];
	[tilespmem:v54+s20+$0x0] =	vst.idx.msk $0xffff, v39;
	v4 =	vmul.f32 $8.000000000e+00, v55  }
0x29a: {  	v37 =	vbroadcast v44, $0x0;
	v0 =	vshrl.u32 v0, $0x3;
	[tilespmem:v51+s20+$0x0] =	vst.idx.msk $0xffff, v40;
	v54 =	vld [tilespmem:s30+$0x70];
	v59 =	vmul.f32 $8.000000000e+00, v56  }
0x29b: {  	v35 =	vadd.s32 v29, v35;
	v0 =	vshll.u32 v0, v1;
	v51 =	vld [tilespmem:s30+$0xB0];
	v61 =	vmul.f32 $8.000000000e+00, v50;
	[tilespmem:v53+s20+$0x0] =	vst.idx.msk $0xffff, v4  }
0x29c: {  	s30 =	sadd.s32 $0x200, s30;
	v55 =	vmul.f32 $8.000000000e+00, v52;
	[tilespmem:v36+s20+$0x0] =	vst.idx.msk $0xffff, v59;
	v36 =	vbroadcast v45, $0x0;
	v45 =	vadd.s32 v13, v37;
	v13 =	vld [tilespmem:$0x1FFD0]  }
0x29d: {  	v33 =	vadd.s32 v28, v33;
	v40 =	vbroadcast v0, $0x0;
	v0 =	vmul.f32 $8.000000000e+00, v49;
	[tilespmem:v48+s20+$0x0] =	vst.idx.msk $0xffff, v61;
	v4 =	vld [tilespmem:s30+$0xC0]  }
0x29e: {  	v42 =	vshll.u32 v42, v1;
	v34 =	vadd.s32 v26, v34;
	[tilespmem:v41+s20+$0x0] =	vst.idx.msk $0xffff, v55;
	v48 =	vld [tilespmem:s30+$0xFFFFFF00]  }
0x29f: {  	v39 =	vmovc v38;
	v60 =	vadd.s32 v20, v40;
	v41 =	vbroadcast v47, $0x0;
	[tilespmem:v2+s20+$0x0] =	vst.idx.msk $0xffff, v0;
	v0 =	vmul.f32 $8.000000000e+00, v3;
	v50 =	vld [tilespmem:s30+$0xFFFFFF40]  }
0x2a0: {  	s31 =	sadd.s32 $0x1, s0;
	v52 =	vadd.s32 v7, v39;
	v2 =	vadd.s32 v24, v39;
	v3 =	vld [tilespmem:s30+$0xFFFFFF80];
	v38 =	vmul.f32 $8.000000000e+00, v54  }
0x2a1: {  	v47 =	vmov s31;
	v49 =	vld [tilespmem:s30+$0xFFFFFFC0];
	v61 =	vadd.s32 v16, v41;
	[tilespmem:v35+s20+$0x0] =	vst.idx.msk $0xffff, v0;
	v0 =	vmul.f32 $8.000000000e+00, v51  }
0x2a2: {  	v47 =	vshrl.u32 v47, $0x3;
	v35 =	vbroadcast v46, $0x0;
	v54 =	vld [tilespmem:s30+$0x0];
	[tilespmem:v33+s20+$0x0] =	vst.idx.msk $0xffff, v38;
	v4 =	vmul.f32 $8.000000000e+00, v4  }
0x2a3: {  	v33 =	vbroadcast v43, $0x0;
	v56 =	vld [tilespmem:s30+$0x40];
	[tilespmem:v34+s20+$0x0] =	vst.idx.msk $0xffff, v0;
	v46 =	vadd.s32 v13, v36;
	v55 =	vmul.f32 $8.000000000e+00, v48  }
0x2a4: {  	s6 =	sadd.s32 $0x2, s0;
	v43 =	vadd.s32 v8, v35;
	v34 =	vbroadcast v42, $0x0;
	v0 =	vmul.f32 $8.000000000e+00, v50;
	v50 =	vld [tilespmem:s30+$0x80];
	[tilespmem:v60+s20+$0x0] =	vst.idx.msk $0xffff, v4  }
0x2a5: {  	v51 =	vmov s6;
	[tilespmem:v2+s20+$0x0] =	vst.idx.msk $0xffff, v55;
	v2 =	vmul.f32 $8.000000000e+00, v3;
	v3 =	vadd.s32 v17, v33;
	v59 =	vld [tilespmem:s30+$0xD0]  }
0x2a6: {  	v47 =	vshll.u32 v47, v1;
	[tilespmem:v61+s20+$0x0] =	vst.idx.msk $0xffff, v0;
	v0 =	vmul.f32 $8.000000000e+00, v49;
	v61 =	vadd.s32 v58, v34;
	v60 =	vld [tilespmem:s30+$0xFFFFFF10]  }
0x2a7: {  	v51 =	vshrl.u32 v51, $0x3;
	v32 =	vld [tilespmem:s30+$0xFFFFFF50];
	[tilespmem:v45+s20+$0x0] =	vst.idx.msk $0xffff, v2;
	v2 =	vmul.f32 $8.000000000e+00, v54;
	v45 =	vadd.s32 v57, v40  }
0x2a8: {  	v42 =	vadd.s32 v63, v36;
	v38 =	vadd.s32 v62, v33;
	[tilespmem:v46+s20+$0x0] =	vst.idx.msk $0xffff, v0;
	v0 =	vmul.f32 $8.000000000e+00, v56;
	v53 =	vld [tilespmem:s30+$0xFFFFFF90]  }
0x2a9: {  	v48 =	vadd.s32 v21, v41;
	v4 =	vmov s0;
	v54 =	vld [tilespmem:s30+$0xFFFFFFD0];
	[tilespmem:v43+s20+$0x0] =	vst.idx.msk $0xffff, v2;
	v2 =	vmul.f32 $8.000000000e+00, v50  }
0x2aa: {  	s8 =	sadd.s32 $0x3, s0;
	v49 =	vadd.s32 v22, v35;
	v50 =	vadd.s32 v9, v37;
	v55 =	vld [tilespmem:s30+$0x10];
	[tilespmem:v3+s20+$0x0] =	vst.idx.msk $0xffff, v0;
	v0 =	vmul.f32 $8.000000000e+00, v59  }
0x2ab: {  	v4 =	vshrl.u32 v4, $0x3;
	v46 =	vmov s8;
	v60 =	vmul.f32 $8.000000000e+00, v60;
	v56 =	vld [tilespmem:s30+$0x50];
	[tilespmem:v61+s20+$0x0] =	vst.idx.msk $0xffff, v2  }
0x2ac: {  	s9 =	sadd.s32 $0x4, s0;
	v46 =	vshrl.u32 v46, $0x3;
	v61 =	vmul.f32 $8.000000000e+00, v32;
	v32 =	vmovc v20;
	v20 =	vmovc v22;
	v22 =	vmov v57;
	v57 =	vld [tilespmem:s30+$0x90];
	[tilespmem:v45+s20+$0x0] =	vst.idx.msk $0xffff, v0  }
0x2ad: {  	s10 =	sadd.s32 $0x5, s0;
	v43 =	vmov s9;
	v0 =	vshll.u32 v4, v1;
	[tilespmem:v52+s20+$0x0] =	vst.idx.msk $0xffff, v60;
	v4 =	vmul.f32 $8.000000000e+00, v53;
	v45 =	vld [tilespmem:s30+$0xE0]  }
0x2ae: {  	v3 =	vmov s10;
	[tilespmem:v48+s20+$0x0] =	vst.idx.msk $0xffff, v61;
	v60 =	vmul.f32 $8.000000000e+00, v54;
	v48 =	vadd.s32 v30, v34;
	v52 =	vld [tilespmem:s30+$0xFFFFFF20]  }
0x2af: {  	s31 =	sadd.s32 $0x6, s0;
	v43 =	vshrl.u32 v43, $0x3;
	v53 =	vld [tilespmem:s30+$0xFFFFFF60];
	[tilespmem:v50+s20+$0x0] =	vst.idx.msk $0xffff, v4;
	v4 =	vmul.f32 $8.000000000e+00, v55;
	v50 =	vadd.s32 v25, v40  }
0x2b0: {  	v2 =	vmov s31;
	v54 =	vadd.s32 v12, v39;
	[tilespmem:v42+s20+$0x0] =	vst.idx.msk $0xffff, v60;
	v55 =	vld [tilespmem:s30+$0xFFFFFFA0];
	v61 =	vmul.f32 $8.000000000e+00, v56  }
0x2b1: {  	v13 =	vmovc v58;
	v3 =	vshrl.u32 v3, $0x3;
	v56 =	vadd.s32 v14, v41;
	v58 =	vld [tilespmem:s30+$0xFFFFFFE0];
	[tilespmem:v49+s20+$0x0] =	vst.idx.msk $0xffff, v4;
	v4 =	vmul.f32 $8.000000000e+00, v57  }
0x2b2: {  	v59 =	vadd.s32 v5, v36;
	v49 =	vadd.s32 v18, v37;
	v57 =	vld [tilespmem:s30+$0x20];
	[tilespmem:v38+s20+$0x0] =	vst.idx.msk $0xffff, v61;
	v44 =	vmul.f32 $8.000000000e+00, v45  }
0x2b3: {  	v42 =	vshrl.u32 v2, $0x3;
	v41 =	vadd.s32 v31, v41;
	v2 =	vmul.f32 $8.000000000e+00, v52;
	v60 =	vld [tilespmem:s30+$0x60];
	[tilespmem:v48+s20+$0x0] =	vst.idx.msk $0xffff, v4  }
0x2b4: {  	p0 =	slt.u32 s0, $0x78;
	v38 =	vbroadcast v0, $0x0;
	v0 =	vmul.f32 $8.000000000e+00, v53;
	v4 =	vadd.s32 v10, v35;
	v61 =	vld [tilespmem:s30+$0xA0];
	[tilespmem:v50+s20+$0x0] =	vst.idx.msk $0xffff, v44  }
.Ltmp6:
0x2b5: {  	v45 =	vshll.u32 v46, v1;
	v53 =	vadd.s32 v6, v40;
	[tilespmem:v54+s20+$0x0] =	vst.idx.msk $0xffff, v2;
	v2 =	vmul.f32 $8.000000000e+00, v55;
	v55 =	vld [tilespmem:s30+$0xF0];
	(pc) =	sbr.rel @p0 .LBB2_15-.Ltmp6, $4  }
0x2b6: {  	v46 =	vshll.u32 v43, v1;
	v48 =	vadd.s32 v11, v39;
	[tilespmem:v56+s20+$0x0] =	vst.idx.msk $0xffff, v0;
	v0 =	vmul.f32 $8.000000000e+00, v58;
	v50 =	vld [tilespmem:s30+$0xFFFFFF30]  }
0x2b7: {  	v43 =	vshll.u32 v3, v1;
	v54 =	vadd.s32 v15, v33;
	v52 =	vld [tilespmem:s30+$0xFFFFFF70];
	[tilespmem:v49+s20+$0x0] =	vst.idx.msk $0xffff, v2;
	v2 =	vmul.f32 $8.000000000e+00, v57  }
0x2b8: {  	v44 =	vshll.u32 v51, v1;
	v58 =	vmov v13;
	v51 =	vadd.s32 v23, v34;
	[tilespmem:v59+s20+$0x0] =	vst.idx.msk $0xffff, v0;
	v49 =	vld [tilespmem:s30+$0xFFFFFFB0]  }
0x2b9: {  	s2 =	sadd.s32 $0x7, s0;
	s0 =	sadd.s32 $0x8, s0;
	v57 =	vmovc v22;
	v22 =	vmovc v20;
	v20 =	vmov v32;
	v39 =	vmul.f32 $8.000000000e+00, v60;
	v56 =	vld [tilespmem:s30+$0xFFFFFFF0];
	[tilespmem:v4+s20+$0x0] =	vst.idx.msk $0xffff, v2;
	v40 =	vmul.f32 $8.000000000e+00, v61  }
0x2ba: {  	_ =	sdelay $0x3  }
0x2bb: {  	v2 =	vadd.s32 v19, v37;
	v3 =	vld [tilespmem:s30+$0x30];
	v4 =	vmul.f32 $8.000000000e+00, v55;
	[tilespmem:v54+s20+$0x0] =	vst.idx.msk $0xffff, v39  }
0x2bc: {  	v36 =	vadd.s32 v27, v36;
	v13 =	vmul.f32 $8.000000000e+00, v50;
	[tilespmem:v51+s20+$0x0] =	vst.idx.msk $0xffff, v40;
	v39 =	vld [tilespmem:s30+$0x70]  }
0x2bd: {  	v35 =	vadd.s32 v29, v35;
	v54 =	vmul.f32 $8.000000000e+00, v52;
	[tilespmem:v53+s20+$0x0] =	vst.idx.msk $0xffff, v4  }
0x2be: {  	v33 =	vadd.s32 v28, v33;
	[tilespmem:v48+s20+$0x0] =	vst.idx.msk $0xffff, v13;
	v55 =	vmul.f32 $8.000000000e+00, v49  }
0x2bf: {  	[tilespmem:v41+s20+$0x0] =	vst.idx.msk $0xffff, v54;
	v56 =	vmul.f32 $8.000000000e+00, v56  }
0x2c0: {  	v0 =	vmov s2;
	s0 =	sadd.s32 $0x200, s30;
	v50 =	vld [tilespmem:s30+$0xB0];
	[tilespmem:v2+s20+$0x0] =	vst.idx.msk $0xffff, v55;
	v2 =	vmul.f32 $8.000000000e+00, v3  }
0x2c1: {  	v47 =	vbroadcast v47, $0x0;
	v0 =	vshrl.u32 v0, $0x3;
	v4 =	vld [tilespmem:s0+$0xC0];
	[tilespmem:v36+s20+$0x0] =	vst.idx.msk $0xffff, v56;
	v61 =	vmul.f32 $8.000000000e+00, v39  }
0x2c2: {  	v0 =	vshll.u32 v0, v1;
	v48 =	vld [tilespmem:s0+$0xFFFFFF00];
	[tilespmem:v35+s20+$0x0] =	vst.idx.msk $0xffff, v2  }
0x2c3: {  	v52 =	vmov v16;
	v0 =	vbroadcast v0, $0x0;
	v39 =	vadd.s32 v16, v47;
	v16 =	vld [tilespmem:$0x1FFF0];
	[tilespmem:v33+s20+$0x0] =	vst.idx.msk $0xffff, v61  }
0x2c4: {  	v34 =	vadd.s32 v26, v34;
	v32 =	vld [tilespmem:$0x1FFD0]  }
0x2c5: {  	v41 =	vld [tilespmem:s0+$0xFFFFFF40];
	v49 =	vadd.s32 v20, v0  }
0x2c6: {  	v44 =	vbroadcast v44, $0x0;
	v60 =	vld [tilespmem:s0+$0xFFFFFF80];
	v3 =	vadd.s32 v24, v38  }
0x2c7: {  	v42 =	vshll.u32 v42, v1;
	v45 =	vbroadcast v45, $0x0;
	v13 =	vld [tilespmem:s0+$0xFFFFFFC0];
	v2 =	vmul.f32 $8.000000000e+00, v50  }
0x2c8: {  	v46 =	vbroadcast v46, $0x0;
	v50 =	vld [tilespmem:s0+$0x0];
	v4 =	vmul.f32 $8.000000000e+00, v4;
	v35 =	vadd.s32 v16, v44  }
0x2c9: {  	v43 =	vbroadcast v43, $0x0;
	v56 =	vld [tilespmem:s0+$0x40];
	v55 =	vmul.f32 $8.000000000e+00, v48;
	[tilespmem:v34+s20+$0x0] =	vst.idx.msk $0xffff, v2;
	v36 =	vadd.s32 v32, v45  }
0x2ca: {  	v42 =	vbroadcast v42, $0x0;
	v2 =	vmul.f32 $8.000000000e+00, v41;
	v34 =	vadd.s32 v8, v46;
	v41 =	vld [tilespmem:s0+$0x80];
	[tilespmem:v49+s20+$0x0] =	vst.idx.msk $0xffff, v4  }
0x2cb: {  	[tilespmem:v3+s20+$0x0] =	vst.idx.msk $0xffff, v55;
	v3 =	vmul.f32 $8.000000000e+00, v60;
	v4 =	vadd.s32 v17, v43;
	v60 =	vld [tilespmem:s0+$0xD0]  }
0x2cc: {  	v61 =	vld [tilespmem:s0+$0xFFFFFF10];
	[tilespmem:v39+s20+$0x0] =	vst.idx.msk $0xffff, v2;
	v2 =	vmul.f32 $8.000000000e+00, v13;
	v13 =	vadd.s32 v58, v42  }
0x2cd: {  	v54 =	vld [tilespmem:s0+$0xFFFFFF50];
	[tilespmem:v35+s20+$0x0] =	vst.idx.msk $0xffff, v3;
	v3 =	vmul.f32 $8.000000000e+00, v50;
	v35 =	vadd.s32 v57, v0  }
0x2ce: {  	v49 =	vadd.s32 v7, v38;
	v50 =	vld [tilespmem:s0+$0xFFFFFF90];
	[tilespmem:v36+s20+$0x0] =	vst.idx.msk $0xffff, v2;
	v2 =	vmul.f32 $8.000000000e+00, v56  }
0x2cf: {  	v55 =	vadd.s32 v21, v47;
	[tilespmem:v34+s20+$0x0] =	vst.idx.msk $0xffff, v3;
	v3 =	vmul.f32 $8.000000000e+00, v41;
	v56 =	vld [tilespmem:s0+$0xFFFFFFD0]  }
0x2d0: {  	v34 =	vadd.s32 v9, v44;
	v41 =	vld [tilespmem:s0+$0x10];
	[tilespmem:v4+s20+$0x0] =	vst.idx.msk $0xffff, v2;
	v2 =	vmul.f32 $8.000000000e+00, v60  }
0x2d1: {  	v4 =	vmul.f32 $8.000000000e+00, v61;
	v60 =	vadd.s32 v63, v45;
	[tilespmem:v13+s20+$0x0] =	vst.idx.msk $0xffff, v3;
	v61 =	vld [tilespmem:s0+$0x50]  }
0x2d2: {  	v3 =	vmul.f32 $8.000000000e+00, v54;
	v13 =	vadd.s32 v22, v46;
	v54 =	vld [tilespmem:s0+$0x90];
	[tilespmem:v35+s20+$0x0] =	vst.idx.msk $0xffff, v2  }
0x2d3: {  	[tilespmem:v49+s20+$0x0] =	vst.idx.msk $0xffff, v4;
	v2 =	vmul.f32 $8.000000000e+00, v50;
	v4 =	vadd.s32 v62, v43;
	v35 =	vld [tilespmem:s0+$0xE0]  }
0x2d4: {  	[tilespmem:v55+s20+$0x0] =	vst.idx.msk $0xffff, v3;
	v55 =	vadd.s32 v30, v42;
	v49 =	vld [tilespmem:s0+$0xFFFFFF20];
	v3 =	vmul.f32 $8.000000000e+00, v56  }
0x2d5: {  	v56 =	vld [tilespmem:s0+$0xFFFFFF60];
	[tilespmem:v34+s20+$0x0] =	vst.idx.msk $0xffff, v2;
	v2 =	vmul.f32 $8.000000000e+00, v41;
	v34 =	vadd.s32 v25, v0  }
0x2d6: {  	v41 =	vadd.s32 v12, v38;
	v50 =	vld [tilespmem:s0+$0xFFFFFFA0];
	[tilespmem:v60+s20+$0x0] =	vst.idx.msk $0xffff, v3;
	v3 =	vmul.f32 $8.000000000e+00, v61  }
0x2d7: {  	v60 =	vadd.s32 v14, v47;
	[tilespmem:v13+s20+$0x0] =	vst.idx.msk $0xffff, v2;
	v2 =	vmul.f32 $8.000000000e+00, v54;
	v61 =	vld [tilespmem:s0+$0xFFFFFFE0]  }
0x2d8: {  	v39 =	vadd.s32 v18, v44;
	v13 =	vld [tilespmem:s0+$0x20];
	[tilespmem:v4+s20+$0x0] =	vst.idx.msk $0xffff, v3;
	v3 =	vmul.f32 $8.000000000e+00, v35  }
0x2d9: {  	v14 =	vadd.s32 v5, v45;
	v4 =	vmul.f32 $8.000000000e+00, v49;
	[tilespmem:v55+s20+$0x0] =	vst.idx.msk $0xffff, v2;
	v54 =	vld [tilespmem:s0+$0x60]  }
0x2da: {  	v55 =	vadd.s32 v10, v46;
	v2 =	vmul.f32 $8.000000000e+00, v56;
	v56 =	vld [tilespmem:s0+$0xA0];
	[tilespmem:v34+s20+$0x0] =	vst.idx.msk $0xffff, v3  }
0x2db: {  	[tilespmem:v41+s20+$0x0] =	vst.idx.msk $0xffff, v4;
	v3 =	vmul.f32 $8.000000000e+00, v50;
	v4 =	vadd.s32 v15, v43;
	v34 =	vld [tilespmem:s0+$0xF0]  }
0x2dc: {  	v41 =	vld [tilespmem:s0+$0xFFFFFF30];
	[tilespmem:v60+s20+$0x0] =	vst.idx.msk $0xffff, v2;
	v60 =	vadd.s32 v23, v42;
	v2 =	vmul.f32 $8.000000000e+00, v61  }
0x2dd: {  	v0 =	vadd.s32 v6, v0;
	v61 =	vld [tilespmem:s0+$0xFFFFFF70];
	[tilespmem:v39+s20+$0x0] =	vst.idx.msk $0xffff, v3;
	v3 =	vmul.f32 $8.000000000e+00, v13  }
0x2de: {  	v38 =	vadd.s32 v11, v38;
	v39 =	vld [tilespmem:s0+$0xFFFFFFB0];
	[tilespmem:v14+s20+$0x0] =	vst.idx.msk $0xffff, v2;
	v2 =	vmul.f32 $8.000000000e+00, v54  }
0x2df: {  	v59 =	vmov v19;
	v13 =	vadd.s32 v31, v47;
	[tilespmem:v55+s20+$0x0] =	vst.idx.msk $0xffff, v3;
	v3 =	vmul.f32 $8.000000000e+00, v56;
	v14 =	vld [tilespmem:s0+$0xFFFFFFF0]  }
0x2e0: {  	v48 =	vadd.s32 v59, v44;
	v54 =	vld [tilespmem:s0+$0x30];
	[tilespmem:v4+s20+$0x0] =	vst.idx.msk $0xffff, v2;
	v2 =	vmul.f32 $8.000000000e+00, v34  }
0x2e1: {  	v19 =	vmov v29;
	v55 =	vadd.s32 v27, v45;
	v4 =	vmul.f32 $8.000000000e+00, v41;
	[tilespmem:v60+s20+$0x0] =	vst.idx.msk $0xffff, v3;
	v56 =	vld [tilespmem:s0+$0x70]  }
0x2e2: {  	v60 =	vadd.s32 v19, v46;
	v3 =	vmul.f32 $8.000000000e+00, v61;
	v61 =	vld [tilespmem:s0+$0xB0];
	[tilespmem:v0+s20+$0x0] =	vst.idx.msk $0xffff, v2  }
0x2e3: {  	v29 =	vmov v26;
	[tilespmem:v38+s20+$0x0] =	vst.idx.msk $0xffff, v4;
	v0 =	vmul.f32 $8.000000000e+00, v39;
	v2 =	vadd.s32 v28, v43  }
0x2e4: {  	v4 =	vadd.s32 v29, v42;
	[tilespmem:v13+s20+$0x0] =	vst.idx.msk $0xffff, v3;
	v3 =	vmul.f32 $8.000000000e+00, v14  }
0x2e5: {  	[tilespmem:v48+s20+$0x0] =	vst.idx.msk $0xffff, v0;
	v0 =	vmul.f32 $8.000000000e+00, v54  }
0x2e6: {  	s6 =	sshll.u32 s29, $0x12;
	[tilespmem:v55+s20+$0x0] =	vst.idx.msk $0xffff, v3;
	v3 =	vmul.f32 $8.000000000e+00, v56  }
0x2e7: {  	s0 =	sor.u32 s4, s6;
	[tilespmem:v60+s20+$0x0] =	vst.idx.msk $0xffff, v0;
	v0 =	vmul.f32 $8.000000000e+00, v61  }
0x2e8: {  	s0 =	sshrl.u32 s0, $0x3;
	[tilespmem:v2+s20+$0x0] =	vst.idx.msk $0xffff, v3  }
0x2e9: {  	s8 =	simm.s32 $0x10A00;
	s2 =	sadd.s32 s1, s0;
	[tilespmem:v4+s20+$0x0] =	vst.idx.msk $0xffff, v0  }
0x2ea: {  	[hbm4b:s2+s3] =	stream.linear.scatter [tilespmem:s8], [sflag:$0x6], $0x80, $0x38;
	[tilespmem:$0x12C00] =	vst v63  }
0x2eb: {  	s9 =	simm.s32 $0x10A88;
	s6 =	sadd.s32 $0x10, s2  }
0x2ec: {  	[hbm4b:s6+s3] =	stream.linear.scatter [tilespmem:s9], [sflag:$0x6], $0x80, $0x38;
	[tilespmem:$0x12C00] =	vst v63  }
0x2ed: {  	s10 =	simm.s32 $0x10B10;
	s31 =	sadd.s32 $0x20, s2  }
0x2ee: {  	[hbm4b:s31+s3] =	stream.linear.scatter [tilespmem:s10], [sflag:$0x6], $0x80, $0x38;
	[tilespmem:$0x12C00] =	vst v63  }
0x2ef: {  	s8 =	simm.s32 $0x10B98;
	s9 =	sadd.s32 $0x30, s2  }
0x2f0: {  	[hbm4b:s9+s3] =	stream.linear.scatter [tilespmem:s8], [sflag:$0x6], $0x80, $0x38;
	[tilespmem:$0x12C00] =	vst v63  }
0x2f1: {  	s10 =	simm.s32 $0x10C20;
	s31 =	sadd.s32 $0x40, s2  }
0x2f2: {  	[hbm4b:s31+s3] =	stream.linear.scatter [tilespmem:s10], [sflag:$0x6], $0x80, $0x38;
	[tilespmem:$0x12C00] =	vst v63  }
0x2f3: {  	s30 =	simm.s32 $0x2200;
	s8 =	simm.s32 $0x10CA8;
	s9 =	sadd.s32 $0x50, s2  }
0x2f4: {  	[hbm4b:s9+s3] =	stream.linear.scatter [tilespmem:s8], [sflag:$0x6], $0x80, $0x38;
	[tilespmem:$0x12C00] =	vst v63  }
0x2f5: {  	v26 =	vmovc v8;
	v51 =	vmovc v7;
	v53 =	vmov v17;
	v17 =	vmov v16;
	v8 =	vmov v32;
	s0 =	simm.s32 $0x440;
	s10 =	simm.s32 $0x10D30;
	s31 =	sadd.s32 $0x60, s2  }
0x2f6: {  	v11 =	vmovc v62;
	v49 =	vmovc v31;
	v50 =	vmov v23;
	v31 =	vmov v12;
	v41 =	vmov v9;
	[hbm4b:s31+s3] =	stream.linear.scatter [tilespmem:s10], [sflag:$0x6], $0x80, $0x38;
	[tilespmem:$0x12C00] =	vst v63  }
0x2f7: {  	v9 =	vmovc v19;
	v19 =	vmovc v30;
	v4 =	vmov v29;
	v29 =	vmov v59;
	v3 =	vmov v21;
	s9 =	simm.s32 $0x10DB8;
	s10 =	sadd.s32 $0x70, s2;
	s2 =	sadd.s32 $0x1000, s2  }
.LBB2_17:
0x2f8: {  	[hbm4b:s10+s3] =	stream.linear.scatter [tilespmem:s9], [sflag:$0x6], $0x80, $0x38;
	[tilespmem:$0x12C00] =	vst v63  }
0x2f9: {  	s6 =	smov.u32 s0;
	s0 =	smov.u32 s30  }
0x2fa: {  	s8 =	sadd.s32 $0x1100, s30;
	s0 =	sshra.s32 s0, $0x2;
	s9 =	sadd.s32 $0x10A00, s6  }
0x2fb: {  	[hbm4b:s2+s3] =	stream.linear.scatter [tilespmem:s9], [sflag:$0x6], $0x80, $0x38;
	[tilespmem:$0x12C00] =	vst v63  }
0x2fc: {  	p0 =	sne.s32 s30, $0x7700;
	s10 =	sadd.s32 $0x10, s2;
	s9 =	sadd.s32 $0x10A88, s6  }
0x2fd: {  	[hbm4b:s10+s3] =	stream.linear.scatter [tilespmem:s9], [sflag:$0x6], $0x80, $0x38;
	[tilespmem:$0x12C00] =	vst v63  }
0x2fe: {  	s9 =	sadd.s32 $0x10B10, s6;
	s10 =	sadd.s32 $0x20, s2  }
0x2ff: {  	[hbm4b:s10+s3] =	stream.linear.scatter [tilespmem:s9], [sflag:$0x6], $0x80, $0x38;
	[tilespmem:$0x12C00] =	vst v63  }
0x300: {  	s9 =	sadd.s32 $0x10B98, s6;
	s10 =	sadd.s32 $0x30, s2  }
0x301: {  	[hbm4b:s10+s3] =	stream.linear.scatter [tilespmem:s9], [sflag:$0x6], $0x80, $0x38;
	[tilespmem:$0x12C00] =	vst v63  }
0x302: {  	s9 =	sadd.s32 $0x10C20, s6;
	s10 =	sadd.s32 $0x40, s2  }
0x303: {  	[hbm4b:s10+s3] =	stream.linear.scatter [tilespmem:s9], [sflag:$0x6], $0x80, $0x38;
	[tilespmem:$0x12C00] =	vst v63  }
.Ltmp7:
0x304: {  	s9 =	sadd.s32 $0x10CA8, s6;
	s10 =	sadd.s32 $0x50, s2;
	(pc) =	sbr.rel @p0 .LBB2_17-.Ltmp7, $4  }
0x305: {  	[hbm4b:s10+s3] =	stream.linear.scatter [tilespmem:s9], [sflag:$0x6], $0x80, $0x38;
	[tilespmem:$0x12C00] =	vst v63  }
0x306: {  	s30 =	smov.u32 s8;
	s9 =	sadd.s32 $0x10D30, s6;
	s10 =	sadd.s32 $0x60, s2  }
0x307: {  	[hbm4b:s10+s3] =	stream.linear.scatter [tilespmem:s9], [sflag:$0x6], $0x80, $0x38;
	[tilespmem:$0x12C00] =	vst v63  }
0x308: {  	s9 =	sadd.s32 $0x10DB8, s6;
	s10 =	sadd.s32 $0x70, s2;
	s2 =	sadd.s32 $0x1000, s2  }
0x309: {  	[hbm4b:s10+s3] =	stream.linear.scatter [tilespmem:s9], [sflag:$0x6], $0x80, $0x38;
	[tilespmem:$0x12C00] =	vst v63  }
0x30a: {  	s6 =	sadd.s32 $0x10A00, s0  }
0x30b: {  	[hbm4b:s2+s3] =	stream.linear.scatter [tilespmem:s6], [sflag:$0x6], $0x80, $0x38;
	[tilespmem:$0x12C00] =	vst v63  }
0x30c: {  	s31 =	sadd.s32 $0x10A88, s0;
	s8 =	sadd.s32 $0x10, s2  }
0x30d: {  	[hbm4b:s8+s3] =	stream.linear.scatter [tilespmem:s31], [sflag:$0x6], $0x80, $0x38;
	[tilespmem:$0x12C00] =	vst v63  }
0x30e: {  	s9 =	sadd.s32 $0x10B10, s0;
	s10 =	sadd.s32 $0x20, s2  }
0x30f: {  	[hbm4b:s10+s3] =	stream.linear.scatter [tilespmem:s9], [sflag:$0x6], $0x80, $0x38;
	[tilespmem:$0x12C00] =	vst v63  }
0x310: {  	s30 =	sadd.s32 $0x10B98, s0;
	s31 =	sadd.s32 $0x30, s2  }
0x311: {  	[hbm4b:s31+s3] =	stream.linear.scatter [tilespmem:s30], [sflag:$0x6], $0x80, $0x38;
	[tilespmem:$0x12C00] =	vst v63  }
0x312: {  	s9 =	sadd.s32 $0x10C20, s0;
	s10 =	sadd.s32 $0x40, s2  }
0x313: {  	[hbm4b:s10+s3] =	stream.linear.scatter [tilespmem:s9], [sflag:$0x6], $0x80, $0x38;
	[tilespmem:$0x12C00] =	vst v63  }
0x314: {  	p0 =	sgt.u32 s29, $0xC5;
	s30 =	sadd.s32 $0x10CA8, s0;
	s31 =	sadd.s32 $0x50, s2  }
0x315: {  	[hbm4b:s31+s3] =	stream.linear.scatter [tilespmem:s30], [sflag:$0x6], $0x80, $0x38;
	[tilespmem:$0x12C00] =	vst v63  }
0x316: {  	s26 =	sadd.s32 $0x1, s26;
	s9 =	sadd.s32 $0x10D30, s0;
	s10 =	sadd.s32 $0x60, s2  }
0x317: {  	[hbm4b:s10+s3] =	stream.linear.scatter [tilespmem:s9], [sflag:$0x6], $0x80, $0x38;
	[tilespmem:$0x12C00] =	vst v63  }
0x318: {  	s30 =	sadd.s32 $0x10DB8, s0;
	s31 =	sadd.s32 $0x70, s2;
	s0 =	sadd.s32 @!p0 $0x280, s28  }
0x319: {  	[hbm4b:s31+s3] =	stream.linear.scatter [tilespmem:s30], [sflag:$0x6], $0x80, $0x38;
	[tilespmem:$0x12C00] =	vst v63  }
0x31a: {  	s6 =	simm.s32 @!p0 $0x8400;
	s2 =	simm.s32 @!p0 $0x80;
	s0 =	sand.u32 @!p0 $0xFE80, s0  }
0x31b: {  	[tilespmem:s6], [sflag:$0x2] =	stream.indirect.gather @!p0 [hbm4b:s5+s2], $0x40, s0, s2, $0xb8;
	[tilespmem:$0x12C00] =	vst v63  }
0x31c: {  	p0 =	sne.s32 s26, $0x32  }
.Ltmp8:
0x31d: {  	_ = 	snop;
	(pc) =	sbr.rel @p0 .LBB2_2-.Ltmp8, $4  }
0x31e: {  	v7 =	vld [tilespmem:$0x1FF00]  }
0x31f: {  	v23 =	vld [tilespmem:$0x1FF90]  }
0x320: {  	v27 =	vld [tilespmem:$0x1FFB0]  }
0x321: {  	v2 =	vld [tilespmem:$0x1FF80];
	v0 =	vmovc v51;
	v10 =	vmovc v52;
	v30 =	vmov v50;
	v28 =	vmov v49;
	v62 =	vmov v53  }
0x322: {  	_ =	swait.ge [sflag:s21], $0x2000  }
0x323: {  	[sflag:s21] =	ssyncset.done $0x0  }
0x324: {  	[sflag:s21] =	ssyncadd.s32 $0xFFFFE000  }
0x325: {  	_ =	swait.ge [sflag:s22], $0x2000  }
0x326: {  	[sflag:s22] =	ssyncset.done $0x0  }
0x327: {  	[sflag:s22] =	ssyncadd.s32 $0xFFFFE000  }
0x328: {  	_ =	swait.ge [sflag:s23], $0x2000  }
0x329: {  	[sflag:s23] =	ssyncset.done $0x0  }
0x32a: {  	[sflag:s23] =	ssyncadd.s32 $0xFFFFE000  }
0x32b: {  	_ =	swait.ge [sflag:s24], $0x2000  }
0x32c: {  	s25 =	sadd.s32 $0x1, s25;
	s0 =	rddreg [dreg:$0x5]  }
0x32d: {  	p0 =	sne.s32 s25, s0  }
.Ltmp9:
0x32e: {  	_ = 	snop;
	(pc) =	sbr.rel @p0 .LBB2_1-.Ltmp9, $3  }
0x32f: {  	_ =	sdelay $0x1  }
0x330: {  	[sflag:s24] =	ssyncset.done $0x0  }
0x331: {  	v13 =	vmov v30;
	[sflag:s24] =	ssyncadd.s32 $0xFFFFE000  }
0x332: {  	_ =	sfence.sel $0x180000  }
0x333: {  	[bflag:$0x0] =	sbarrier.arrive $0xFFFF  }
0x334: {  	_ =	strace $0x90000047  }
0x335: {  	s0 =	stileid.u32;
	[bflag:$0x2] =	sbarrier.arrive $0xFFFF  }
0x336: {  	p0 =	sne.s32 s0, $0x0;
	s0 =	rddreg [dreg:$0x3]  }
0x337: {  	s0 =	sadd.s32 @!p0 $0x100000, s0  }
0x338: {  	[sflag:s0] =	ssyncadd.tile.s32 @!p0 $0x1;
	_ =	shalt  }
.Lfunc_end2:
_tile_overlayer_lowered:
.L_overlay_start_2:
0x339: {  	(tag) =	ssettag $0x2  }
0x33a: {  	s0 =	rddreg [dreg:$0x0];
	s2 =	stileid.u32  }
0x33b: {  	s1 =	rddreg [dreg:$0x1];
	p0 =	sne.s32 s2, $0x0  }
0x33c: {  	s3 =	rddreg [dreg:$0x2];
	[bflag:$0x3] =	sbarrier.arrive $0xFFFF;
	s2 =	simm.s32 @!p0 $0x1C07  }
0x33d: {  	[timem:s3], [sflag:s2] =	dma.local @!p0 [hbm:s0], s1  }
0x33e: {  	s0 =	simm.s32 @!p0 $0x7  }
0x33f: {  	_ =	swait.ge @!p0 [sflag:s0], s1  }
0x340: {  	s1 =	ssub.s32 @!p0 $0x0, s1;
	[sflag:s0] =	ssyncset.done @!p0 $0x0  }
0x341: {  	[sflag:s0] =	ssyncadd.s32 @!p0 s1  }
0x342: {  	[bflag:$0x3] =	sbarrier.arrive $0xFFFF  }
0x343: {  	_ =	shalt  }

</sc_bundles>
